<compile_context>
chip_gen: v7x
topology: tpu7x:2x2x1
jax: 0.10.2.dev20260603
libtpu: 0.0.44.dev20260713+nightly
codegen_flags: <defaults>
</compile_context>

<pallas_src>
import math

import jax
import jax.numpy as jnp
from jax import lax
from jax.experimental import pallas as pl
from jax.experimental.pallas import tpu as pltpu
from jax.experimental.pallas import tpu_sc as plsc

_N = 10000
_D = 128
_B = 2
_NEG = 4
_E = 160000
_CH = 10240
_NP = 10240
_NT = _B * _NEG
_NSPEC = _B + _NT
_NC = 2
_NSUB = 16
_NW = _NC * _NSUB
_EPW = _E // _NW
_DROWS = _NP // 16
_CSLEN = _NSPEC * _NP + 16



_UNROLL = 2


def _hist_body(ei_hbm, spec_hbm, zcs_hbm, zi_hbm,
               out_deg_hbm, out_cs_hbm,
               e0_v, e1_v, spec_v, hist_v, smark_v, ones_v, shared_cs):
    cid = lax.axis_index("c")
    sid = lax.axis_index("s")
    wid = sid * _NC + cid
    base = wid * _EPW

    @pl.when(sid == 0)
    def _():
        pltpu.sync_copy(zcs_hbm, shared_cs)

    pltpu.sync_copy(ei_hbm.at[pl.ds(base, _EPW)], e0_v.at[pl.ds(0, _EPW)])
    pltpu.sync_copy(ei_hbm.at[pl.ds(_E + base, _EPW)],
                    e1_v.at[pl.ds(0, _EPW)])
    pltpu.sync_copy(spec_hbm, spec_v)
    pltpu.sync_copy(zcs_hbm.at[pl.ds(0, _NP)], hist_v)
    pltpu.sync_copy(zi_hbm, smark_v)
    ones_v[...] = jnp.ones((16,), jnp.float32)

    ones = jnp.ones((16,), jnp.float32)
    lane = lax.iota(jnp.int32, 16)
    bitvals = jnp.where(lane < _NSPEC, jnp.left_shift(1, lane), 0)
    plsc.addupdate_scatter(smark_v, [spec_v[...]], bitvals)
    plsc.subcore_barrier()

    def halfbody(start):
        valid = lane < (_EPW - start)
        a = e0_v[pl.ds(start, 16)]
        b = e1_v[pl.ds(start, 16)]
        plsc.addupdate_scatter(hist_v, [a], ones, mask=valid)
        plsc.addupdate_scatter(hist_v, [b], ones, mask=valid)
        ma = plsc.load_gather(smark_v, [a], mask=valid)
        mb = plsc.load_gather(smark_v, [b], mask=valid)

        @pl.when(jnp.any(valid & ((ma | mb) != 0)))
        def _():
            for s in range(_NSPEC):
                bit = jnp.int32(1 << s)
                m0 = valid & ((ma & bit) != 0)

                @pl.when(jnp.any(m0))
                def _():
                    idx = jnp.where(m0, s * _NP + b, _NSPEC * _NP + lane)
                    pltpu.sync_copy(ones_v, shared_cs.at[idx], add=True)

                m1 = valid & ((mb & bit) != 0)

                @pl.when(jnp.any(m1))
                def _():
                    idx = jnp.where(m1, s * _NP + a, _NSPEC * _NP + lane)
                    pltpu.sync_copy(ones_v, shared_cs.at[idx], add=True)

    def body(j, carry):
        for k in range(_UNROLL):
            halfbody(j * 16 * _UNROLL + k * 16)
        return carry

    lax.fori_loop(0, (_EPW + 16 * _UNROLL - 1) // (16 * _UNROLL), body, 0)

    pltpu.sync_copy(hist_v, out_deg_hbm.at[wid])
    plsc.subcore_barrier()

    @pl.when(sid == 0)
    def _():
        pltpu.sync_copy(shared_cs, out_cs_hbm.at[cid])


def _sc_histograms(ei, spec):
    zcs = jnp.zeros((_CSLEN,), jnp.float32)
    zi = jnp.zeros((_NP,), jnp.int32)
    mesh = plsc.VectorSubcoreMesh(core_axis_name="c", subcore_axis_name="s",
                                  num_cores=_NC, num_subcores=_NSUB)
    epad = _EPW + 16 * _UNROLL
    f = pl.kernel(
        _hist_body,
        out_type=(jax.ShapeDtypeStruct((_NW, _NP), jnp.float32),
                  jax.ShapeDtypeStruct((_NC, _CSLEN), jnp.float32)),
        mesh=mesh,
        compiler_params=pltpu.CompilerParams(needs_layout_passes=False),
        scratch_types=[
            pltpu.VMEM((epad,), jnp.int32),
            pltpu.VMEM((epad,), jnp.int32),
            pltpu.VMEM((16,), jnp.int32),
            pltpu.VMEM((_NP,), jnp.float32),
            pltpu.VMEM((_NP,), jnp.int32),
            pltpu.VMEM((16,), jnp.float32),
            pltpu.VMEM_SHARED((_CSLEN,), jnp.float32),
        ],
    )
    return f(ei, spec, zcs, zi)



_NCH = _NP // _CH


def _c0dot(w_ref, x):
    return jnp.dot(w_ref[...], x, preferred_element_type=jnp.float32)


def _dense_body(degp_ref, csp_ref, hsht_ref, relt_ref, stht_ref,
                w0t_ref, wlht_ref, wlqt_ref, wm1t_ref, wm2t_ref, w1t_ref,
                b0t_ref, b1t_ref, blint_ref, bm1t_ref, bm2_ref,
                h0_ref, t_ref, out_ref, aggsum_ref, aggmax_ref, degt_ref,
                degsum_ref, const_ref, mean_ref):
    i = pl.program_id(0)

    @pl.when(i == 0)
    def _():
        acc = degp_ref[0:1, :]
        for w in range(1, _NW):
            acc = acc + degp_ref[w:w + 1, :]
        degsum_ref[...] = acc
        mean_ref[0, 0] = jnp.sum(jnp.log(acc + 1.0)) / float(_N)

        relt = relt_ref[...]
        hsht = hsht_ref[...]
        gate0 = jax.nn.sigmoid(
            jnp.sum(stht_ref[...] * relt, axis=0, keepdims=True)
            / math.sqrt(float(_D)))
        mt = gate0 * hsht * relt
        const_ref[:, 0:_B] = _c0dot(w0t_ref, mt)
        const_ref[:, _B:2 * _B] = _c0dot(w0t_ref, jnp.maximum(mt, 0.0))
        const_ref[:, 2 * _B:3 * _B] = \
            _c0dot(wlqt_ref, relt) + blint_ref[...]
        const_ref[:, 3 * _B:4 * _B] = hsht * relt

    mean_ld = mean_ref[0, 0]
    off = i * _CH
    deg = degsum_ref[0:1, pl.ds(off, _CH)]
    scal = jnp.log(deg + 1.0) / mean_ld
    degc = jnp.maximum(deg, 1.0)
    lane_ids = lax.broadcasted_iota(jnp.int32, (1, _CH), 1) + off

    def csrow(s):
        return (csp_ref[0:1, pl.ds(s * _NP + off, _CH)]
                + csp_ref[1:2, pl.ds(s * _NP + off, _CH)])

    for bb in range(_B):
        cb = csrow(bb)
        sbt = jnp.concatenate(
            [csrow(_B + bb * _NEG + k) for k in range(_NEG)], axis=0)
        u_b = const_ref[:, bb:bb + 1]
        w_b = const_ref[:, _B + bb:_B + bb + 1]
        q_b = const_ref[:, 2 * _B + bb:2 * _B + bb + 1]
        bnd_b = const_ref[:, 3 * _B + bb:3 * _B + bb + 1]

        a_coef = scal * cb / degc \
            + jnp.where((cb > 0) & (cb == deg), scal, 0.0)
        b_coef = jnp.where((cb > 0) & (cb < deg), scal, 0.0)
        hid1 = jnp.maximum(u_b * a_coef + w_b * b_coef + b0t_ref[...], 0.0)
        hid1 = hid1 + jnp.where(lane_ids == h0_ref[bb], 1.0, 0.0) * bnd_b

        z1 = jnp.maximum(_c0dot(wlht_ref, hid1) + q_b, 0.0)
        z2 = jnp.maximum(_c0dot(wm1t_ref, z1) + bm1t_ref[...], 0.0)
        s1 = _c0dot(wm2t_ref, z2) + bm2_ref[...]
        gate1 = jax.nn.sigmoid(s1)
        g = gate1 * hid1

        part_sum = lax.dot_general(g, sbt, (((1,), (1,)), ((), ())),
                                   preferred_element_type=jnp.float32)
        neg_inf = jnp.float32(-jnp.inf)
        maxes = []
        degts = []
        for k in range(_NEG):
            gm = jnp.where(sbt[k:k + 1, :] > 0.0, g, neg_inf)
            maxes.append(jnp.max(gm, axis=1, keepdims=True))
            degts.append(jnp.sum(sbt[k:k + 1, :], axis=1, keepdims=True))
        part_max = jnp.concatenate(maxes, axis=1)
        part_degt = jnp.concatenate(degts, axis=1)

        lo, hi = bb * _NEG, (bb + 1) * _NEG

        @pl.when(i == 0)
        def _():
            aggsum_ref[:, lo:hi] = part_sum
            aggmax_ref[:, lo:hi] = part_max
            degt_ref[:, lo:hi] = part_degt

        @pl.when(i > 0)
        def _():
            aggsum_ref[:, lo:hi] = aggsum_ref[:, lo:hi] + part_sum
            aggmax_ref[:, lo:hi] = jnp.maximum(aggmax_ref[:, lo:hi], part_max)
            degt_ref[:, lo:hi] = degt_ref[:, lo:hi] + part_degt

    @pl.when(i == _NCH - 1)
    def _():
        degt = degt_ref[...]
        scal_t = jnp.log(degt + 1.0) / mean_ld
        agg2 = (aggsum_ref[...] / jnp.maximum(degt, 1.0)
                + jnp.where(degt > 0, aggmax_ref[...], 0.0)) * scal_t
        hid2 = jnp.maximum(_c0dot(w1t_ref, agg2) + b1t_ref[...], 0.0)

        bnd8 = jnp.concatenate(
            [const_ref[:, 3 * _B + bb:3 * _B + bb + 1]
             for bb in range(_B) for _ in range(_NEG)], axis=1)
        q8 = jnp.concatenate(
            [const_ref[:, 2 * _B + bb:2 * _B + bb + 1]
             for bb in range(_B) for _ in range(_NEG)], axis=1)
        tmatch = jnp.concatenate(
            [jnp.where(t_ref[bb * _NEG + k] == h0_ref[bb],
                       1.0, 0.0).reshape(1, 1)
             for bb in range(_B) for k in range(_NEG)], axis=1)
        hid2 = hid2 + tmatch * bnd8

        z1f = jnp.maximum(_c0dot(wlht_ref, hid2) + q8, 0.0)
        z2f = jnp.maximum(_c0dot(wm1t_ref, z1f) + bm1t_ref[...], 0.0)
        s2 = _c0dot(wm2t_ref, z2f) + bm2_ref[...]
        out_ref[...] = s2


def kernel(h_index, r_index, t_index, hidden_states, rel_hidden_states, x,
           edge_index, score_text_embs, all_index, rel_table, W0, b0, W1, b1,
           W_lin, b_lin, W_mlp1, b_mlp1, W_mlp2, b_mlp2):
    ei = edge_index.astype(jnp.int32).reshape(-1)
    h0 = h_index[:, 0].astype(jnp.int32)
    r0 = r_index[:, 0].astype(jnp.int32)
    t = t_index.astype(jnp.int32).reshape(-1)

    spec = jnp.concatenate(
        [h0, t, _N + jnp.arange(16 - _NSPEC, dtype=jnp.int32)])
    degp, cs_part = _sc_histograms(ei, spec)

    relt = rel_table[r0].T
    hsht = hidden_states[h0].T
    stht = score_text_embs[h0].T

    full = lambda shape: pl.BlockSpec(shape, lambda i: (0,) * len(shape))
    out = pl.pallas_call(
        _dense_body,
        grid=(_NCH,),
        in_specs=[
            full((_NW, _NP)), full((_NC, _CSLEN)),
            full((_D, _B)), full((_D, _B)), full((_D, _B)),
            full((_D, _D)), full((_D, _D)), full((_D, _D)),
            full((2 * _D, _D)), full((1, 2 * _D)), full((_D, _D)),
            full((_D, 1)), full((_D, 1)), full((_D, 1)),
            full((2 * _D, 1)), full((1, 1)),
            pl.BlockSpec(memory_space=pltpu.SMEM),
            pl.BlockSpec(memory_space=pltpu.SMEM),
        ],
        out_specs=pl.BlockSpec((1, _NT), lambda i: (0, 0)),
        out_shape=jax.ShapeDtypeStruct((1, _NT), jnp.float32),
        scratch_shapes=[
            pltpu.VMEM((_D, _NT), jnp.float32),
            pltpu.VMEM((_D, _NT), jnp.float32),
            pltpu.VMEM((1, _NT), jnp.float32),
            pltpu.VMEM((1, _NP), jnp.float32),
            pltpu.VMEM((_D, 4 * _B), jnp.float32),
            pltpu.SMEM((1, 1), jnp.float32),
        ],
    )(degp, cs_part, hsht, relt, stht,
      W0.T, W_lin[:_D].T, W_lin[_D:].T, W_mlp1.T, W_mlp2.T, W1.T,
      b0.reshape(_D, 1), b1.reshape(_D, 1), b_lin.reshape(_D, 1),
      b_mlp1.reshape(2 * _D, 1), b_mlp2.reshape(1, 1), h0, t)
    return out.reshape(_B, _NEG)

# --- scband reference (transcript-rebuilt; emitter-appended) ---
"""Pipeline reference for scband-conditioned-pna-15341623181929 (READ-ONLY COPY).

The authoritative reference and input builder live on the scoring server;
editing this copy changes nothing except your own understanding.
"""

import jax, jax.numpy as jnp
import numpy as np

N = 10000
E = 160000
D = 128
B = 2
NEG = 4
NUM_REL = 16


def setup_inputs(seed: int = 0) -> dict:
    key = jax.random.key(seed)
    ks = jax.random.split(key, 24)
    inp = {}
    inp["h_index"] = jax.random.randint(ks[0], (B, NEG), 0, N)
    inp["r_index"] = jax.random.randint(ks[1], (B, NEG), 0, 2 * NUM_REL)
    inp["t_index"] = jax.random.randint(ks[2], (B, NEG), 0, N)
    inp["hidden_states"] = jax.random.normal(ks[3], (N, D), jnp.float32)
    inp["rel_hidden_states"] = jax.random.normal(ks[4], (2 * NUM_REL, D), jnp.float32)
    inp["x"] = jax.random.normal(ks[5], (N, D), jnp.float32)
    inp["edge_index"] = jax.random.randint(ks[6], (2, E), 0, N)
    inp["score_text_embs"] = jax.random.normal(ks[7], (N, D), jnp.float32)
    inp["all_index"] = jnp.arange(N)
    inp["rel_table"] = jax.random.normal(ks[8], (2 * NUM_REL, D), jnp.float32) * 0.02
    inp["W0"] = jax.random.normal(ks[9], (D, D), jnp.float32) / np.sqrt(D)
    inp["b0"] = jnp.zeros((D,), jnp.float32)
    inp["W1"] = jax.random.normal(ks[10], (D, D), jnp.float32) / np.sqrt(D)
    inp["b1"] = jnp.zeros((D,), jnp.float32)
    inp["W_lin"] = jax.random.normal(ks[11], (2 * D, D), jnp.float32) / np.sqrt(2 * D)
    inp["b_lin"] = jnp.zeros((D,), jnp.float32)
    inp["W_mlp1"] = jax.random.normal(ks[12], (D, 2 * D), jnp.float32) / np.sqrt(D)
    inp["b_mlp1"] = jnp.zeros((2 * D,), jnp.float32)
    inp["W_mlp2"] = jax.random.normal(ks[13], (2 * D, 1), jnp.float32) / np.sqrt(2 * D)
    inp["b_mlp2"] = jnp.zeros((1,), jnp.float32)
    return inp


def reference(h_index, r_index, t_index, hidden_states, rel_hidden_states, x, edge_index,
              score_text_embs, all_index, rel_table, W0, b0, W1, b1,
              W_lin, b_lin, W_mlp1, b_mlp1, W_mlp2, b_mlp2):
    # to_undirected
    ei = jnp.concatenate([edge_index, edge_index[::-1]], axis=1)
    # _repeat_graph: B copies with node offsets
    offsets = (jnp.arange(B) * N).astype(ei.dtype)
    src = (ei[0][None, :] + offsets[:, None]).reshape(-1)
    dst = (ei[1][None, :] + offsets[:, None]).reshape(-1)
    Ntot = B * N
    h0 = h_index[:, 0]
    r0 = r_index[:, 0]
    h_glob = h0 + offsets
    t_glob = t_index + offsets[:, None]
    # conditioned relation embedding (self.rel_embedding)
    rel_embeds = rel_table[r0]
    # init_input_embeds: zero boundary except head nodes (conditioned by relation)
    boundary = jnp.zeros((Ntot, D), hidden_states.dtype).at[h_glob].set(hidden_states[h0] * rel_embeds)
    node_query = jnp.repeat(rel_embeds, N, axis=0)
    text = jnp.tile(score_text_embs, (B, 1))
    score = jnp.sum(text * node_query, axis=-1) / jnp.sqrt(float(D))
    # PNA degree statistics
    deg = jnp.zeros((Ntot,), jnp.float32).at[dst].add(1.0)
    log_deg = jnp.log(deg + 1.0)
    pna_degree_mean = log_deg.mean()
    scaler = (log_deg / pna_degree_mean)[:, None]
    hidden = boundary
    for W, b in ((W0, b0), (W1, b1)):
        gate = jax.nn.sigmoid(score)
        msg = gate[src][:, None] * hidden[src]
        agg_sum = jax.ops.segment_sum(msg, dst, num_segments=Ntot)
        agg_mean = agg_sum / jnp.maximum(deg, 1.0)[:, None]
        agg_max = jax.ops.segment_max(msg, dst, num_segments=Ntot)
        agg_max = jnp.where(deg[:, None] > 0, agg_max, 0.0)
        agg = (agg_mean + agg_max) * scaler
        hidden = jax.nn.relu(agg @ W + b) + boundary
        feat = jnp.concatenate([hidden, node_query], axis=-1)
        z = jax.nn.relu(feat @ W_lin + b_lin)
        z = jax.nn.relu(z @ W_mlp1 + b_mlp1)
        score = (z @ W_mlp2 + b_mlp2)[:, 0]
    return score[t_glob]

if __name__ == "__main__":
    import jax
    _d = setup_inputs()
    print(jax.jit(kernel)(*tuple(_d.values())))

</pallas_src>

<mosaic_0001>
#map = affine_map<(d0, d1) -> (0)>
#map1 = affine_map<(d0, d1) -> (0, 0)>
module attributes {stable_mosaic.version = 14 : i64} {
  func.func @_hist_body(%arg0: i32, %arg1: i32, %arg2: memref<320000xi32, #tpu.memory_space<hbm>>, %arg3: memref<16xi32, #tpu.memory_space<hbm>>, %arg4: memref<102416xf32, #tpu.memory_space<hbm>>, %arg5: memref<10240xi32, #tpu.memory_space<hbm>>, %arg6: memref<32x10240xf32, #tpu.memory_space<hbm>>, %arg7: memref<2x102416xf32, #tpu.memory_space<hbm>>, %arg8: memref<5032xi32, #tpu.memory_space<vmem>>, %arg9: memref<5032xi32, #tpu.memory_space<vmem>>, %arg10: memref<16xi32, #tpu.memory_space<vmem>>, %arg11: memref<10240xf32, #tpu.memory_space<vmem>>, %arg12: memref<10240xi32, #tpu.memory_space<vmem>>, %arg13: memref<16xf32, #tpu.memory_space<vmem>>, %arg14: memref<102416xf32, #tpu.memory_space<vmem_shared>>) attributes {dimension_semantics = [#tpu.dimension_semantics<core_parallel>, #tpu.dimension_semantics<subcore_parallel>], iteration_bounds = array<i64: 2, 16>, scalar_prefetch = 0 : i64, scratch_operands = 7 : i64, tpu.core_type = #tpu.core_type<sc_vector_subcore>, window_params = [{transform_indices = #map}, {transform_indices = #map}, {transform_indices = #map}, {transform_indices = #map}, {transform_indices = #map1}, {transform_indices = #map1}]} {
    %mul3A = arith.constant 2 : i32
    %mul3A_0 = arith.muli %arg1, %mul3A : i32
    %add3A = arith.addi %mul3A_0, %arg0 : i32
    %mul3A_1 = arith.constant 5000 : i32
    %mul3A_2 = arith.muli %add3A, %mul3A_1 : i32
    %eq3A = arith.constant 0 : i32
    %eq3A_3 = arith.cmpi eq, %arg1, %eq3A : i32
    %convert_element_type3A = arith.extui %eq3A_3 : i1 to i32
    %cond3A = arith.constant 0 : i32
    %cond3A_4 = arith.cmpi ne, %convert_element_type3A, %cond3A : i32
    scf.if %cond3A_4 {
      "tpu.region"() ({
        %run_scoped3A = tpu.sem_alloc : memref<!tpu.dma_semaphore, #tpu.memory_space<semaphore_mem>>
        tpu.enqueue_dma source(%arg4 : memref<102416xf32, #tpu.memory_space<hbm>>) target(%arg14 : memref<102416xf32, #tpu.memory_space<vmem_shared>>) target_semaphore(%run_scoped3A : memref<!tpu.dma_semaphore, #tpu.memory_space<semaphore_mem>>)
        tpu.wait_dma2 semaphore(%run_scoped3A : memref<!tpu.dma_semaphore, #tpu.memory_space<semaphore_mem>>) src(%arg4 : memref<102416xf32, #tpu.memory_space<hbm>>) dst(%arg14 : memref<102416xf32, #tpu.memory_space<vmem_shared>>)
        tpu.yield
      }) : () -> ()
    } else {
    }
    "tpu.region"() ({
      %run_scoped3A = tpu.sem_alloc : memref<!tpu.dma_semaphore, #tpu.memory_space<semaphore_mem>>
      %dma_start3A = arith.constant 0 : i32
      %dma_start3A_28 = tpu.memref_slice %arg8[%dma_start3A] : memref<5032xi32, #tpu.memory_space<vmem>> -> memref<5000xi32, #tpu.memory_space<vmem>>
      %dma_start3A_29 = tpu.memref_slice %arg2[%mul3A_2] : memref<320000xi32, #tpu.memory_space<hbm>> -> memref<5000xi32, #tpu.memory_space<hbm>>
      %dma_start3A_30 = arith.constant 0 : i32
      %dma_start3A_31 = tpu.memref_slice %arg8[%dma_start3A_30] : memref<5032xi32, #tpu.memory_space<vmem>> -> memref<5000xi32, #tpu.memory_space<vmem>>
      %dma_start3A_32 = tpu.memref_slice %arg2[%mul3A_2] : memref<320000xi32, #tpu.memory_space<hbm>> -> memref<5000xi32, #tpu.memory_space<hbm>>
      tpu.enqueue_dma source(%dma_start3A_32 : memref<5000xi32, #tpu.memory_space<hbm>>) target(%dma_start3A_31 : memref<5000xi32, #tpu.memory_space<vmem>>) target_semaphore(%run_scoped3A : memref<!tpu.dma_semaphore, #tpu.memory_space<semaphore_mem>>)
      %dma_wait3A = arith.constant 0 : i32
      %dma_wait3A_33 = tpu.memref_slice %arg8[%dma_wait3A] : memref<5032xi32, #tpu.memory_space<vmem>> -> memref<5000xi32, #tpu.memory_space<vmem>>
      %dma_wait3A_34 = tpu.memref_slice %arg2[%mul3A_2] : memref<320000xi32, #tpu.memory_space<hbm>> -> memref<5000xi32, #tpu.memory_space<hbm>>
      %dma_wait3A_35 = arith.constant 0 : i32
      %dma_wait3A_36 = tpu.memref_slice %arg8[%dma_wait3A_35] : memref<5032xi32, #tpu.memory_space<vmem>> -> memref<5000xi32, #tpu.memory_space<vmem>>
      %dma_wait3A_37 = tpu.memref_slice %arg2[%mul3A_2] : memref<320000xi32, #tpu.memory_space<hbm>> -> memref<5000xi32, #tpu.memory_space<hbm>>
      tpu.wait_dma2 semaphore(%run_scoped3A : memref<!tpu.dma_semaphore, #tpu.memory_space<semaphore_mem>>) src(%dma_wait3A_37 : memref<5000xi32, #tpu.memory_space<hbm>>) dst(%dma_wait3A_36 : memref<5000xi32, #tpu.memory_space<vmem>>)
      tpu.yield
    }) : () -> ()
    %add3A_5 = arith.constant 160000 : i32
    %add3A_6 = arith.addi %add3A_5, %mul3A_2 : i32
    "tpu.region"() ({
      %run_scoped3A = tpu.sem_alloc : memref<!tpu.dma_semaphore, #tpu.memory_space<semaphore_mem>>
      %dma_start3A = arith.constant 0 : i32
      %dma_start3A_28 = tpu.memref_slice %arg9[%dma_start3A] : memref<5032xi32, #tpu.memory_space<vmem>> -> memref<5000xi32, #tpu.memory_space<vmem>>
      %dma_start3A_29 = tpu.memref_slice %arg2[%add3A_6] : memref<320000xi32, #tpu.memory_space<hbm>> -> memref<5000xi32, #tpu.memory_space<hbm>>
      %dma_start3A_30 = arith.constant 0 : i32
      %dma_start3A_31 = tpu.memref_slice %arg9[%dma_start3A_30] : memref<5032xi32, #tpu.memory_space<vmem>> -> memref<5000xi32, #tpu.memory_space<vmem>>
      %dma_start3A_32 = tpu.memref_slice %arg2[%add3A_6] : memref<320000xi32, #tpu.memory_space<hbm>> -> memref<5000xi32, #tpu.memory_space<hbm>>
      tpu.enqueue_dma source(%dma_start3A_32 : memref<5000xi32, #tpu.memory_space<hbm>>) target(%dma_start3A_31 : memref<5000xi32, #tpu.memory_space<vmem>>) target_semaphore(%run_scoped3A : memref<!tpu.dma_semaphore, #tpu.memory_space<semaphore_mem>>)
      %dma_wait3A = arith.constant 0 : i32
      %dma_wait3A_33 = tpu.memref_slice %arg9[%dma_wait3A] : memref<5032xi32, #tpu.memory_space<vmem>> -> memref<5000xi32, #tpu.memory_space<vmem>>
      %dma_wait3A_34 = tpu.memref_slice %arg2[%add3A_6] : memref<320000xi32, #tpu.memory_space<hbm>> -> memref<5000xi32, #tpu.memory_space<hbm>>
      %dma_wait3A_35 = arith.constant 0 : i32
      %dma_wait3A_36 = tpu.memref_slice %arg9[%dma_wait3A_35] : memref<5032xi32, #tpu.memory_space<vmem>> -> memref<5000xi32, #tpu.memory_space<vmem>>
      %dma_wait3A_37 = tpu.memref_slice %arg2[%add3A_6] : memref<320000xi32, #tpu.memory_space<hbm>> -> memref<5000xi32, #tpu.memory_space<hbm>>
      tpu.wait_dma2 semaphore(%run_scoped3A : memref<!tpu.dma_semaphore, #tpu.memory_space<semaphore_mem>>) src(%dma_wait3A_37 : memref<5000xi32, #tpu.memory_space<hbm>>) dst(%dma_wait3A_36 : memref<5000xi32, #tpu.memory_space<vmem>>)
      tpu.yield
    }) : () -> ()
    "tpu.region"() ({
      %run_scoped3A = tpu.sem_alloc : memref<!tpu.dma_semaphore, #tpu.memory_space<semaphore_mem>>
      tpu.enqueue_dma source(%arg3 : memref<16xi32, #tpu.memory_space<hbm>>) target(%arg10 : memref<16xi32, #tpu.memory_space<vmem>>) target_semaphore(%run_scoped3A : memref<!tpu.dma_semaphore, #tpu.memory_space<semaphore_mem>>)
      tpu.wait_dma2 semaphore(%run_scoped3A : memref<!tpu.dma_semaphore, #tpu.memory_space<semaphore_mem>>) src(%arg3 : memref<16xi32, #tpu.memory_space<hbm>>) dst(%arg10 : memref<16xi32, #tpu.memory_space<vmem>>)
      tpu.yield
    }) : () -> ()
    "tpu.region"() ({
      %run_scoped3A = tpu.sem_alloc : memref<!tpu.dma_semaphore, #tpu.memory_space<semaphore_mem>>
      %dma_start3A = arith.constant 0 : i32
      %dma_start3A_28 = tpu.memref_slice %arg4[%dma_start3A] : memref<102416xf32, #tpu.memory_space<hbm>> -> memref<10240xf32, #tpu.memory_space<hbm>>
      %dma_start3A_29 = arith.constant 0 : i32
      %dma_start3A_30 = tpu.memref_slice %arg4[%dma_start3A_29] : memref<102416xf32, #tpu.memory_space<hbm>> -> memref<10240xf32, #tpu.memory_space<hbm>>
      tpu.enqueue_dma source(%dma_start3A_30 : memref<10240xf32, #tpu.memory_space<hbm>>) target(%arg11 : memref<10240xf32, #tpu.memory_space<vmem>>) target_semaphore(%run_scoped3A : memref<!tpu.dma_semaphore, #tpu.memory_space<semaphore_mem>>)
      %dma_wait3A = arith.constant 0 : i32
      %dma_wait3A_31 = tpu.memref_slice %arg4[%dma_wait3A] : memref<102416xf32, #tpu.memory_space<hbm>> -> memref<10240xf32, #tpu.memory_space<hbm>>
      %dma_wait3A_32 = arith.constant 0 : i32
      %dma_wait3A_33 = tpu.memref_slice %arg4[%dma_wait3A_32] : memref<102416xf32, #tpu.memory_space<hbm>> -> memref<10240xf32, #tpu.memory_space<hbm>>
      tpu.wait_dma2 semaphore(%run_scoped3A : memref<!tpu.dma_semaphore, #tpu.memory_space<semaphore_mem>>) src(%dma_wait3A_33 : memref<10240xf32, #tpu.memory_space<hbm>>) dst(%arg11 : memref<10240xf32, #tpu.memory_space<vmem>>)
      tpu.yield
    }) : () -> ()
    "tpu.region"() ({
      %run_scoped3A = tpu.sem_alloc : memref<!tpu.dma_semaphore, #tpu.memory_space<semaphore_mem>>
      tpu.enqueue_dma source(%arg5 : memref<10240xi32, #tpu.memory_space<hbm>>) target(%arg12 : memref<10240xi32, #tpu.memory_space<vmem>>) target_semaphore(%run_scoped3A : memref<!tpu.dma_semaphore, #tpu.memory_space<semaphore_mem>>)
      tpu.wait_dma2 semaphore(%run_scoped3A : memref<!tpu.dma_semaphore, #tpu.memory_space<semaphore_mem>>) src(%arg5 : memref<10240xi32, #tpu.memory_space<hbm>>) dst(%arg12 : memref<10240xi32, #tpu.memory_space<vmem>>)
      tpu.yield
    }) : () -> ()
    %broadcast_in_dim3A = arith.constant 1.000000e+00 : f32
    %broadcast_in_dim3A_7 = vector.broadcast %broadcast_in_dim3A : f32 to vector<16xf32>
    %swap3A = arith.constant 0 : index
    %swap3A_8 = tpu.vector_load %arg13[%swap3A] {strides = array<i32>} : memref<16xf32, #tpu.memory_space<vmem>>, vector<16xf32>,
    tpu.vector_store %arg13[%swap3A], %broadcast_in_dim3A_7 {strides = array<i32>} : memref<16xf32, #tpu.memory_space<vmem>>, vector<16xf32>,
    %broadcast_in_dim3A_9 = arith.constant 1.000000e+00 : f32
    %broadcast_in_dim3A_10 = vector.broadcast %broadcast_in_dim3A_9 : f32 to vector<16xf32>
    %iota3A = tpu.iota {dimensions = array<i32: 0>} : vector<16xi32>
    %lt3A = arith.constant 10 : i32
    %lt3A_11 = vector.broadcast %lt3A : i32 to vector<16xi32>
    %lt3A_12 = arith.cmpi slt, %iota3A, %lt3A_11 : vector<16xi32>
    %shift_left3A = arith.constant 1 : i32
    %shift_left3A_13 = vector.broadcast %shift_left3A : i32 to vector<16xi32>
    %shift_left3A_14 = arith.shli %shift_left3A_13, %iota3A : vector<16xi32>
    %jit3A = arith.constant 0 : i32
    %broadcast_in_dim3A_15 = vector.broadcast %jit3A : i32 to vector<16xi32>
    %select_n3A = arith.select %lt3A_12, %shift_left3A_14, %broadcast_in_dim3A_15 : vector<16xi1>, vector<16xi32>
    %get3A = arith.constant 0 : index
    %get3A_16 = tpu.vector_load %arg10[%get3A] {strides = array<i32>} : memref<16xi32, #tpu.memory_space<vmem>>, vector<16xi32>,
    tpu.vector_store_idx %arg12[%get3A_16], %select_n3A {add = true} : memref<10240xi32, #tpu.memory_space<vmem>>[vector<16xi32>], vector<16xi32>,
    %barrier3A = arith.constant 0 : index
    tpu.barrier barrier_id(%barrier3A)
    %scan3A = arith.constant 0 : i32
    %scan3A_17 = arith.constant 0 : i32
    %scan3A_18 = arith.constant 157 : i32
    %scan3A_19 = arith.addi %scan3A_17, %scan3A_18 : i32
    %scan3A_20 = arith.constant 1 : i32
    scf.for %scan3A_28 = %scan3A_17 to %scan3A_19 step %scan3A_20  : i32 {
      %mul3A_29 = arith.constant 16 : i32
      %mul3A_30 = arith.muli %scan3A_28, %mul3A_29 : i32
      %mul3A_31 = arith.constant 2 : i32
      %mul3A_32 = arith.muli %mul3A_30, %mul3A_31 : i32
      %add3A_33 = arith.constant 0 : i32
      %add3A_34 = arith.addi %mul3A_32, %add3A_33 : i32
      %sub3A = arith.constant 5000 : i32
      %sub3A_35 = arith.subi %sub3A, %add3A_34 : i32
      %lt3A_36 = vector.broadcast %sub3A_35 : i32 to vector<16xi32>
      %lt3A_37 = arith.cmpi slt, %iota3A, %lt3A_36 : vector<16xi32>
      %get3A_38 = arith.index_cast %add3A_34 : i32 to index
      %get3A_39 = tpu.vector_load %arg8[%get3A_38] {strides = array<i32>} : memref<5032xi32, #tpu.memory_space<vmem>>, vector<16xi32>,
      %get3A_40 = arith.index_cast %add3A_34 : i32 to index
      %get3A_41 = tpu.vector_load %arg9[%get3A_40] {strides = array<i32>} : memref<5032xi32, #tpu.memory_space<vmem>>, vector<16xi32>,
      tpu.vector_store_idx %arg11[%get3A_39], %broadcast_in_dim3A_10 masked %lt3A_37 {add = true} : memref<10240xf32, #tpu.memory_space<vmem>>[vector<16xi32>], vector<16xf32>, vector<16xi1>
      tpu.vector_store_idx %arg11[%get3A_41], %broadcast_in_dim3A_10 masked %lt3A_37 {add = true} : memref<10240xf32, #tpu.memory_space<vmem>>[vector<16xi32>], vector<16xf32>, vector<16xi1>
      %gather3A = tpu.vector_load_idx %arg12[%get3A_39] masked %lt3A_37 : memref<10240xi32, #tpu.memory_space<vmem>>[vector<16xi32>], vector<16xi32>, vector<16xi1>
      %gather3A_42 = tpu.vector_load_idx %arg12[%get3A_41] masked %lt3A_37 : memref<10240xi32, #tpu.memory_space<vmem>>[vector<16xi32>], vector<16xi32>, vector<16xi1>
      %or3A = arith.ori %gather3A, %gather3A_42 : vector<16xi32>
      %ne3A = arith.constant 0 : i32
      %ne3A_43 = vector.broadcast %ne3A : i32 to vector<16xi32>
      %ne3A_44 = arith.cmpi ne, %or3A, %ne3A_43 : vector<16xi32>
      %and3A = arith.andi %lt3A_37, %ne3A_44 : vector<16xi1>
      %reduce_or3A = arith.constant 1.000000e+00 : f32
      %reduce_or3A_45 = arith.constant 0.000000e+00 : f32
      %reduce_or3A_46 = vector.broadcast %reduce_or3A : f32 to vector<16xf32>
      %reduce_or3A_47 = vector.broadcast %reduce_or3A_45 : f32 to vector<16xf32>
      %reduce_or3A_48 = arith.select %and3A, %reduce_or3A_46, %reduce_or3A_47 : vector<16xi1>, vector<16xf32>
      %reduce_or3A_49 = arith.constant true
      %reduce_or3A_50 = vector.broadcast %reduce_or3A_49 : i1 to vector<16xi1>
      %reduce_or3A_51 = tpu.scan <max>, %reduce_or3A_48 masked %reduce_or3A_50 : vector<16xf32>, vector<16xi1> -> vector<16xf32>
      %reduce_or3A_52 = vector.extract %reduce_or3A_51[15] : f32 from vector<16xf32>
      %reduce_or3A_53 = arith.constant 0.000000e+00 : f32
      %reduce_or3A_54 = arith.cmpf ogt, %reduce_or3A_52, %reduce_or3A_53 : f32
      %convert_element_type3A_55 = arith.extui %reduce_or3A_54 : i1 to i32
      %cond3A_56 = arith.constant 0 : i32
      %cond3A_57 = arith.cmpi ne, %convert_element_type3A_55, %cond3A_56 : i32
      scf.if %cond3A_57 {
        %and3A_93 = arith.constant 1 : i32
        %and3A_94 = vector.broadcast %and3A_93 : i32 to vector<16xi32>
        %and3A_95 = arith.andi %gather3A, %and3A_94 : vector<16xi32>
        %ne3A_96 = arith.constant 0 : i32
        %ne3A_97 = vector.broadcast %ne3A_96 : i32 to vector<16xi32>
        %ne3A_98 = arith.cmpi ne, %and3A_95, %ne3A_97 : vector<16xi32>
        %and3A_99 = arith.andi %lt3A_37, %ne3A_98 : vector<16xi1>
        %reduce_or3A_100 = arith.constant 1.000000e+00 : f32
        %reduce_or3A_101 = arith.constant 0.000000e+00 : f32
        %reduce_or3A_102 = vector.broadcast %reduce_or3A_100 : f32 to vector<16xf32>
        %reduce_or3A_103 = vector.broadcast %reduce_or3A_101 : f32 to vector<16xf32>
        %reduce_or3A_104 = arith.select %and3A_99, %reduce_or3A_102, %reduce_or3A_103 : vector<16xi1>, vector<16xf32>
        %reduce_or3A_105 = arith.constant true
        %reduce_or3A_106 = vector.broadcast %reduce_or3A_105 : i1 to vector<16xi1>
        %reduce_or3A_107 = tpu.scan <max>, %reduce_or3A_104 masked %reduce_or3A_106 : vector<16xf32>, vector<16xi1> -> vector<16xf32>
        %reduce_or3A_108 = vector.extract %reduce_or3A_107[15] : f32 from vector<16xf32>
        %reduce_or3A_109 = arith.constant 0.000000e+00 : f32
        %reduce_or3A_110 = arith.cmpf ogt, %reduce_or3A_108, %reduce_or3A_109 : f32
        %convert_element_type3A_111 = arith.extui %reduce_or3A_110 : i1 to i32
        %cond3A_112 = arith.constant 0 : i32
        %cond3A_113 = arith.cmpi ne, %convert_element_type3A_111, %cond3A_112 : i32
        scf.if %cond3A_113 {
          %add3A_513 = arith.constant 0 : i32
          %add3A_514 = vector.broadcast %add3A_513 : i32 to vector<16xi32>
          %add3A_515 = arith.addi %add3A_514, %get3A_41 : vector<16xi32>
          %add3A_516 = arith.constant 102400 : i32
          %add3A_517 = vector.broadcast %add3A_516 : i32 to vector<16xi32>
          %add3A_518 = arith.addi %add3A_517, %iota3A : vector<16xi32>
          %select_n3A_519 = arith.select %and3A_99, %add3A_515, %add3A_518 : vector<16xi1>, vector<16xi32>
          "tpu.region"() ({
            %run_scoped3A = tpu.sem_alloc : memref<!tpu.dma_semaphore, #tpu.memory_space<semaphore_mem>>
            %dma_start3A = arith.constant 0 : i32
            %dma_start3A_520 = tpu.memref_slice %arg14[%dma_start3A] : memref<102416xf32, #tpu.memory_space<vmem_shared>> -> memref<102416xf32, #tpu.memory_space<vmem_shared>>
            tpu.enqueue_indirect_dma source(%arg13 : memref<16xf32, #tpu.memory_space<vmem>>) target(%dma_start3A_520 : memref<102416xf32, #tpu.memory_space<vmem_shared>>) offsets(%select_n3A_519 : vector<16xi32>) semaphore(%run_scoped3A : memref<!tpu.dma_semaphore, #tpu.memory_space<semaphore_mem>>) {add = true}
            %dma_wait3A = arith.constant 0 : i32
            %dma_wait3A_521 = tpu.memref_slice %arg14[%dma_wait3A] : memref<102416xf32, #tpu.memory_space<vmem_shared>> -> memref<102416xf32, #tpu.memory_space<vmem_shared>>
            tpu.wait_indirect_dma semaphore(%run_scoped3A : memref<!tpu.dma_semaphore, #tpu.memory_space<semaphore_mem>>) src(%arg13 : memref<16xf32, #tpu.memory_space<vmem>>) dst(%dma_wait3A_521 : memref<102416xf32, #tpu.memory_space<vmem_shared>>)
            tpu.yield
          }) : () -> ()
        } else {
        }
        %and3A_114 = arith.constant 1 : i32
        %and3A_115 = vector.broadcast %and3A_114 : i32 to vector<16xi32>
        %and3A_116 = arith.andi %gather3A_42, %and3A_115 : vector<16xi32>
        %ne3A_117 = arith.constant 0 : i32
        %ne3A_118 = vector.broadcast %ne3A_117 : i32 to vector<16xi32>
        %ne3A_119 = arith.cmpi ne, %and3A_116, %ne3A_118 : vector<16xi32>
        %and3A_120 = arith.andi %lt3A_37, %ne3A_119 : vector<16xi1>
        %reduce_or3A_121 = arith.constant 1.000000e+00 : f32
        %reduce_or3A_122 = arith.constant 0.000000e+00 : f32
        %reduce_or3A_123 = vector.broadcast %reduce_or3A_121 : f32 to vector<16xf32>
        %reduce_or3A_124 = vector.broadcast %reduce_or3A_122 : f32 to vector<16xf32>
        %reduce_or3A_125 = arith.select %and3A_120, %reduce_or3A_123, %reduce_or3A_124 : vector<16xi1>, vector<16xf32>
        %reduce_or3A_126 = arith.constant true
        %reduce_or3A_127 = vector.broadcast %reduce_or3A_126 : i1 to vector<16xi1>
        %reduce_or3A_128 = tpu.scan <max>, %reduce_or3A_125 masked %reduce_or3A_127 : vector<16xf32>, vector<16xi1> -> vector<16xf32>
        %reduce_or3A_129 = vector.extract %reduce_or3A_128[15] : f32 from vector<16xf32>
        %reduce_or3A_130 = arith.constant 0.000000e+00 : f32
        %reduce_or3A_131 = arith.cmpf ogt, %reduce_or3A_129, %reduce_or3A_130 : f32
        %convert_element_type3A_132 = arith.extui %reduce_or3A_131 : i1 to i32
        %cond3A_133 = arith.constant 0 : i32
        %cond3A_134 = arith.cmpi ne, %convert_element_type3A_132, %cond3A_133 : i32
        scf.if %cond3A_134 {
          %add3A_513 = arith.constant 0 : i32
          %add3A_514 = vector.broadcast %add3A_513 : i32 to vector<16xi32>
          %add3A_515 = arith.addi %add3A_514, %get3A_39 : vector<16xi32>
          %add3A_516 = arith.constant 102400 : i32
          %add3A_517 = vector.broadcast %add3A_516 : i32 to vector<16xi32>
          %add3A_518 = arith.addi %add3A_517, %iota3A : vector<16xi32>
          %select_n3A_519 = arith.select %and3A_120, %add3A_515, %add3A_518 : vector<16xi1>, vector<16xi32>
          "tpu.region"() ({
            %run_scoped3A = tpu.sem_alloc : memref<!tpu.dma_semaphore, #tpu.memory_space<semaphore_mem>>
            %dma_start3A = arith.constant 0 : i32
            %dma_start3A_520 = tpu.memref_slice %arg14[%dma_start3A] : memref<102416xf32, #tpu.memory_space<vmem_shared>> -> memref<102416xf32, #tpu.memory_space<vmem_shared>>
            tpu.enqueue_indirect_dma source(%arg13 : memref<16xf32, #tpu.memory_space<vmem>>) target(%dma_start3A_520 : memref<102416xf32, #tpu.memory_space<vmem_shared>>) offsets(%select_n3A_519 : vector<16xi32>) semaphore(%run_scoped3A : memref<!tpu.dma_semaphore, #tpu.memory_space<semaphore_mem>>) {add = true}
            %dma_wait3A = arith.constant 0 : i32
            %dma_wait3A_521 = tpu.memref_slice %arg14[%dma_wait3A] : memref<102416xf32, #tpu.memory_space<vmem_shared>> -> memref<102416xf32, #tpu.memory_space<vmem_shared>>
            tpu.wait_indirect_dma semaphore(%run_scoped3A : memref<!tpu.dma_semaphore, #tpu.memory_space<semaphore_mem>>) src(%arg13 : memref<16xf32, #tpu.memory_space<vmem>>) dst(%dma_wait3A_521 : memref<102416xf32, #tpu.memory_space<vmem_shared>>)
            tpu.yield
          }) : () -> ()
        } else {
        }
        %and3A_135 = arith.constant 2 : i32
        %and3A_136 = vector.broadcast %and3A_135 : i32 to vector<16xi32>
        %and3A_137 = arith.andi %gather3A, %and3A_136 : vector<16xi32>
        %ne3A_138 = arith.constant 0 : i32
        %ne3A_139 = vector.broadcast %ne3A_138 : i32 to vector<16xi32>
        %ne3A_140 = arith.cmpi ne, %and3A_137, %ne3A_139 : vector<16xi32>
        %and3A_141 = arith.andi %lt3A_37, %ne3A_140 : vector<16xi1>
        %reduce_or3A_142 = arith.constant 1.000000e+00 : f32
        %reduce_or3A_143 = arith.constant 0.000000e+00 : f32
        %reduce_or3A_144 = vector.broadcast %reduce_or3A_142 : f32 to vector<16xf32>
        %reduce_or3A_145 = vector.broadcast %reduce_or3A_143 : f32 to vector<16xf32>
        %reduce_or3A_146 = arith.select %and3A_141, %reduce_or3A_144, %reduce_or3A_145 : vector<16xi1>, vector<16xf32>
        %reduce_or3A_147 = arith.constant true
        %reduce_or3A_148 = vector.broadcast %reduce_or3A_147 : i1 to vector<16xi1>
        %reduce_or3A_149 = tpu.scan <max>, %reduce_or3A_146 masked %reduce_or3A_148 : vector<16xf32>, vector<16xi1> -> vector<16xf32>
        %reduce_or3A_150 = vector.extract %reduce_or3A_149[15] : f32 from vector<16xf32>
        %reduce_or3A_151 = arith.constant 0.000000e+00 : f32
        %reduce_or3A_152 = arith.cmpf ogt, %reduce_or3A_150, %reduce_or3A_151 : f32
        %convert_element_type3A_153 = arith.extui %reduce_or3A_152 : i1 to i32
        %cond3A_154 = arith.constant 0 : i32
        %cond3A_155 = arith.cmpi ne, %convert_element_type3A_153, %cond3A_154 : i32
        scf.if %cond3A_155 {
          %add3A_513 = arith.constant 10240 : i32
          %add3A_514 = vector.broadcast %add3A_513 : i32 to vector<16xi32>
          %add3A_515 = arith.addi %add3A_514, %get3A_41 : vector<16xi32>
          %add3A_516 = arith.constant 102400 : i32
          %add3A_517 = vector.broadcast %add3A_516 : i32 to vector<16xi32>
          %add3A_518 = arith.addi %add3A_517, %iota3A : vector<16xi32>
          %select_n3A_519 = arith.select %and3A_141, %add3A_515, %add3A_518 : vector<16xi1>, vector<16xi32>
          "tpu.region"() ({
            %run_scoped3A = tpu.sem_alloc : memref<!tpu.dma_semaphore, #tpu.memory_space<semaphore_mem>>
            %dma_start3A = arith.constant 0 : i32
            %dma_start3A_520 = tpu.memref_slice %arg14[%dma_start3A] : memref<102416xf32, #tpu.memory_space<vmem_shared>> -> memref<102416xf32, #tpu.memory_space<vmem_shared>>
            tpu.enqueue_indirect_dma source(%arg13 : memref<16xf32, #tpu.memory_space<vmem>>) target(%dma_start3A_520 : memref<102416xf32, #tpu.memory_space<vmem_shared>>) offsets(%select_n3A_519 : vector<16xi32>) semaphore(%run_scoped3A : memref<!tpu.dma_semaphore, #tpu.memory_space<semaphore_mem>>) {add = true}
            %dma_wait3A = arith.constant 0 : i32
            %dma_wait3A_521 = tpu.memref_slice %arg14[%dma_wait3A] : memref<102416xf32, #tpu.memory_space<vmem_shared>> -> memref<102416xf32, #tpu.memory_space<vmem_shared>>
            tpu.wait_indirect_dma semaphore(%run_scoped3A : memref<!tpu.dma_semaphore, #tpu.memory_space<semaphore_mem>>) src(%arg13 : memref<16xf32, #tpu.memory_space<vmem>>) dst(%dma_wait3A_521 : memref<102416xf32, #tpu.memory_space<vmem_shared>>)
            tpu.yield
          }) : () -> ()
        } else {
        }
        %and3A_156 = arith.constant 2 : i32
        %and3A_157 = vector.broadcast %and3A_156 : i32 to vector<16xi32>
        %and3A_158 = arith.andi %gather3A_42, %and3A_157 : vector<16xi32>
        %ne3A_159 = arith.constant 0 : i32
        %ne3A_160 = vector.broadcast %ne3A_159 : i32 to vector<16xi32>
        %ne3A_161 = arith.cmpi ne, %and3A_158, %ne3A_160 : vector<16xi32>
        %and3A_162 = arith.andi %lt3A_37, %ne3A_161 : vector<16xi1>
        %reduce_or3A_163 = arith.constant 1.000000e+00 : f32
        %reduce_or3A_164 = arith.constant 0.000000e+00 : f32
        %reduce_or3A_165 = vector.broadcast %reduce_or3A_163 : f32 to vector<16xf32>
        %reduce_or3A_166 = vector.broadcast %reduce_or3A_164 : f32 to vector<16xf32>
        %reduce_or3A_167 = arith.select %and3A_162, %reduce_or3A_165, %reduce_or3A_166 : vector<16xi1>, vector<16xf32>
        %reduce_or3A_168 = arith.constant true
        %reduce_or3A_169 = vector.broadcast %reduce_or3A_168 : i1 to vector<16xi1>
        %reduce_or3A_170 = tpu.scan <max>, %reduce_or3A_167 masked %reduce_or3A_169 : vector<16xf32>, vector<16xi1> -> vector<16xf32>
        %reduce_or3A_171 = vector.extract %reduce_or3A_170[15] : f32 from vector<16xf32>
        %reduce_or3A_172 = arith.constant 0.000000e+00 : f32
        %reduce_or3A_173 = arith.cmpf ogt, %reduce_or3A_171, %reduce_or3A_172 : f32
        %convert_element_type3A_174 = arith.extui %reduce_or3A_173 : i1 to i32
        %cond3A_175 = arith.constant 0 : i32
        %cond3A_176 = arith.cmpi ne, %convert_element_type3A_174, %cond3A_175 : i32
        scf.if %cond3A_176 {
          %add3A_513 = arith.constant 10240 : i32
          %add3A_514 = vector.broadcast %add3A_513 : i32 to vector<16xi32>
          %add3A_515 = arith.addi %add3A_514, %get3A_39 : vector<16xi32>
          %add3A_516 = arith.constant 102400 : i32
          %add3A_517 = vector.broadcast %add3A_516 : i32 to vector<16xi32>
          %add3A_518 = arith.addi %add3A_517, %iota3A : vector<16xi32>
          %select_n3A_519 = arith.select %and3A_162, %add3A_515, %add3A_518 : vector<16xi1>, vector<16xi32>
          "tpu.region"() ({
            %run_scoped3A = tpu.sem_alloc : memref<!tpu.dma_semaphore, #tpu.memory_space<semaphore_mem>>
            %dma_start3A = arith.constant 0 : i32
            %dma_start3A_520 = tpu.memref_slice %arg14[%dma_start3A] : memref<102416xf32, #tpu.memory_space<vmem_shared>> -> memref<102416xf32, #tpu.memory_space<vmem_shared>>
            tpu.enqueue_indirect_dma source(%arg13 : memref<16xf32, #tpu.memory_space<vmem>>) target(%dma_start3A_520 : memref<102416xf32, #tpu.memory_space<vmem_shared>>) offsets(%select_n3A_519 : vector<16xi32>) semaphore(%run_scoped3A : memref<!tpu.dma_semaphore, #tpu.memory_space<semaphore_mem>>) {add = true}
            %dma_wait3A = arith.constant 0 : i32
            %dma_wait3A_521 = tpu.memref_slice %arg14[%dma_wait3A] : memref<102416xf32, #tpu.memory_space<vmem_shared>> -> memref<102416xf32, #tpu.memory_space<vmem_shared>>
            tpu.wait_indirect_dma semaphore(%run_scoped3A : memref<!tpu.dma_semaphore, #tpu.memory_space<semaphore_mem>>) src(%arg13 : memref<16xf32, #tpu.memory_space<vmem>>) dst(%dma_wait3A_521 : memref<102416xf32, #tpu.memory_space<vmem_shared>>)
            tpu.yield
          }) : () -> ()
        } else {
        }
        %and3A_177 = arith.constant 4 : i32
        %and3A_178 = vector.broadcast %and3A_177 : i32 to vector<16xi32>
        %and3A_179 = arith.andi %gather3A, %and3A_178 : vector<16xi32>
        %ne3A_180 = arith.constant 0 : i32
        %ne3A_181 = vector.broadcast %ne3A_180 : i32 to vector<16xi32>
        %ne3A_182 = arith.cmpi ne, %and3A_179, %ne3A_181 : vector<16xi32>
        %and3A_183 = arith.andi %lt3A_37, %ne3A_182 : vector<16xi1>
        %reduce_or3A_184 = arith.constant 1.000000e+00 : f32
        %reduce_or3A_185 = arith.constant 0.000000e+00 : f32
        %reduce_or3A_186 = vector.broadcast %reduce_or3A_184 : f32 to vector<16xf32>
        %reduce_or3A_187 = vector.broadcast %reduce_or3A_185 : f32 to vector<16xf32>
        %reduce_or3A_188 = arith.select %and3A_183, %reduce_or3A_186, %reduce_or3A_187 : vector<16xi1>, vector<16xf32>
        %reduce_or3A_189 = arith.constant true
        %reduce_or3A_190 = vector.broadcast %reduce_or3A_189 : i1 to vector<16xi1>
        %reduce_or3A_191 = tpu.scan <max>, %reduce_or3A_188 masked %reduce_or3A_190 : vector<16xf32>, vector<16xi1> -> vector<16xf32>
        %reduce_or3A_192 = vector.extract %reduce_or3A_191[15] : f32 from vector<16xf32>
        %reduce_or3A_193 = arith.constant 0.000000e+00 : f32
        %reduce_or3A_194 = arith.cmpf ogt, %reduce_or3A_192, %reduce_or3A_193 : f32
        %convert_element_type3A_195 = arith.extui %reduce_or3A_194 : i1 to i32
        %cond3A_196 = arith.constant 0 : i32
        %cond3A_197 = arith.cmpi ne, %convert_element_type3A_195, %cond3A_196 : i32
        scf.if %cond3A_197 {
          %add3A_513 = arith.constant 20480 : i32
          %add3A_514 = vector.broadcast %add3A_513 : i32 to vector<16xi32>
          %add3A_515 = arith.addi %add3A_514, %get3A_41 : vector<16xi32>
          %add3A_516 = arith.constant 102400 : i32
          %add3A_517 = vector.broadcast %add3A_516 : i32 to vector<16xi32>
          %add3A_518 = arith.addi %add3A_517, %iota3A : vector<16xi32>
          %select_n3A_519 = arith.select %and3A_183, %add3A_515, %add3A_518 : vector<16xi1>, vector<16xi32>
          "tpu.region"() ({
            %run_scoped3A = tpu.sem_alloc : memref<!tpu.dma_semaphore, #tpu.memory_space<semaphore_mem>>
            %dma_start3A = arith.constant 0 : i32
            %dma_start3A_520 = tpu.memref_slice %arg14[%dma_start3A] : memref<102416xf32, #tpu.memory_space<vmem_shared>> -> memref<102416xf32, #tpu.memory_space<vmem_shared>>
            tpu.enqueue_indirect_dma source(%arg13 : memref<16xf32, #tpu.memory_space<vmem>>) target(%dma_start3A_520 : memref<102416xf32, #tpu.memory_space<vmem_shared>>) offsets(%select_n3A_519 : vector<16xi32>) semaphore(%run_scoped3A : memref<!tpu.dma_semaphore, #tpu.memory_space<semaphore_mem>>) {add = true}
            %dma_wait3A = arith.constant 0 : i32
            %dma_wait3A_521 = tpu.memref_slice %arg14[%dma_wait3A] : memref<102416xf32, #tpu.memory_space<vmem_shared>> -> memref<102416xf32, #tpu.memory_space<vmem_shared>>
            tpu.wait_indirect_dma semaphore(%run_scoped3A : memref<!tpu.dma_semaphore, #tpu.memory_space<semaphore_mem>>) src(%arg13 : memref<16xf32, #tpu.memory_space<vmem>>) dst(%dma_wait3A_521 : memref<102416xf32, #tpu.memory_space<vmem_shared>>)
            tpu.yield
          }) : () -> ()
        } else {
        }
        %and3A_198 = arith.constant 4 : i32
        %and3A_199 = vector.broadcast %and3A_198 : i32 to vector<16xi32>
        %and3A_200 = arith.andi %gather3A_42, %and3A_199 : vector<16xi32>
        %ne3A_201 = arith.constant 0 : i32
        %ne3A_202 = vector.broadcast %ne3A_201 : i32 to vector<16xi32>
        %ne3A_203 = arith.cmpi ne, %and3A_200, %ne3A_202 : vector<16xi32>
        %and3A_204 = arith.andi %lt3A_37, %ne3A_203 : vector<16xi1>
        %reduce_or3A_205 = arith.constant 1.000000e+00 : f32
        %reduce_or3A_206 = arith.constant 0.000000e+00 : f32
        %reduce_or3A_207 = vector.broadcast %reduce_or3A_205 : f32 to vector<16xf32>
        %reduce_or3A_208 = vector.broadcast %reduce_or3A_206 : f32 to vector<16xf32>
        %reduce_or3A_209 = arith.select %and3A_204, %reduce_or3A_207, %reduce_or3A_208 : vector<16xi1>, vector<16xf32>
        %reduce_or3A_210 = arith.constant true
        %reduce_or3A_211 = vector.broadcast %reduce_or3A_210 : i1 to vector<16xi1>
        %reduce_or3A_212 = tpu.scan <max>, %reduce_or3A_209 masked %reduce_or3A_211 : vector<16xf32>, vector<16xi1> -> vector<16xf32>
        %reduce_or3A_213 = vector.extract %reduce_or3A_212[15] : f32 from vector<16xf32>
        %reduce_or3A_214 = arith.constant 0.000000e+00 : f32
        %reduce_or3A_215 = arith.cmpf ogt, %reduce_or3A_213, %reduce_or3A_214 : f32
        %convert_element_type3A_216 = arith.extui %reduce_or3A_215 : i1 to i32
        %cond3A_217 = arith.constant 0 : i32
        %cond3A_218 = arith.cmpi ne, %convert_element_type3A_216, %cond3A_217 : i32
        scf.if %cond3A_218 {
          %add3A_513 = arith.constant 20480 : i32
          %add3A_514 = vector.broadcast %add3A_513 : i32 to vector<16xi32>
          %add3A_515 = arith.addi %add3A_514, %get3A_39 : vector<16xi32>
          %add3A_516 = arith.constant 102400 : i32
          %add3A_517 = vector.broadcast %add3A_516 : i32 to vector<16xi32>
          %add3A_518 = arith.addi %add3A_517, %iota3A : vector<16xi32>
          %select_n3A_519 = arith.select %and3A_204, %add3A_515, %add3A_518 : vector<16xi1>, vector<16xi32>
          "tpu.region"() ({
            %run_scoped3A = tpu.sem_alloc : memref<!tpu.dma_semaphore, #tpu.memory_space<semaphore_mem>>
            %dma_start3A = arith.constant 0 : i32
            %dma_start3A_520 = tpu.memref_slice %arg14[%dma_start3A] : memref<102416xf32, #tpu.memory_space<vmem_shared>> -> memref<102416xf32, #tpu.memory_space<vmem_shared>>
            tpu.enqueue_indirect_dma source(%arg13 : memref<16xf32, #tpu.memory_space<vmem>>) target(%dma_start3A_520 : memref<102416xf32, #tpu.memory_space<vmem_shared>>) offsets(%select_n3A_519 : vector<16xi32>) semaphore(%run_scoped3A : memref<!tpu.dma_semaphore, #tpu.memory_space<semaphore_mem>>) {add = true}
            %dma_wait3A = arith.constant 0 : i32
            %dma_wait3A_521 = tpu.memref_slice %arg14[%dma_wait3A] : memref<102416xf32, #tpu.memory_space<vmem_shared>> -> memref<102416xf32, #tpu.memory_space<vmem_shared>>
            tpu.wait_indirect_dma semaphore(%run_scoped3A : memref<!tpu.dma_semaphore, #tpu.memory_space<semaphore_mem>>) src(%arg13 : memref<16xf32, #tpu.memory_space<vmem>>) dst(%dma_wait3A_521 : memref<102416xf32, #tpu.memory_space<vmem_shared>>)
            tpu.yield
          }) : () -> ()
        } else {
        }
        %and3A_219 = arith.constant 8 : i32
        %and3A_220 = vector.broadcast %and3A_219 : i32 to vector<16xi32>
        %and3A_221 = arith.andi %gather3A, %and3A_220 : vector<16xi32>
        %ne3A_222 = arith.constant 0 : i32
        %ne3A_223 = vector.broadcast %ne3A_222 : i32 to vector<16xi32>
        %ne3A_224 = arith.cmpi ne, %and3A_221, %ne3A_223 : vector<16xi32>
        %and3A_225 = arith.andi %lt3A_37, %ne3A_224 : vector<16xi1>
        %reduce_or3A_226 = arith.constant 1.000000e+00 : f32
        %reduce_or3A_227 = arith.constant 0.000000e+00 : f32
        %reduce_or3A_228 = vector.broadcast %reduce_or3A_226 : f32 to vector<16xf32>
        %reduce_or3A_229 = vector.broadcast %reduce_or3A_227 : f32 to vector<16xf32>
        %reduce_or3A_230 = arith.select %and3A_225, %reduce_or3A_228, %reduce_or3A_229 : vector<16xi1>, vector<16xf32>
        %reduce_or3A_231 = arith.constant true
        %reduce_or3A_232 = vector.broadcast %reduce_or3A_231 : i1 to vector<16xi1>
        %reduce_or3A_233 = tpu.scan <max>, %reduce_or3A_230 masked %reduce_or3A_232 : vector<16xf32>, vector<16xi1> -> vector<16xf32>
        %reduce_or3A_234 = vector.extract %reduce_or3A_233[15] : f32 from vector<16xf32>
        %reduce_or3A_235 = arith.constant 0.000000e+00 : f32
        %reduce_or3A_236 = arith.cmpf ogt, %reduce_or3A_234, %reduce_or3A_235 : f32
        %convert_element_type3A_237 = arith.extui %reduce_or3A_236 : i1 to i32
        %cond3A_238 = arith.constant 0 : i32
        %cond3A_239 = arith.cmpi ne, %convert_element_type3A_237, %cond3A_238 : i32
        scf.if %cond3A_239 {
          %add3A_513 = arith.constant 30720 : i32
          %add3A_514 = vector.broadcast %add3A_513 : i32 to vector<16xi32>
          %add3A_515 = arith.addi %add3A_514, %get3A_41 : vector<16xi32>
          %add3A_516 = arith.constant 102400 : i32
          %add3A_517 = vector.broadcast %add3A_516 : i32 to vector<16xi32>
          %add3A_518 = arith.addi %add3A_517, %iota3A : vector<16xi32>
          %select_n3A_519 = arith.select %and3A_225, %add3A_515, %add3A_518 : vector<16xi1>, vector<16xi32>
          "tpu.region"() ({
            %run_scoped3A = tpu.sem_alloc : memref<!tpu.dma_semaphore, #tpu.memory_space<semaphore_mem>>
            %dma_start3A = arith.constant 0 : i32
            %dma_start3A_520 = tpu.memref_slice %arg14[%dma_start3A] : memref<102416xf32, #tpu.memory_space<vmem_shared>> -> memref<102416xf32, #tpu.memory_space<vmem_shared>>
            tpu.enqueue_indirect_dma source(%arg13 : memref<16xf32, #tpu.memory_space<vmem>>) target(%dma_start3A_520 : memref<102416xf32, #tpu.memory_space<vmem_shared>>) offsets(%select_n3A_519 : vector<16xi32>) semaphore(%run_scoped3A : memref<!tpu.dma_semaphore, #tpu.memory_space<semaphore_mem>>) {add = true}
            %dma_wait3A = arith.constant 0 : i32
            %dma_wait3A_521 = tpu.memref_slice %arg14[%dma_wait3A] : memref<102416xf32, #tpu.memory_space<vmem_shared>> -> memref<102416xf32, #tpu.memory_space<vmem_shared>>
            tpu.wait_indirect_dma semaphore(%run_scoped3A : memref<!tpu.dma_semaphore, #tpu.memory_space<semaphore_mem>>) src(%arg13 : memref<16xf32, #tpu.memory_space<vmem>>) dst(%dma_wait3A_521 : memref<102416xf32, #tpu.memory_space<vmem_shared>>)
            tpu.yield
          }) : () -> ()
        } else {
        }
        %and3A_240 = arith.constant 8 : i32
        %and3A_241 = vector.broadcast %and3A_240 : i32 to vector<16xi32>
        %and3A_242 = arith.andi %gather3A_42, %and3A_241 : vector<16xi32>
        %ne3A_243 = arith.constant 0 : i32
        %ne3A_244 = vector.broadcast %ne3A_243 : i32 to vector<16xi32>
        %ne3A_245 = arith.cmpi ne, %and3A_242, %ne3A_244 : vector<16xi32>
        %and3A_246 = arith.andi %lt3A_37, %ne3A_245 : vector<16xi1>
        %reduce_or3A_247 = arith.constant 1.000000e+00 : f32
        %reduce_or3A_248 = arith.constant 0.000000e+00 : f32
        %reduce_or3A_249 = vector.broadcast %reduce_or3A_247 : f32 to vector<16xf32>
        %reduce_or3A_250 = vector.broadcast %reduce_or3A_248 : f32 to vector<16xf32>
        %reduce_or3A_251 = arith.select %and3A_246, %reduce_or3A_249, %reduce_or3A_250 : vector<16xi1>, vector<16xf32>
        %reduce_or3A_252 = arith.constant true
        %reduce_or3A_253 = vector.broadcast %reduce_or3A_252 : i1 to vector<16xi1>
        %reduce_or3A_254 = tpu.scan <max>, %reduce_or3A_251 masked %reduce_or3A_253 : vector<16xf32>, vector<16xi1> -> vector<16xf32>
        %reduce_or3A_255 = vector.extract %reduce_or3A_254[15] : f32 from vector<16xf32>
        %reduce_or3A_256 = arith.constant 0.000000e+00 : f32
        %reduce_or3A_257 = arith.cmpf ogt, %reduce_or3A_255, %reduce_or3A_256 : f32
        %convert_element_type3A_258 = arith.extui %reduce_or3A_257 : i1 to i32
        %cond3A_259 = arith.constant 0 : i32
        %cond3A_260 = arith.cmpi ne, %convert_element_type3A_258, %cond3A_259 : i32
        scf.if %cond3A_260 {
          %add3A_513 = arith.constant 30720 : i32
          %add3A_514 = vector.broadcast %add3A_513 : i32 to vector<16xi32>
          %add3A_515 = arith.addi %add3A_514, %get3A_39 : vector<16xi32>
          %add3A_516 = arith.constant 102400 : i32
          %add3A_517 = vector.broadcast %add3A_516 : i32 to vector<16xi32>
          %add3A_518 = arith.addi %add3A_517, %iota3A : vector<16xi32>
          %select_n3A_519 = arith.select %and3A_246, %add3A_515, %add3A_518 : vector<16xi1>, vector<16xi32>
          "tpu.region"() ({
            %run_scoped3A = tpu.sem_alloc : memref<!tpu.dma_semaphore, #tpu.memory_space<semaphore_mem>>
            %dma_start3A = arith.constant 0 : i32
            %dma_start3A_520 = tpu.memref_slice %arg14[%dma_start3A] : memref<102416xf32, #tpu.memory_space<vmem_shared>> -> memref<102416xf32, #tpu.memory_space<vmem_shared>>
            tpu.enqueue_indirect_dma source(%arg13 : memref<16xf32, #tpu.memory_space<vmem>>) target(%dma_start3A_520 : memref<102416xf32, #tpu.memory_space<vmem_shared>>) offsets(%select_n3A_519 : vector<16xi32>) semaphore(%run_scoped3A : memref<!tpu.dma_semaphore, #tpu.memory_space<semaphore_mem>>) {add = true}
            %dma_wait3A = arith.constant 0 : i32
            %dma_wait3A_521 = tpu.memref_slice %arg14[%dma_wait3A] : memref<102416xf32, #tpu.memory_space<vmem_shared>> -> memref<102416xf32, #tpu.memory_space<vmem_shared>>
            tpu.wait_indirect_dma semaphore(%run_scoped3A : memref<!tpu.dma_semaphore, #tpu.memory_space<semaphore_mem>>) src(%arg13 : memref<16xf32, #tpu.memory_space<vmem>>) dst(%dma_wait3A_521 : memref<102416xf32, #tpu.memory_space<vmem_shared>>)
            tpu.yield
          }) : () -> ()
        } else {
        }
        %and3A_261 = arith.constant 16 : i32
        %and3A_262 = vector.broadcast %and3A_261 : i32 to vector<16xi32>
        %and3A_263 = arith.andi %gather3A, %and3A_262 : vector<16xi32>
        %ne3A_264 = arith.constant 0 : i32
        %ne3A_265 = vector.broadcast %ne3A_264 : i32 to vector<16xi32>
        %ne3A_266 = arith.cmpi ne, %and3A_263, %ne3A_265 : vector<16xi32>
        %and3A_267 = arith.andi %lt3A_37, %ne3A_266 : vector<16xi1>
        %reduce_or3A_268 = arith.constant 1.000000e+00 : f32
        %reduce_or3A_269 = arith.constant 0.000000e+00 : f32
        %reduce_or3A_270 = vector.broadcast %reduce_or3A_268 : f32 to vector<16xf32>
        %reduce_or3A_271 = vector.broadcast %reduce_or3A_269 : f32 to vector<16xf32>
        %reduce_or3A_272 = arith.select %and3A_267, %reduce_or3A_270, %reduce_or3A_271 : vector<16xi1>, vector<16xf32>
        %reduce_or3A_273 = arith.constant true
        %reduce_or3A_274 = vector.broadcast %reduce_or3A_273 : i1 to vector<16xi1>
        %reduce_or3A_275 = tpu.scan <max>, %reduce_or3A_272 masked %reduce_or3A_274 : vector<16xf32>, vector<16xi1> -> vector<16xf32>
        %reduce_or3A_276 = vector.extract %reduce_or3A_275[15] : f32 from vector<16xf32>
        %reduce_or3A_277 = arith.constant 0.000000e+00 : f32
        %reduce_or3A_278 = arith.cmpf ogt, %reduce_or3A_276, %reduce_or3A_277 : f32
        %convert_element_type3A_279 = arith.extui %reduce_or3A_278 : i1 to i32
        %cond3A_280 = arith.constant 0 : i32
        %cond3A_281 = arith.cmpi ne, %convert_element_type3A_279, %cond3A_280 : i32
        scf.if %cond3A_281 {
          %add3A_513 = arith.constant 40960 : i32
          %add3A_514 = vector.broadcast %add3A_513 : i32 to vector<16xi32>
          %add3A_515 = arith.addi %add3A_514, %get3A_41 : vector<16xi32>
          %add3A_516 = arith.constant 102400 : i32
          %add3A_517 = vector.broadcast %add3A_516 : i32 to vector<16xi32>
          %add3A_518 = arith.addi %add3A_517, %iota3A : vector<16xi32>
          %select_n3A_519 = arith.select %and3A_267, %add3A_515, %add3A_518 : vector<16xi1>, vector<16xi32>
          "tpu.region"() ({
            %run_scoped3A = tpu.sem_alloc : memref<!tpu.dma_semaphore, #tpu.memory_space<semaphore_mem>>
            %dma_start3A = arith.constant 0 : i32
            %dma_start3A_520 = tpu.memref_slice %arg14[%dma_start3A] : memref<102416xf32, #tpu.memory_space<vmem_shared>> -> memref<102416xf32, #tpu.memory_space<vmem_shared>>
            tpu.enqueue_indirect_dma source(%arg13 : memref<16xf32, #tpu.memory_space<vmem>>) target(%dma_start3A_520 : memref<102416xf32, #tpu.memory_space<vmem_shared>>) offsets(%select_n3A_519 : vector<16xi32>) semaphore(%run_scoped3A : memref<!tpu.dma_semaphore, #tpu.memory_space<semaphore_mem>>) {add = true}
            %dma_wait3A = arith.constant 0 : i32
            %dma_wait3A_521 = tpu.memref_slice %arg14[%dma_wait3A] : memref<102416xf32, #tpu.memory_space<vmem_shared>> -> memref<102416xf32, #tpu.memory_space<vmem_shared>>
            tpu.wait_indirect_dma semaphore(%run_scoped3A : memref<!tpu.dma_semaphore, #tpu.memory_space<semaphore_mem>>) src(%arg13 : memref<16xf32, #tpu.memory_space<vmem>>) dst(%dma_wait3A_521 : memref<102416xf32, #tpu.memory_space<vmem_shared>>)
            tpu.yield
          }) : () -> ()
        } else {
        }
        %and3A_282 = arith.constant 16 : i32
        %and3A_283 = vector.broadcast %and3A_282 : i32 to vector<16xi32>
        %and3A_284 = arith.andi %gather3A_42, %and3A_283 : vector<16xi32>
        %ne3A_285 = arith.constant 0 : i32
        %ne3A_286 = vector.broadcast %ne3A_285 : i32 to vector<16xi32>
        %ne3A_287 = arith.cmpi ne, %and3A_284, %ne3A_286 : vector<16xi32>
        %and3A_288 = arith.andi %lt3A_37, %ne3A_287 : vector<16xi1>
        %reduce_or3A_289 = arith.constant 1.000000e+00 : f32
        %reduce_or3A_290 = arith.constant 0.000000e+00 : f32
        %reduce_or3A_291 = vector.broadcast %reduce_or3A_289 : f32 to vector<16xf32>
        %reduce_or3A_292 = vector.broadcast %reduce_or3A_290 : f32 to vector<16xf32>
        %reduce_or3A_293 = arith.select %and3A_288, %reduce_or3A_291, %reduce_or3A_292 : vector<16xi1>, vector<16xf32>
        %reduce_or3A_294 = arith.constant true
        %reduce_or3A_295 = vector.broadcast %reduce_or3A_294 : i1 to vector<16xi1>
        %reduce_or3A_296 = tpu.scan <max>, %reduce_or3A_293 masked %reduce_or3A_295 : vector<16xf32>, vector<16xi1> -> vector<16xf32>
        %reduce_or3A_297 = vector.extract %reduce_or3A_296[15] : f32 from vector<16xf32>
        %reduce_or3A_298 = arith.constant 0.000000e+00 : f32
        %reduce_or3A_299 = arith.cmpf ogt, %reduce_or3A_297, %reduce_or3A_298 : f32
        %convert_element_type3A_300 = arith.extui %reduce_or3A_299 : i1 to i32
        %cond3A_301 = arith.constant 0 : i32
        %cond3A_302 = arith.cmpi ne, %convert_element_type3A_300, %cond3A_301 : i32
        scf.if %cond3A_302 {
          %add3A_513 = arith.constant 40960 : i32
          %add3A_514 = vector.broadcast %add3A_513 : i32 to vector<16xi32>
          %add3A_515 = arith.addi %add3A_514, %get3A_39 : vector<16xi32>
          %add3A_516 = arith.constant 102400 : i32
          %add3A_517 = vector.broadcast %add3A_516 : i32 to vector<16xi32>
          %add3A_518 = arith.addi %add3A_517, %iota3A : vector<16xi32>
          %select_n3A_519 = arith.select %and3A_288, %add3A_515, %add3A_518 : vector<16xi1>, vector<16xi32>
          "tpu.region"() ({
            %run_scoped3A = tpu.sem_alloc : memref<!tpu.dma_semaphore, #tpu.memory_space<semaphore_mem>>
            %dma_start3A = arith.constant 0 : i32
            %dma_start3A_520 = tpu.memref_slice %arg14[%dma_start3A] : memref<102416xf32, #tpu.memory_space<vmem_shared>> -> memref<102416xf32, #tpu.memory_space<vmem_shared>>
            tpu.enqueue_indirect_dma source(%arg13 : memref<16xf32, #tpu.memory_space<vmem>>) target(%dma_start3A_520 : memref<102416xf32, #tpu.memory_space<vmem_shared>>) offsets(%select_n3A_519 : vector<16xi32>) semaphore(%run_scoped3A : memref<!tpu.dma_semaphore, #tpu.memory_space<semaphore_mem>>) {add = true}
            %dma_wait3A = arith.constant 0 : i32
            %dma_wait3A_521 = tpu.memref_slice %arg14[%dma_wait3A] : memref<102416xf32, #tpu.memory_space<vmem_shared>> -> memref<102416xf32, #tpu.memory_space<vmem_shared>>
            tpu.wait_indirect_dma semaphore(%run_scoped3A : memref<!tpu.dma_semaphore, #tpu.memory_space<semaphore_mem>>) src(%arg13 : memref<16xf32, #tpu.memory_space<vmem>>) dst(%dma_wait3A_521 : memref<102416xf32, #tpu.memory_space<vmem_shared>>)
            tpu.yield
          }) : () -> ()
        } else {
        }
        %and3A_303 = arith.constant 32 : i32
        %and3A_304 = vector.broadcast %and3A_303 : i32 to vector<16xi32>
        %and3A_305 = arith.andi %gather3A, %and3A_304 : vector<16xi32>
        %ne3A_306 = arith.constant 0 : i32
        %ne3A_307 = vector.broadcast %ne3A_306 : i32 to vector<16xi32>
        %ne3A_308 = arith.cmpi ne, %and3A_305, %ne3A_307 : vector<16xi32>
        %and3A_309 = arith.andi %lt3A_37, %ne3A_308 : vector<16xi1>
        %reduce_or3A_310 = arith.constant 1.000000e+00 : f32
        %reduce_or3A_311 = arith.constant 0.000000e+00 : f32
        %reduce_or3A_312 = vector.broadcast %reduce_or3A_310 : f32 to vector<16xf32>
        %reduce_or3A_313 = vector.broadcast %reduce_or3A_311 : f32 to vector<16xf32>
        %reduce_or3A_314 = arith.select %and3A_309, %reduce_or3A_312, %reduce_or3A_313 : vector<16xi1>, vector<16xf32>
        %reduce_or3A_315 = arith.constant true
        %reduce_or3A_316 = vector.broadcast %reduce_or3A_315 : i1 to vector<16xi1>
        %reduce_or3A_317 = tpu.scan <max>, %reduce_or3A_314 masked %reduce_or3A_316 : vector<16xf32>, vector<16xi1> -> vector<16xf32>
        %reduce_or3A_318 = vector.extract %reduce_or3A_317[15] : f32 from vector<16xf32>
        %reduce_or3A_319 = arith.constant 0.000000e+00 : f32
        %reduce_or3A_320 = arith.cmpf ogt, %reduce_or3A_318, %reduce_or3A_319 : f32
        %convert_element_type3A_321 = arith.extui %reduce_or3A_320 : i1 to i32
        %cond3A_322 = arith.constant 0 : i32
        %cond3A_323 = arith.cmpi ne, %convert_element_type3A_321, %cond3A_322 : i32
        scf.if %cond3A_323 {
          %add3A_513 = arith.constant 51200 : i32
          %add3A_514 = vector.broadcast %add3A_513 : i32 to vector<16xi32>
          %add3A_515 = arith.addi %add3A_514, %get3A_41 : vector<16xi32>
          %add3A_516 = arith.constant 102400 : i32
          %add3A_517 = vector.broadcast %add3A_516 : i32 to vector<16xi32>
          %add3A_518 = arith.addi %add3A_517, %iota3A : vector<16xi32>
          %select_n3A_519 = arith.select %and3A_309, %add3A_515, %add3A_518 : vector<16xi1>, vector<16xi32>
          "tpu.region"() ({
            %run_scoped3A = tpu.sem_alloc : memref<!tpu.dma_semaphore, #tpu.memory_space<semaphore_mem>>
            %dma_start3A = arith.constant 0 : i32
            %dma_start3A_520 = tpu.memref_slice %arg14[%dma_start3A] : memref<102416xf32, #tpu.memory_space<vmem_shared>> -> memref<102416xf32, #tpu.memory_space<vmem_shared>>
            tpu.enqueue_indirect_dma source(%arg13 : memref<16xf32, #tpu.memory_space<vmem>>) target(%dma_start3A_520 : memref<102416xf32, #tpu.memory_space<vmem_shared>>) offsets(%select_n3A_519 : vector<16xi32>) semaphore(%run_scoped3A : memref<!tpu.dma_semaphore, #tpu.memory_space<semaphore_mem>>) {add = true}
            %dma_wait3A = arith.constant 0 : i32
            %dma_wait3A_521 = tpu.memref_slice %arg14[%dma_wait3A] : memref<102416xf32, #tpu.memory_space<vmem_shared>> -> memref<102416xf32, #tpu.memory_space<vmem_shared>>
            tpu.wait_indirect_dma semaphore(%run_scoped3A : memref<!tpu.dma_semaphore, #tpu.memory_space<semaphore_mem>>) src(%arg13 : memref<16xf32, #tpu.memory_space<vmem>>) dst(%dma_wait3A_521 : memref<102416xf32, #tpu.memory_space<vmem_shared>>)
            tpu.yield
          }) : () -> ()
        } else {
        }
        %and3A_324 = arith.constant 32 : i32
        %and3A_325 = vector.broadcast %and3A_324 : i32 to vector<16xi32>
        %and3A_326 = arith.andi %gather3A_42, %and3A_325 : vector<16xi32>
        %ne3A_327 = arith.constant 0 : i32
        %ne3A_328 = vector.broadcast %ne3A_327 : i32 to vector<16xi32>
        %ne3A_329 = arith.cmpi ne, %and3A_326, %ne3A_328 : vector<16xi32>
        %and3A_330 = arith.andi %lt3A_37, %ne3A_329 : vector<16xi1>
        %reduce_or3A_331 = arith.constant 1.000000e+00 : f32
        %reduce_or3A_332 = arith.constant 0.000000e+00 : f32
        %reduce_or3A_333 = vector.broadcast %reduce_or3A_331 : f32 to vector<16xf32>
        %reduce_or3A_334 = vector.broadcast %reduce_or3A_332 : f32 to vector<16xf32>
        %reduce_or3A_335 = arith.select %and3A_330, %reduce_or3A_333, %reduce_or3A_334 : vector<16xi1>, vector<16xf32>
        %reduce_or3A_336 = arith.constant true
        %reduce_or3A_337 = vector.broadcast %reduce_or3A_336 : i1 to vector<16xi1>
        %reduce_or3A_338 = tpu.scan <max>, %reduce_or3A_335 masked %reduce_or3A_337 : vector<16xf32>, vector<16xi1> -> vector<16xf32>
        %reduce_or3A_339 = vector.extract %reduce_or3A_338[15] : f32 from vector<16xf32>
        %reduce_or3A_340 = arith.constant 0.000000e+00 : f32
        %reduce_or3A_341 = arith.cmpf ogt, %reduce_or3A_339, %reduce_or3A_340 : f32
        %convert_element_type3A_342 = arith.extui %reduce_or3A_341 : i1 to i32
        %cond3A_343 = arith.constant 0 : i32
        %cond3A_344 = arith.cmpi ne, %convert_element_type3A_342, %cond3A_343 : i32
        scf.if %cond3A_344 {
          %add3A_513 = arith.constant 51200 : i32
          %add3A_514 = vector.broadcast %add3A_513 : i32 to vector<16xi32>
          %add3A_515 = arith.addi %add3A_514, %get3A_39 : vector<16xi32>
          %add3A_516 = arith.constant 102400 : i32
          %add3A_517 = vector.broadcast %add3A_516 : i32 to vector<16xi32>
          %add3A_518 = arith.addi %add3A_517, %iota3A : vector<16xi32>
          %select_n3A_519 = arith.select %and3A_330, %add3A_515, %add3A_518 : vector<16xi1>, vector<16xi32>
          "tpu.region"() ({
            %run_scoped3A = tpu.sem_alloc : memref<!tpu.dma_semaphore, #tpu.memory_space<semaphore_mem>>
            %dma_start3A = arith.constant 0 : i32
            %dma_start3A_520 = tpu.memref_slice %arg14[%dma_start3A] : memref<102416xf32, #tpu.memory_space<vmem_shared>> -> memref<102416xf32, #tpu.memory_space<vmem_shared>>
            tpu.enqueue_indirect_dma source(%arg13 : memref<16xf32, #tpu.memory_space<vmem>>) target(%dma_start3A_520 : memref<102416xf32, #tpu.memory_space<vmem_shared>>) offsets(%select_n3A_519 : vector<16xi32>) semaphore(%run_scoped3A : memref<!tpu.dma_semaphore, #tpu.memory_space<semaphore_mem>>) {add = true}
            %dma_wait3A = arith.constant 0 : i32
            %dma_wait3A_521 = tpu.memref_slice %arg14[%dma_wait3A] : memref<102416xf32, #tpu.memory_space<vmem_shared>> -> memref<102416xf32, #tpu.memory_space<vmem_shared>>
            tpu.wait_indirect_dma semaphore(%run_scoped3A : memref<!tpu.dma_semaphore, #tpu.memory_space<semaphore_mem>>) src(%arg13 : memref<16xf32, #tpu.memory_space<vmem>>) dst(%dma_wait3A_521 : memref<102416xf32, #tpu.memory_space<vmem_shared>>)
            tpu.yield
          }) : () -> ()
        } else {
        }
        %and3A_345 = arith.constant 64 : i32
        %and3A_346 = vector.broadcast %and3A_345 : i32 to vector<16xi32>
        %and3A_347 = arith.andi %gather3A, %and3A_346 : vector<16xi32>
        %ne3A_348 = arith.constant 0 : i32
        %ne3A_349 = vector.broadcast %ne3A_348 : i32 to vector<16xi32>
        %ne3A_350 = arith.cmpi ne, %and3A_347, %ne3A_349 : vector<16xi32>
        %and3A_351 = arith.andi %lt3A_37, %ne3A_350 : vector<16xi1>
        %reduce_or3A_352 = arith.constant 1.000000e+00 : f32
        %reduce_or3A_353 = arith.constant 0.000000e+00 : f32
        %reduce_or3A_354 = vector.broadcast %reduce_or3A_352 : f32 to vector<16xf32>
        %reduce_or3A_355 = vector.broadcast %reduce_or3A_353 : f32 to vector<16xf32>
        %reduce_or3A_356 = arith.select %and3A_351, %reduce_or3A_354, %reduce_or3A_355 : vector<16xi1>, vector<16xf32>
        %reduce_or3A_357 = arith.constant true
        %reduce_or3A_358 = vector.broadcast %reduce_or3A_357 : i1 to vector<16xi1>
        %reduce_or3A_359 = tpu.scan <max>, %reduce_or3A_356 masked %reduce_or3A_358 : vector<16xf32>, vector<16xi1> -> vector<16xf32>
        %reduce_or3A_360 = vector.extract %reduce_or3A_359[15] : f32 from vector<16xf32>
        %reduce_or3A_361 = arith.constant 0.000000e+00 : f32
        %reduce_or3A_362 = arith.cmpf ogt, %reduce_or3A_360, %reduce_or3A_361 : f32
        %convert_element_type3A_363 = arith.extui %reduce_or3A_362 : i1 to i32
        %cond3A_364 = arith.constant 0 : i32
        %cond3A_365 = arith.cmpi ne, %convert_element_type3A_363, %cond3A_364 : i32
        scf.if %cond3A_365 {
          %add3A_513 = arith.constant 61440 : i32
          %add3A_514 = vector.broadcast %add3A_513 : i32 to vector<16xi32>
          %add3A_515 = arith.addi %add3A_514, %get3A_41 : vector<16xi32>
          %add3A_516 = arith.constant 102400 : i32
          %add3A_517 = vector.broadcast %add3A_516 : i32 to vector<16xi32>
          %add3A_518 = arith.addi %add3A_517, %iota3A : vector<16xi32>
          %select_n3A_519 = arith.select %and3A_351, %add3A_515, %add3A_518 : vector<16xi1>, vector<16xi32>
          "tpu.region"() ({
            %run_scoped3A = tpu.sem_alloc : memref<!tpu.dma_semaphore, #tpu.memory_space<semaphore_mem>>
            %dma_start3A = arith.constant 0 : i32
            %dma_start3A_520 = tpu.memref_slice %arg14[%dma_start3A] : memref<102416xf32, #tpu.memory_space<vmem_shared>> -> memref<102416xf32, #tpu.memory_space<vmem_shared>>
            tpu.enqueue_indirect_dma source(%arg13 : memref<16xf32, #tpu.memory_space<vmem>>) target(%dma_start3A_520 : memref<102416xf32, #tpu.memory_space<vmem_shared>>) offsets(%select_n3A_519 : vector<16xi32>) semaphore(%run_scoped3A : memref<!tpu.dma_semaphore, #tpu.memory_space<semaphore_mem>>) {add = true}
            %dma_wait3A = arith.constant 0 : i32
            %dma_wait3A_521 = tpu.memref_slice %arg14[%dma_wait3A] : memref<102416xf32, #tpu.memory_space<vmem_shared>> -> memref<102416xf32, #tpu.memory_space<vmem_shared>>
            tpu.wait_indirect_dma semaphore(%run_scoped3A : memref<!tpu.dma_semaphore, #tpu.memory_space<semaphore_mem>>) src(%arg13 : memref<16xf32, #tpu.memory_space<vmem>>) dst(%dma_wait3A_521 : memref<102416xf32, #tpu.memory_space<vmem_shared>>)
            tpu.yield
          }) : () -> ()
        } else {
        }
        %and3A_366 = arith.constant 64 : i32
        %and3A_367 = vector.broadcast %and3A_366 : i32 to vector<16xi32>
        %and3A_368 = arith.andi %gather3A_42, %and3A_367 : vector<16xi32>
        %ne3A_369 = arith.constant 0 : i32
        %ne3A_370 = vector.broadcast %ne3A_369 : i32 to vector<16xi32>
        %ne3A_371 = arith.cmpi ne, %and3A_368, %ne3A_370 : vector<16xi32>
        %and3A_372 = arith.andi %lt3A_37, %ne3A_371 : vector<16xi1>
        %reduce_or3A_373 = arith.constant 1.000000e+00 : f32
        %reduce_or3A_374 = arith.constant 0.000000e+00 : f32
        %reduce_or3A_375 = vector.broadcast %reduce_or3A_373 : f32 to vector<16xf32>
        %reduce_or3A_376 = vector.broadcast %reduce_or3A_374 : f32 to vector<16xf32>
        %reduce_or3A_377 = arith.select %and3A_372, %reduce_or3A_375, %reduce_or3A_376 : vector<16xi1>, vector<16xf32>
        %reduce_or3A_378 = arith.constant true
        %reduce_or3A_379 = vector.broadcast %reduce_or3A_378 : i1 to vector<16xi1>
        %reduce_or3A_380 = tpu.scan <max>, %reduce_or3A_377 masked %reduce_or3A_379 : vector<16xf32>, vector<16xi1> -> vector<16xf32>
        %reduce_or3A_381 = vector.extract %reduce_or3A_380[15] : f32 from vector<16xf32>
        %reduce_or3A_382 = arith.constant 0.000000e+00 : f32
        %reduce_or3A_383 = arith.cmpf ogt, %reduce_or3A_381, %reduce_or3A_382 : f32
        %convert_element_type3A_384 = arith.extui %reduce_or3A_383 : i1 to i32
        %cond3A_385 = arith.constant 0 : i32
        %cond3A_386 = arith.cmpi ne, %convert_element_type3A_384, %cond3A_385 : i32
        scf.if %cond3A_386 {
          %add3A_513 = arith.constant 61440 : i32
          %add3A_514 = vector.broadcast %add3A_513 : i32 to vector<16xi32>
          %add3A_515 = arith.addi %add3A_514, %get3A_39 : vector<16xi32>
          %add3A_516 = arith.constant 102400 : i32
          %add3A_517 = vector.broadcast %add3A_516 : i32 to vector<16xi32>
          %add3A_518 = arith.addi %add3A_517, %iota3A : vector<16xi32>
          %select_n3A_519 = arith.select %and3A_372, %add3A_515, %add3A_518 : vector<16xi1>, vector<16xi32>
          "tpu.region"() ({
            %run_scoped3A = tpu.sem_alloc : memref<!tpu.dma_semaphore, #tpu.memory_space<semaphore_mem>>
            %dma_start3A = arith.constant 0 : i32
            %dma_start3A_520 = tpu.memref_slice %arg14[%dma_start3A] : memref<102416xf32, #tpu.memory_space<vmem_shared>> -> memref<102416xf32, #tpu.memory_space<vmem_shared>>
            tpu.enqueue_indirect_dma source(%arg13 : memref<16xf32, #tpu.memory_space<vmem>>) target(%dma_start3A_520 : memref<102416xf32, #tpu.memory_space<vmem_shared>>) offsets(%select_n3A_519 : vector<16xi32>) semaphore(%run_scoped3A : memref<!tpu.dma_semaphore, #tpu.memory_space<semaphore_mem>>) {add = true}
            %dma_wait3A = arith.constant 0 : i32
            %dma_wait3A_521 = tpu.memref_slice %arg14[%dma_wait3A] : memref<102416xf32, #tpu.memory_space<vmem_shared>> -> memref<102416xf32, #tpu.memory_space<vmem_shared>>
            tpu.wait_indirect_dma semaphore(%run_scoped3A : memref<!tpu.dma_semaphore, #tpu.memory_space<semaphore_mem>>) src(%arg13 : memref<16xf32, #tpu.memory_space<vmem>>) dst(%dma_wait3A_521 : memref<102416xf32, #tpu.memory_space<vmem_shared>>)
            tpu.yield
          }) : () -> ()
        } else {
        }
        %and3A_387 = arith.constant 128 : i32
        %and3A_388 = vector.broadcast %and3A_387 : i32 to vector<16xi32>
        %and3A_389 = arith.andi %gather3A, %and3A_388 : vector<16xi32>
        %ne3A_390 = arith.constant 0 : i32
        %ne3A_391 = vector.broadcast %ne3A_390 : i32 to vector<16xi32>
        %ne3A_392 = arith.cmpi ne, %and3A_389, %ne3A_391 : vector<16xi32>
        %and3A_393 = arith.andi %lt3A_37, %ne3A_392 : vector<16xi1>
        %reduce_or3A_394 = arith.constant 1.000000e+00 : f32
        %reduce_or3A_395 = arith.constant 0.000000e+00 : f32
        %reduce_or3A_396 = vector.broadcast %reduce_or3A_394 : f32 to vector<16xf32>
        %reduce_or3A_397 = vector.broadcast %reduce_or3A_395 : f32 to vector<16xf32>
        %reduce_or3A_398 = arith.select %and3A_393, %reduce_or3A_396, %reduce_or3A_397 : vector<16xi1>, vector<16xf32>
        %reduce_or3A_399 = arith.constant true
        %reduce_or3A_400 = vector.broadcast %reduce_or3A_399 : i1 to vector<16xi1>
        %reduce_or3A_401 = tpu.scan <max>, %reduce_or3A_398 masked %reduce_or3A_400 : vector<16xf32>, vector<16xi1> -> vector<16xf32>
        %reduce_or3A_402 = vector.extract %reduce_or3A_401[15] : f32 from vector<16xf32>
        %reduce_or3A_403 = arith.constant 0.000000e+00 : f32
        %reduce_or3A_404 = arith.cmpf ogt, %reduce_or3A_402, %reduce_or3A_403 : f32
        %convert_element_type3A_405 = arith.extui %reduce_or3A_404 : i1 to i32
        %cond3A_406 = arith.constant 0 : i32
        %cond3A_407 = arith.cmpi ne, %convert_element_type3A_405, %cond3A_406 : i32
        scf.if %cond3A_407 {
          %add3A_513 = arith.constant 71680 : i32
          %add3A_514 = vector.broadcast %add3A_513 : i32 to vector<16xi32>
          %add3A_515 = arith.addi %add3A_514, %get3A_41 : vector<16xi32>
          %add3A_516 = arith.constant 102400 : i32
          %add3A_517 = vector.broadcast %add3A_516 : i32 to vector<16xi32>
          %add3A_518 = arith.addi %add3A_517, %iota3A : vector<16xi32>
          %select_n3A_519 = arith.select %and3A_393, %add3A_515, %add3A_518 : vector<16xi1>, vector<16xi32>
          "tpu.region"() ({
            %run_scoped3A = tpu.sem_alloc : memref<!tpu.dma_semaphore, #tpu.memory_space<semaphore_mem>>
            %dma_start3A = arith.constant 0 : i32
            %dma_start3A_520 = tpu.memref_slice %arg14[%dma_start3A] : memref<102416xf32, #tpu.memory_space<vmem_shared>> -> memref<102416xf32, #tpu.memory_space<vmem_shared>>
            tpu.enqueue_indirect_dma source(%arg13 : memref<16xf32, #tpu.memory_space<vmem>>) target(%dma_start3A_520 : memref<102416xf32, #tpu.memory_space<vmem_shared>>) offsets(%select_n3A_519 : vector<16xi32>) semaphore(%run_scoped3A : memref<!tpu.dma_semaphore, #tpu.memory_space<semaphore_mem>>) {add = true}
            %dma_wait3A = arith.constant 0 : i32
            %dma_wait3A_521 = tpu.memref_slice %arg14[%dma_wait3A] : memref<102416xf32, #tpu.memory_space<vmem_shared>> -> memref<102416xf32, #tpu.memory_space<vmem_shared>>
            tpu.wait_indirect_dma semaphore(%run_scoped3A : memref<!tpu.dma_semaphore, #tpu.memory_space<semaphore_mem>>) src(%arg13 : memref<16xf32, #tpu.memory_space<vmem>>) dst(%dma_wait3A_521 : memref<102416xf32, #tpu.memory_space<vmem_shared>>)
            tpu.yield
          }) : () -> ()
        } else {
        }
        %and3A_408 = arith.constant 128 : i32
        %and3A_409 = vector.broadcast %and3A_408 : i32 to vector<16xi32>
        %and3A_410 = arith.andi %gather3A_42, %and3A_409 : vector<16xi32>
        %ne3A_411 = arith.constant 0 : i32
        %ne3A_412 = vector.broadcast %ne3A_411 : i32 to vector<16xi32>
        %ne3A_413 = arith.cmpi ne, %and3A_410, %ne3A_412 : vector<16xi32>
        %and3A_414 = arith.andi %lt3A_37, %ne3A_413 : vector<16xi1>
        %reduce_or3A_415 = arith.constant 1.000000e+00 : f32
        %reduce_or3A_416 = arith.constant 0.000000e+00 : f32
        %reduce_or3A_417 = vector.broadcast %reduce_or3A_415 : f32 to vector<16xf32>
        %reduce_or3A_418 = vector.broadcast %reduce_or3A_416 : f32 to vector<16xf32>
        %reduce_or3A_419 = arith.select %and3A_414, %reduce_or3A_417, %reduce_or3A_418 : vector<16xi1>, vector<16xf32>
        %reduce_or3A_420 = arith.constant true
        %reduce_or3A_421 = vector.broadcast %reduce_or3A_420 : i1 to vector<16xi1>
        %reduce_or3A_422 = tpu.scan <max>, %reduce_or3A_419 masked %reduce_or3A_421 : vector<16xf32>, vector<16xi1> -> vector<16xf32>
        %reduce_or3A_423 = vector.extract %reduce_or3A_422[15] : f32 from vector<16xf32>
        %reduce_or3A_424 = arith.constant 0.000000e+00 : f32
        %reduce_or3A_425 = arith.cmpf ogt, %reduce_or3A_423, %reduce_or3A_424 : f32
        %convert_element_type3A_426 = arith.extui %reduce_or3A_425 : i1 to i32
        %cond3A_427 = arith.constant 0 : i32
        %cond3A_428 = arith.cmpi ne, %convert_element_type3A_426, %cond3A_427 : i32
        scf.if %cond3A_428 {
          %add3A_513 = arith.constant 71680 : i32
          %add3A_514 = vector.broadcast %add3A_513 : i32 to vector<16xi32>
          %add3A_515 = arith.addi %add3A_514, %get3A_39 : vector<16xi32>
          %add3A_516 = arith.constant 102400 : i32
          %add3A_517 = vector.broadcast %add3A_516 : i32 to vector<16xi32>
          %add3A_518 = arith.addi %add3A_517, %iota3A : vector<16xi32>
          %select_n3A_519 = arith.select %and3A_414, %add3A_515, %add3A_518 : vector<16xi1>, vector<16xi32>
          "tpu.region"() ({
            %run_scoped3A = tpu.sem_alloc : memref<!tpu.dma_semaphore, #tpu.memory_space<semaphore_mem>>
            %dma_start3A = arith.constant 0 : i32
            %dma_start3A_520 = tpu.memref_slice %arg14[%dma_start3A] : memref<102416xf32, #tpu.memory_space<vmem_shared>> -> memref<102416xf32, #tpu.memory_space<vmem_shared>>
            tpu.enqueue_indirect_dma source(%arg13 : memref<16xf32, #tpu.memory_space<vmem>>) target(%dma_start3A_520 : memref<102416xf32, #tpu.memory_space<vmem_shared>>) offsets(%select_n3A_519 : vector<16xi32>) semaphore(%run_scoped3A : memref<!tpu.dma_semaphore, #tpu.memory_space<semaphore_mem>>) {add = true}
            %dma_wait3A = arith.constant 0 : i32
            %dma_wait3A_521 = tpu.memref_slice %arg14[%dma_wait3A] : memref<102416xf32, #tpu.memory_space<vmem_shared>> -> memref<102416xf32, #tpu.memory_space<vmem_shared>>
            tpu.wait_indirect_dma semaphore(%run_scoped3A : memref<!tpu.dma_semaphore, #tpu.memory_space<semaphore_mem>>) src(%arg13 : memref<16xf32, #tpu.memory_space<vmem>>) dst(%dma_wait3A_521 : memref<102416xf32, #tpu.memory_space<vmem_shared>>)
            tpu.yield
          }) : () -> ()
        } else {
        }
        %and3A_429 = arith.constant 256 : i32
        %and3A_430 = vector.broadcast %and3A_429 : i32 to vector<16xi32>
        %and3A_431 = arith.andi %gather3A, %and3A_430 : vector<16xi32>
        %ne3A_432 = arith.constant 0 : i32
        %ne3A_433 = vector.broadcast %ne3A_432 : i32 to vector<16xi32>
        %ne3A_434 = arith.cmpi ne, %and3A_431, %ne3A_433 : vector<16xi32>
        %and3A_435 = arith.andi %lt3A_37, %ne3A_434 : vector<16xi1>
        %reduce_or3A_436 = arith.constant 1.000000e+00 : f32
        %reduce_or3A_437 = arith.constant 0.000000e+00 : f32
        %reduce_or3A_438 = vector.broadcast %reduce_or3A_436 : f32 to vector<16xf32>
        %reduce_or3A_439 = vector.broadcast %reduce_or3A_437 : f32 to vector<16xf32>
        %reduce_or3A_440 = arith.select %and3A_435, %reduce_or3A_438, %reduce_or3A_439 : vector<16xi1>, vector<16xf32>
        %reduce_or3A_441 = arith.constant true
        %reduce_or3A_442 = vector.broadcast %reduce_or3A_441 : i1 to vector<16xi1>
        %reduce_or3A_443 = tpu.scan <max>, %reduce_or3A_440 masked %reduce_or3A_442 : vector<16xf32>, vector<16xi1> -> vector<16xf32>
        %reduce_or3A_444 = vector.extract %reduce_or3A_443[15] : f32 from vector<16xf32>
        %reduce_or3A_445 = arith.constant 0.000000e+00 : f32
        %reduce_or3A_446 = arith.cmpf ogt, %reduce_or3A_444, %reduce_or3A_445 : f32
        %convert_element_type3A_447 = arith.extui %reduce_or3A_446 : i1 to i32
        %cond3A_448 = arith.constant 0 : i32
        %cond3A_449 = arith.cmpi ne, %convert_element_type3A_447, %cond3A_448 : i32
        scf.if %cond3A_449 {
          %add3A_513 = arith.constant 81920 : i32
          %add3A_514 = vector.broadcast %add3A_513 : i32 to vector<16xi32>
          %add3A_515 = arith.addi %add3A_514, %get3A_41 : vector<16xi32>
          %add3A_516 = arith.constant 102400 : i32
          %add3A_517 = vector.broadcast %add3A_516 : i32 to vector<16xi32>
          %add3A_518 = arith.addi %add3A_517, %iota3A : vector<16xi32>
          %select_n3A_519 = arith.select %and3A_435, %add3A_515, %add3A_518 : vector<16xi1>, vector<16xi32>
          "tpu.region"() ({
            %run_scoped3A = tpu.sem_alloc : memref<!tpu.dma_semaphore, #tpu.memory_space<semaphore_mem>>
            %dma_start3A = arith.constant 0 : i32
            %dma_start3A_520 = tpu.memref_slice %arg14[%dma_start3A] : memref<102416xf32, #tpu.memory_space<vmem_shared>> -> memref<102416xf32, #tpu.memory_space<vmem_shared>>
            tpu.enqueue_indirect_dma source(%arg13 : memref<16xf32, #tpu.memory_space<vmem>>) target(%dma_start3A_520 : memref<102416xf32, #tpu.memory_space<vmem_shared>>) offsets(%select_n3A_519 : vector<16xi32>) semaphore(%run_scoped3A : memref<!tpu.dma_semaphore, #tpu.memory_space<semaphore_mem>>) {add = true}
            %dma_wait3A = arith.constant 0 : i32
            %dma_wait3A_521 = tpu.memref_slice %arg14[%dma_wait3A] : memref<102416xf32, #tpu.memory_space<vmem_shared>> -> memref<102416xf32, #tpu.memory_space<vmem_shared>>
            tpu.wait_indirect_dma semaphore(%run_scoped3A : memref<!tpu.dma_semaphore, #tpu.memory_space<semaphore_mem>>) src(%arg13 : memref<16xf32, #tpu.memory_space<vmem>>) dst(%dma_wait3A_521 : memref<102416xf32, #tpu.memory_space<vmem_shared>>)
            tpu.yield
          }) : () -> ()
        } else {
        }
        %and3A_450 = arith.constant 256 : i32
        %and3A_451 = vector.broadcast %and3A_450 : i32 to vector<16xi32>
        %and3A_452 = arith.andi %gather3A_42, %and3A_451 : vector<16xi32>
        %ne3A_453 = arith.constant 0 : i32
        %ne3A_454 = vector.broadcast %ne3A_453 : i32 to vector<16xi32>
        %ne3A_455 = arith.cmpi ne, %and3A_452, %ne3A_454 : vector<16xi32>
        %and3A_456 = arith.andi %lt3A_37, %ne3A_455 : vector<16xi1>
        %reduce_or3A_457 = arith.constant 1.000000e+00 : f32
        %reduce_or3A_458 = arith.constant 0.000000e+00 : f32
        %reduce_or3A_459 = vector.broadcast %reduce_or3A_457 : f32 to vector<16xf32>
        %reduce_or3A_460 = vector.broadcast %reduce_or3A_458 : f32 to vector<16xf32>
        %reduce_or3A_461 = arith.select %and3A_456, %reduce_or3A_459, %reduce_or3A_460 : vector<16xi1>, vector<16xf32>
        %reduce_or3A_462 = arith.constant true
        %reduce_or3A_463 = vector.broadcast %reduce_or3A_462 : i1 to vector<16xi1>
        %reduce_or3A_464 = tpu.scan <max>, %reduce_or3A_461 masked %reduce_or3A_463 : vector<16xf32>, vector<16xi1> -> vector<16xf32>
        %reduce_or3A_465 = vector.extract %reduce_or3A_464[15] : f32 from vector<16xf32>
        %reduce_or3A_466 = arith.constant 0.000000e+00 : f32
        %reduce_or3A_467 = arith.cmpf ogt, %reduce_or3A_465, %reduce_or3A_466 : f32
        %convert_element_type3A_468 = arith.extui %reduce_or3A_467 : i1 to i32
        %cond3A_469 = arith.constant 0 : i32
        %cond3A_470 = arith.cmpi ne, %convert_element_type3A_468, %cond3A_469 : i32
        scf.if %cond3A_470 {
          %add3A_513 = arith.constant 81920 : i32
          %add3A_514 = vector.broadcast %add3A_513 : i32 to vector<16xi32>
          %add3A_515 = arith.addi %add3A_514, %get3A_39 : vector<16xi32>
          %add3A_516 = arith.constant 102400 : i32
          %add3A_517 = vector.broadcast %add3A_516 : i32 to vector<16xi32>
          %add3A_518 = arith.addi %add3A_517, %iota3A : vector<16xi32>
          %select_n3A_519 = arith.select %and3A_456, %add3A_515, %add3A_518 : vector<16xi1>, vector<16xi32>
          "tpu.region"() ({
            %run_scoped3A = tpu.sem_alloc : memref<!tpu.dma_semaphore, #tpu.memory_space<semaphore_mem>>
            %dma_start3A = arith.constant 0 : i32
            %dma_start3A_520 = tpu.memref_slice %arg14[%dma_start3A] : memref<102416xf32, #tpu.memory_space<vmem_shared>> -> memref<102416xf32, #tpu.memory_space<vmem_shared>>
            tpu.enqueue_indirect_dma source(%arg13 : memref<16xf32, #tpu.memory_space<vmem>>) target(%dma_start3A_520 : memref<102416xf32, #tpu.memory_space<vmem_shared>>) offsets(%select_n3A_519 : vector<16xi32>) semaphore(%run_scoped3A : memref<!tpu.dma_semaphore, #tpu.memory_space<semaphore_mem>>) {add = true}
            %dma_wait3A = arith.constant 0 : i32
            %dma_wait3A_521 = tpu.memref_slice %arg14[%dma_wait3A] : memref<102416xf32, #tpu.memory_space<vmem_shared>> -> memref<102416xf32, #tpu.memory_space<vmem_shared>>
            tpu.wait_indirect_dma semaphore(%run_scoped3A : memref<!tpu.dma_semaphore, #tpu.memory_space<semaphore_mem>>) src(%arg13 : memref<16xf32, #tpu.memory_space<vmem>>) dst(%dma_wait3A_521 : memref<102416xf32, #tpu.memory_space<vmem_shared>>)
            tpu.yield
          }) : () -> ()
        } else {
        }
        %and3A_471 = arith.constant 512 : i32
        %and3A_472 = vector.broadcast %and3A_471 : i32 to vector<16xi32>
        %and3A_473 = arith.andi %gather3A, %and3A_472 : vector<16xi32>
        %ne3A_474 = arith.constant 0 : i32
        %ne3A_475 = vector.broadcast %ne3A_474 : i32 to vector<16xi32>
        %ne3A_476 = arith.cmpi ne, %and3A_473, %ne3A_475 : vector<16xi32>
        %and3A_477 = arith.andi %lt3A_37, %ne3A_476 : vector<16xi1>
        %reduce_or3A_478 = arith.constant 1.000000e+00 : f32
        %reduce_or3A_479 = arith.constant 0.000000e+00 : f32
        %reduce_or3A_480 = vector.broadcast %reduce_or3A_478 : f32 to vector<16xf32>
        %reduce_or3A_481 = vector.broadcast %reduce_or3A_479 : f32 to vector<16xf32>
        %reduce_or3A_482 = arith.select %and3A_477, %reduce_or3A_480, %reduce_or3A_481 : vector<16xi1>, vector<16xf32>
        %reduce_or3A_483 = arith.constant true
        %reduce_or3A_484 = vector.broadcast %reduce_or3A_483 : i1 to vector<16xi1>
        %reduce_or3A_485 = tpu.scan <max>, %reduce_or3A_482 masked %reduce_or3A_484 : vector<16xf32>, vector<16xi1> -> vector<16xf32>
        %reduce_or3A_486 = vector.extract %reduce_or3A_485[15] : f32 from vector<16xf32>
        %reduce_or3A_487 = arith.constant 0.000000e+00 : f32
        %reduce_or3A_488 = arith.cmpf ogt, %reduce_or3A_486, %reduce_or3A_487 : f32
        %convert_element_type3A_489 = arith.extui %reduce_or3A_488 : i1 to i32
        %cond3A_490 = arith.constant 0 : i32
        %cond3A_491 = arith.cmpi ne, %convert_element_type3A_489, %cond3A_490 : i32
        scf.if %cond3A_491 {
          %add3A_513 = arith.constant 92160 : i32
          %add3A_514 = vector.broadcast %add3A_513 : i32 to vector<16xi32>
          %add3A_515 = arith.addi %add3A_514, %get3A_41 : vector<16xi32>
          %add3A_516 = arith.constant 102400 : i32
          %add3A_517 = vector.broadcast %add3A_516 : i32 to vector<16xi32>
          %add3A_518 = arith.addi %add3A_517, %iota3A : vector<16xi32>
          %select_n3A_519 = arith.select %and3A_477, %add3A_515, %add3A_518 : vector<16xi1>, vector<16xi32>
          "tpu.region"() ({
            %run_scoped3A = tpu.sem_alloc : memref<!tpu.dma_semaphore, #tpu.memory_space<semaphore_mem>>
            %dma_start3A = arith.constant 0 : i32
            %dma_start3A_520 = tpu.memref_slice %arg14[%dma_start3A] : memref<102416xf32, #tpu.memory_space<vmem_shared>> -> memref<102416xf32, #tpu.memory_space<vmem_shared>>
            tpu.enqueue_indirect_dma source(%arg13 : memref<16xf32, #tpu.memory_space<vmem>>) target(%dma_start3A_520 : memref<102416xf32, #tpu.memory_space<vmem_shared>>) offsets(%select_n3A_519 : vector<16xi32>) semaphore(%run_scoped3A : memref<!tpu.dma_semaphore, #tpu.memory_space<semaphore_mem>>) {add = true}
            %dma_wait3A = arith.constant 0 : i32
            %dma_wait3A_521 = tpu.memref_slice %arg14[%dma_wait3A] : memref<102416xf32, #tpu.memory_space<vmem_shared>> -> memref<102416xf32, #tpu.memory_space<vmem_shared>>
            tpu.wait_indirect_dma semaphore(%run_scoped3A : memref<!tpu.dma_semaphore, #tpu.memory_space<semaphore_mem>>) src(%arg13 : memref<16xf32, #tpu.memory_space<vmem>>) dst(%dma_wait3A_521 : memref<102416xf32, #tpu.memory_space<vmem_shared>>)
            tpu.yield
          }) : () -> ()
        } else {
        }
        %and3A_492 = arith.constant 512 : i32
        %and3A_493 = vector.broadcast %and3A_492 : i32 to vector<16xi32>
        %and3A_494 = arith.andi %gather3A_42, %and3A_493 : vector<16xi32>
        %ne3A_495 = arith.constant 0 : i32
        %ne3A_496 = vector.broadcast %ne3A_495 : i32 to vector<16xi32>
        %ne3A_497 = arith.cmpi ne, %and3A_494, %ne3A_496 : vector<16xi32>
        %and3A_498 = arith.andi %lt3A_37, %ne3A_497 : vector<16xi1>
        %reduce_or3A_499 = arith.constant 1.000000e+00 : f32
        %reduce_or3A_500 = arith.constant 0.000000e+00 : f32
        %reduce_or3A_501 = vector.broadcast %reduce_or3A_499 : f32 to vector<16xf32>
        %reduce_or3A_502 = vector.broadcast %reduce_or3A_500 : f32 to vector<16xf32>
        %reduce_or3A_503 = arith.select %and3A_498, %reduce_or3A_501, %reduce_or3A_502 : vector<16xi1>, vector<16xf32>
        %reduce_or3A_504 = arith.constant true
        %reduce_or3A_505 = vector.broadcast %reduce_or3A_504 : i1 to vector<16xi1>
        %reduce_or3A_506 = tpu.scan <max>, %reduce_or3A_503 masked %reduce_or3A_505 : vector<16xf32>, vector<16xi1> -> vector<16xf32>
        %reduce_or3A_507 = vector.extract %reduce_or3A_506[15] : f32 from vector<16xf32>
        %reduce_or3A_508 = arith.constant 0.000000e+00 : f32
        %reduce_or3A_509 = arith.cmpf ogt, %reduce_or3A_507, %reduce_or3A_508 : f32
        %convert_element_type3A_510 = arith.extui %reduce_or3A_509 : i1 to i32
        %cond3A_511 = arith.constant 0 : i32
        %cond3A_512 = arith.cmpi ne, %convert_element_type3A_510, %cond3A_511 : i32
        scf.if %cond3A_512 {
          %add3A_513 = arith.constant 92160 : i32
          %add3A_514 = vector.broadcast %add3A_513 : i32 to vector<16xi32>
          %add3A_515 = arith.addi %add3A_514, %get3A_39 : vector<16xi32>
          %add3A_516 = arith.constant 102400 : i32
          %add3A_517 = vector.broadcast %add3A_516 : i32 to vector<16xi32>
          %add3A_518 = arith.addi %add3A_517, %iota3A : vector<16xi32>
          %select_n3A_519 = arith.select %and3A_498, %add3A_515, %add3A_518 : vector<16xi1>, vector<16xi32>
          "tpu.region"() ({
            %run_scoped3A = tpu.sem_alloc : memref<!tpu.dma_semaphore, #tpu.memory_space<semaphore_mem>>
            %dma_start3A = arith.constant 0 : i32
            %dma_start3A_520 = tpu.memref_slice %arg14[%dma_start3A] : memref<102416xf32, #tpu.memory_space<vmem_shared>> -> memref<102416xf32, #tpu.memory_space<vmem_shared>>
            tpu.enqueue_indirect_dma source(%arg13 : memref<16xf32, #tpu.memory_space<vmem>>) target(%dma_start3A_520 : memref<102416xf32, #tpu.memory_space<vmem_shared>>) offsets(%select_n3A_519 : vector<16xi32>) semaphore(%run_scoped3A : memref<!tpu.dma_semaphore, #tpu.memory_space<semaphore_mem>>) {add = true}
            %dma_wait3A = arith.constant 0 : i32
            %dma_wait3A_521 = tpu.memref_slice %arg14[%dma_wait3A] : memref<102416xf32, #tpu.memory_space<vmem_shared>> -> memref<102416xf32, #tpu.memory_space<vmem_shared>>
            tpu.wait_indirect_dma semaphore(%run_scoped3A : memref<!tpu.dma_semaphore, #tpu.memory_space<semaphore_mem>>) src(%arg13 : memref<16xf32, #tpu.memory_space<vmem>>) dst(%dma_wait3A_521 : memref<102416xf32, #tpu.memory_space<vmem_shared>>)
            tpu.yield
          }) : () -> ()
        } else {
        }
      } else {
      }
      %mul3A_58 = arith.constant 16 : i32
      %mul3A_59 = arith.muli %scan3A_28, %mul3A_58 : i32
      %mul3A_60 = arith.constant 2 : i32
      %mul3A_61 = arith.muli %mul3A_59, %mul3A_60 : i32
      %add3A_62 = arith.constant 16 : i32
      %add3A_63 = arith.addi %mul3A_61, %add3A_62 : i32
      %sub3A_64 = arith.constant 5000 : i32
      %sub3A_65 = arith.subi %sub3A_64, %add3A_63 : i32
      %lt3A_66 = vector.broadcast %sub3A_65 : i32 to vector<16xi32>
      %lt3A_67 = arith.cmpi slt, %iota3A, %lt3A_66 : vector<16xi32>
      %get3A_68 = arith.index_cast %add3A_63 : i32 to index
      %get3A_69 = tpu.vector_load %arg8[%get3A_68] {strides = array<i32>} : memref<5032xi32, #tpu.memory_space<vmem>>, vector<16xi32>,
      %get3A_70 = arith.index_cast %add3A_63 : i32 to index
      %get3A_71 = tpu.vector_load %arg9[%get3A_70] {strides = array<i32>} : memref<5032xi32, #tpu.memory_space<vmem>>, vector<16xi32>,
      tpu.vector_store_idx %arg11[%get3A_69], %broadcast_in_dim3A_10 masked %lt3A_67 {add = true} : memref<10240xf32, #tpu.memory_space<vmem>>[vector<16xi32>], vector<16xf32>, vector<16xi1>
      tpu.vector_store_idx %arg11[%get3A_71], %broadcast_in_dim3A_10 masked %lt3A_67 {add = true} : memref<10240xf32, #tpu.memory_space<vmem>>[vector<16xi32>], vector<16xf32>, vector<16xi1>
      %gather3A_72 = tpu.vector_load_idx %arg12[%get3A_69] masked %lt3A_67 : memref<10240xi32, #tpu.memory_space<vmem>>[vector<16xi32>], vector<16xi32>, vector<16xi1>
      %gather3A_73 = tpu.vector_load_idx %arg12[%get3A_71] masked %lt3A_67 : memref<10240xi32, #tpu.memory_space<vmem>>[vector<16xi32>], vector<16xi32>, vector<16xi1>
      %or3A_74 = arith.ori %gather3A_72, %gather3A_73 : vector<16xi32>
      %ne3A_75 = arith.constant 0 : i32
      %ne3A_76 = vector.broadcast %ne3A_75 : i32 to vector<16xi32>
      %ne3A_77 = arith.cmpi ne, %or3A_74, %ne3A_76 : vector<16xi32>
      %and3A_78 = arith.andi %lt3A_67, %ne3A_77 : vector<16xi1>
      %reduce_or3A_79 = arith.constant 1.000000e+00 : f32
      %reduce_or3A_80 = arith.constant 0.000000e+00 : f32
      %reduce_or3A_81 = vector.broadcast %reduce_or3A_79 : f32 to vector<16xf32>
      %reduce_or3A_82 = vector.broadcast %reduce_or3A_80 : f32 to vector<16xf32>
      %reduce_or3A_83 = arith.select %and3A_78, %reduce_or3A_81, %reduce_or3A_82 : vector<16xi1>, vector<16xf32>
      %reduce_or3A_84 = arith.constant true
      %reduce_or3A_85 = vector.broadcast %reduce_or3A_84 : i1 to vector<16xi1>
      %reduce_or3A_86 = tpu.scan <max>, %reduce_or3A_83 masked %reduce_or3A_85 : vector<16xf32>, vector<16xi1> -> vector<16xf32>
      %reduce_or3A_87 = vector.extract %reduce_or3A_86[15] : f32 from vector<16xf32>
      %reduce_or3A_88 = arith.constant 0.000000e+00 : f32
      %reduce_or3A_89 = arith.cmpf ogt, %reduce_or3A_87, %reduce_or3A_88 : f32
      %convert_element_type3A_90 = arith.extui %reduce_or3A_89 : i1 to i32
      %cond3A_91 = arith.constant 0 : i32
      %cond3A_92 = arith.cmpi ne, %convert_element_type3A_90, %cond3A_91 : i32
      scf.if %cond3A_92 {
        %and3A_93 = arith.constant 1 : i32
        %and3A_94 = vector.broadcast %and3A_93 : i32 to vector<16xi32>
        %and3A_95 = arith.andi %gather3A_72, %and3A_94 : vector<16xi32>
        %ne3A_96 = arith.constant 0 : i32
        %ne3A_97 = vector.broadcast %ne3A_96 : i32 to vector<16xi32>
        %ne3A_98 = arith.cmpi ne, %and3A_95, %ne3A_97 : vector<16xi32>
        %and3A_99 = arith.andi %lt3A_67, %ne3A_98 : vector<16xi1>
        %reduce_or3A_100 = arith.constant 1.000000e+00 : f32
        %reduce_or3A_101 = arith.constant 0.000000e+00 : f32
        %reduce_or3A_102 = vector.broadcast %reduce_or3A_100 : f32 to vector<16xf32>
        %reduce_or3A_103 = vector.broadcast %reduce_or3A_101 : f32 to vector<16xf32>
        %reduce_or3A_104 = arith.select %and3A_99, %reduce_or3A_102, %reduce_or3A_103 : vector<16xi1>, vector<16xf32>
        %reduce_or3A_105 = arith.constant true
        %reduce_or3A_106 = vector.broadcast %reduce_or3A_105 : i1 to vector<16xi1>
        %reduce_or3A_107 = tpu.scan <max>, %reduce_or3A_104 masked %reduce_or3A_106 : vector<16xf32>, vector<16xi1> -> vector<16xf32>
        %reduce_or3A_108 = vector.extract %reduce_or3A_107[15] : f32 from vector<16xf32>
        %reduce_or3A_109 = arith.constant 0.000000e+00 : f32
        %reduce_or3A_110 = arith.cmpf ogt, %reduce_or3A_108, %reduce_or3A_109 : f32
        %convert_element_type3A_111 = arith.extui %reduce_or3A_110 : i1 to i32
        %cond3A_112 = arith.constant 0 : i32
        %cond3A_113 = arith.cmpi ne, %convert_element_type3A_111, %cond3A_112 : i32
        scf.if %cond3A_113 {
          %add3A_513 = arith.constant 0 : i32
          %add3A_514 = vector.broadcast %add3A_513 : i32 to vector<16xi32>
          %add3A_515 = arith.addi %add3A_514, %get3A_71 : vector<16xi32>
          %add3A_516 = arith.constant 102400 : i32
          %add3A_517 = vector.broadcast %add3A_516 : i32 to vector<16xi32>
          %add3A_518 = arith.addi %add3A_517, %iota3A : vector<16xi32>
          %select_n3A_519 = arith.select %and3A_99, %add3A_515, %add3A_518 : vector<16xi1>, vector<16xi32>
          "tpu.region"() ({
            %run_scoped3A = tpu.sem_alloc : memref<!tpu.dma_semaphore, #tpu.memory_space<semaphore_mem>>
            %dma_start3A = arith.constant 0 : i32
            %dma_start3A_520 = tpu.memref_slice %arg14[%dma_start3A] : memref<102416xf32, #tpu.memory_space<vmem_shared>> -> memref<102416xf32, #tpu.memory_space<vmem_shared>>
            tpu.enqueue_indirect_dma source(%arg13 : memref<16xf32, #tpu.memory_space<vmem>>) target(%dma_start3A_520 : memref<102416xf32, #tpu.memory_space<vmem_shared>>) offsets(%select_n3A_519 : vector<16xi32>) semaphore(%run_scoped3A : memref<!tpu.dma_semaphore, #tpu.memory_space<semaphore_mem>>) {add = true}
            %dma_wait3A = arith.constant 0 : i32
            %dma_wait3A_521 = tpu.memref_slice %arg14[%dma_wait3A] : memref<102416xf32, #tpu.memory_space<vmem_shared>> -> memref<102416xf32, #tpu.memory_space<vmem_shared>>
            tpu.wait_indirect_dma semaphore(%run_scoped3A : memref<!tpu.dma_semaphore, #tpu.memory_space<semaphore_mem>>) src(%arg13 : memref<16xf32, #tpu.memory_space<vmem>>) dst(%dma_wait3A_521 : memref<102416xf32, #tpu.memory_space<vmem_shared>>)
            tpu.yield
          }) : () -> ()
        } else {
        }
        %and3A_114 = arith.constant 1 : i32
        %and3A_115 = vector.broadcast %and3A_114 : i32 to vector<16xi32>
        %and3A_116 = arith.andi %gather3A_73, %and3A_115 : vector<16xi32>
        %ne3A_117 = arith.constant 0 : i32
        %ne3A_118 = vector.broadcast %ne3A_117 : i32 to vector<16xi32>
        %ne3A_119 = arith.cmpi ne, %and3A_116, %ne3A_118 : vector<16xi32>
        %and3A_120 = arith.andi %lt3A_67, %ne3A_119 : vector<16xi1>
        %reduce_or3A_121 = arith.constant 1.000000e+00 : f32
        %reduce_or3A_122 = arith.constant 0.000000e+00 : f32
        %reduce_or3A_123 = vector.broadcast %reduce_or3A_121 : f32 to vector<16xf32>
        %reduce_or3A_124 = vector.broadcast %reduce_or3A_122 : f32 to vector<16xf32>
        %reduce_or3A_125 = arith.select %and3A_120, %reduce_or3A_123, %reduce_or3A_124 : vector<16xi1>, vector<16xf32>
        %reduce_or3A_126 = arith.constant true
        %reduce_or3A_127 = vector.broadcast %reduce_or3A_126 : i1 to vector<16xi1>
        %reduce_or3A_128 = tpu.scan <max>, %reduce_or3A_125 masked %reduce_or3A_127 : vector<16xf32>, vector<16xi1> -> vector<16xf32>
        %reduce_or3A_129 = vector.extract %reduce_or3A_128[15] : f32 from vector<16xf32>
        %reduce_or3A_130 = arith.constant 0.000000e+00 : f32
        %reduce_or3A_131 = arith.cmpf ogt, %reduce_or3A_129, %reduce_or3A_130 : f32
        %convert_element_type3A_132 = arith.extui %reduce_or3A_131 : i1 to i32
        %cond3A_133 = arith.constant 0 : i32
        %cond3A_134 = arith.cmpi ne, %convert_element_type3A_132, %cond3A_133 : i32
        scf.if %cond3A_134 {
          %add3A_513 = arith.constant 0 : i32
          %add3A_514 = vector.broadcast %add3A_513 : i32 to vector<16xi32>
          %add3A_515 = arith.addi %add3A_514, %get3A_69 : vector<16xi32>
          %add3A_516 = arith.constant 102400 : i32
          %add3A_517 = vector.broadcast %add3A_516 : i32 to vector<16xi32>
          %add3A_518 = arith.addi %add3A_517, %iota3A : vector<16xi32>
          %select_n3A_519 = arith.select %and3A_120, %add3A_515, %add3A_518 : vector<16xi1>, vector<16xi32>
          "tpu.region"() ({
            %run_scoped3A = tpu.sem_alloc : memref<!tpu.dma_semaphore, #tpu.memory_space<semaphore_mem>>
            %dma_start3A = arith.constant 0 : i32
            %dma_start3A_520 = tpu.memref_slice %arg14[%dma_start3A] : memref<102416xf32, #tpu.memory_space<vmem_shared>> -> memref<102416xf32, #tpu.memory_space<vmem_shared>>
            tpu.enqueue_indirect_dma source(%arg13 : memref<16xf32, #tpu.memory_space<vmem>>) target(%dma_start3A_520 : memref<102416xf32, #tpu.memory_space<vmem_shared>>) offsets(%select_n3A_519 : vector<16xi32>) semaphore(%run_scoped3A : memref<!tpu.dma_semaphore, #tpu.memory_space<semaphore_mem>>) {add = true}
            %dma_wait3A = arith.constant 0 : i32
            %dma_wait3A_521 = tpu.memref_slice %arg14[%dma_wait3A] : memref<102416xf32, #tpu.memory_space<vmem_shared>> -> memref<102416xf32, #tpu.memory_space<vmem_shared>>
            tpu.wait_indirect_dma semaphore(%run_scoped3A : memref<!tpu.dma_semaphore, #tpu.memory_space<semaphore_mem>>) src(%arg13 : memref<16xf32, #tpu.memory_space<vmem>>) dst(%dma_wait3A_521 : memref<102416xf32, #tpu.memory_space<vmem_shared>>)
            tpu.yield
          }) : () -> ()
        } else {
        }
        %and3A_135 = arith.constant 2 : i32
        %and3A_136 = vector.broadcast %and3A_135 : i32 to vector<16xi32>
        %and3A_137 = arith.andi %gather3A_72, %and3A_136 : vector<16xi32>
        %ne3A_138 = arith.constant 0 : i32
        %ne3A_139 = vector.broadcast %ne3A_138 : i32 to vector<16xi32>
        %ne3A_140 = arith.cmpi ne, %and3A_137, %ne3A_139 : vector<16xi32>
        %and3A_141 = arith.andi %lt3A_67, %ne3A_140 : vector<16xi1>
        %reduce_or3A_142 = arith.constant 1.000000e+00 : f32
        %reduce_or3A_143 = arith.constant 0.000000e+00 : f32
        %reduce_or3A_144 = vector.broadcast %reduce_or3A_142 : f32 to vector<16xf32>
        %reduce_or3A_145 = vector.broadcast %reduce_or3A_143 : f32 to vector<16xf32>
        %reduce_or3A_146 = arith.select %and3A_141, %reduce_or3A_144, %reduce_or3A_145 : vector<16xi1>, vector<16xf32>
        %reduce_or3A_147 = arith.constant true
        %reduce_or3A_148 = vector.broadcast %reduce_or3A_147 : i1 to vector<16xi1>
        %reduce_or3A_149 = tpu.scan <max>, %reduce_or3A_146 masked %reduce_or3A_148 : vector<16xf32>, vector<16xi1> -> vector<16xf32>
        %reduce_or3A_150 = vector.extract %reduce_or3A_149[15] : f32 from vector<16xf32>
        %reduce_or3A_151 = arith.constant 0.000000e+00 : f32
        %reduce_or3A_152 = arith.cmpf ogt, %reduce_or3A_150, %reduce_or3A_151 : f32
        %convert_element_type3A_153 = arith.extui %reduce_or3A_152 : i1 to i32
        %cond3A_154 = arith.constant 0 : i32
        %cond3A_155 = arith.cmpi ne, %convert_element_type3A_153, %cond3A_154 : i32
        scf.if %cond3A_155 {
          %add3A_513 = arith.constant 10240 : i32
          %add3A_514 = vector.broadcast %add3A_513 : i32 to vector<16xi32>
          %add3A_515 = arith.addi %add3A_514, %get3A_71 : vector<16xi32>
          %add3A_516 = arith.constant 102400 : i32
          %add3A_517 = vector.broadcast %add3A_516 : i32 to vector<16xi32>
          %add3A_518 = arith.addi %add3A_517, %iota3A : vector<16xi32>
          %select_n3A_519 = arith.select %and3A_141, %add3A_515, %add3A_518 : vector<16xi1>, vector<16xi32>
          "tpu.region"() ({
            %run_scoped3A = tpu.sem_alloc : memref<!tpu.dma_semaphore, #tpu.memory_space<semaphore_mem>>
            %dma_start3A = arith.constant 0 : i32
            %dma_start3A_520 = tpu.memref_slice %arg14[%dma_start3A] : memref<102416xf32, #tpu.memory_space<vmem_shared>> -> memref<102416xf32, #tpu.memory_space<vmem_shared>>
            tpu.enqueue_indirect_dma source(%arg13 : memref<16xf32, #tpu.memory_space<vmem>>) target(%dma_start3A_520 : memref<102416xf32, #tpu.memory_space<vmem_shared>>) offsets(%select_n3A_519 : vector<16xi32>) semaphore(%run_scoped3A : memref<!tpu.dma_semaphore, #tpu.memory_space<semaphore_mem>>) {add = true}
            %dma_wait3A = arith.constant 0 : i32
            %dma_wait3A_521 = tpu.memref_slice %arg14[%dma_wait3A] : memref<102416xf32, #tpu.memory_space<vmem_shared>> -> memref<102416xf32, #tpu.memory_space<vmem_shared>>
            tpu.wait_indirect_dma semaphore(%run_scoped3A : memref<!tpu.dma_semaphore, #tpu.memory_space<semaphore_mem>>) src(%arg13 : memref<16xf32, #tpu.memory_space<vmem>>) dst(%dma_wait3A_521 : memref<102416xf32, #tpu.memory_space<vmem_shared>>)
            tpu.yield
          }) : () -> ()
        } else {
        }
        %and3A_156 = arith.constant 2 : i32
        %and3A_157 = vector.broadcast %and3A_156 : i32 to vector<16xi32>
        %and3A_158 = arith.andi %gather3A_73, %and3A_157 : vector<16xi32>
        %ne3A_159 = arith.constant 0 : i32
        %ne3A_160 = vector.broadcast %ne3A_159 : i32 to vector<16xi32>
        %ne3A_161 = arith.cmpi ne, %and3A_158, %ne3A_160 : vector<16xi32>
        %and3A_162 = arith.andi %lt3A_67, %ne3A_161 : vector<16xi1>
        %reduce_or3A_163 = arith.constant 1.000000e+00 : f32
        %reduce_or3A_164 = arith.constant 0.000000e+00 : f32
        %reduce_or3A_165 = vector.broadcast %reduce_or3A_163 : f32 to vector<16xf32>
        %reduce_or3A_166 = vector.broadcast %reduce_or3A_164 : f32 to vector<16xf32>
        %reduce_or3A_167 = arith.select %and3A_162, %reduce_or3A_165, %reduce_or3A_166 : vector<16xi1>, vector<16xf32>
        %reduce_or3A_168 = arith.constant true
        %reduce_or3A_169 = vector.broadcast %reduce_or3A_168 : i1 to vector<16xi1>
        %reduce_or3A_170 = tpu.scan <max>, %reduce_or3A_167 masked %reduce_or3A_169 : vector<16xf32>, vector<16xi1> -> vector<16xf32>
        %reduce_or3A_171 = vector.extract %reduce_or3A_170[15] : f32 from vector<16xf32>
        %reduce_or3A_172 = arith.constant 0.000000e+00 : f32
        %reduce_or3A_173 = arith.cmpf ogt, %reduce_or3A_171, %reduce_or3A_172 : f32
        %convert_element_type3A_174 = arith.extui %reduce_or3A_173 : i1 to i32
        %cond3A_175 = arith.constant 0 : i32
        %cond3A_176 = arith.cmpi ne, %convert_element_type3A_174, %cond3A_175 : i32
        scf.if %cond3A_176 {
          %add3A_513 = arith.constant 10240 : i32
          %add3A_514 = vector.broadcast %add3A_513 : i32 to vector<16xi32>
          %add3A_515 = arith.addi %add3A_514, %get3A_69 : vector<16xi32>
          %add3A_516 = arith.constant 102400 : i32
          %add3A_517 = vector.broadcast %add3A_516 : i32 to vector<16xi32>
          %add3A_518 = arith.addi %add3A_517, %iota3A : vector<16xi32>
          %select_n3A_519 = arith.select %and3A_162, %add3A_515, %add3A_518 : vector<16xi1>, vector<16xi32>
          "tpu.region"() ({
            %run_scoped3A = tpu.sem_alloc : memref<!tpu.dma_semaphore, #tpu.memory_space<semaphore_mem>>
            %dma_start3A = arith.constant 0 : i32
            %dma_start3A_520 = tpu.memref_slice %arg14[%dma_start3A] : memref<102416xf32, #tpu.memory_space<vmem_shared>> -> memref<102416xf32, #tpu.memory_space<vmem_shared>>
            tpu.enqueue_indirect_dma source(%arg13 : memref<16xf32, #tpu.memory_space<vmem>>) target(%dma_start3A_520 : memref<102416xf32, #tpu.memory_space<vmem_shared>>) offsets(%select_n3A_519 : vector<16xi32>) semaphore(%run_scoped3A : memref<!tpu.dma_semaphore, #tpu.memory_space<semaphore_mem>>) {add = true}
            %dma_wait3A = arith.constant 0 : i32
            %dma_wait3A_521 = tpu.memref_slice %arg14[%dma_wait3A] : memref<102416xf32, #tpu.memory_space<vmem_shared>> -> memref<102416xf32, #tpu.memory_space<vmem_shared>>
            tpu.wait_indirect_dma semaphore(%run_scoped3A : memref<!tpu.dma_semaphore, #tpu.memory_space<semaphore_mem>>) src(%arg13 : memref<16xf32, #tpu.memory_space<vmem>>) dst(%dma_wait3A_521 : memref<102416xf32, #tpu.memory_space<vmem_shared>>)
            tpu.yield
          }) : () -> ()
        } else {
        }
        %and3A_177 = arith.constant 4 : i32
        %and3A_178 = vector.broadcast %and3A_177 : i32 to vector<16xi32>
        %and3A_179 = arith.andi %gather3A_72, %and3A_178 : vector<16xi32>
        %ne3A_180 = arith.constant 0 : i32
        %ne3A_181 = vector.broadcast %ne3A_180 : i32 to vector<16xi32>
        %ne3A_182 = arith.cmpi ne, %and3A_179, %ne3A_181 : vector<16xi32>
        %and3A_183 = arith.andi %lt3A_67, %ne3A_182 : vector<16xi1>
        %reduce_or3A_184 = arith.constant 1.000000e+00 : f32
        %reduce_or3A_185 = arith.constant 0.000000e+00 : f32
        %reduce_or3A_186 = vector.broadcast %reduce_or3A_184 : f32 to vector<16xf32>
        %reduce_or3A_187 = vector.broadcast %reduce_or3A_185 : f32 to vector<16xf32>
        %reduce_or3A_188 = arith.select %and3A_183, %reduce_or3A_186, %reduce_or3A_187 : vector<16xi1>, vector<16xf32>
        %reduce_or3A_189 = arith.constant true
        %reduce_or3A_190 = vector.broadcast %reduce_or3A_189 : i1 to vector<16xi1>
        %reduce_or3A_191 = tpu.scan <max>, %reduce_or3A_188 masked %reduce_or3A_190 : vector<16xf32>, vector<16xi1> -> vector<16xf32>
        %reduce_or3A_192 = vector.extract %reduce_or3A_191[15] : f32 from vector<16xf32>
        %reduce_or3A_193 = arith.constant 0.000000e+00 : f32
        %reduce_or3A_194 = arith.cmpf ogt, %reduce_or3A_192, %reduce_or3A_193 : f32
        %convert_element_type3A_195 = arith.extui %reduce_or3A_194 : i1 to i32
        %cond3A_196 = arith.constant 0 : i32
        %cond3A_197 = arith.cmpi ne, %convert_element_type3A_195, %cond3A_196 : i32
        scf.if %cond3A_197 {
          %add3A_513 = arith.constant 20480 : i32
          %add3A_514 = vector.broadcast %add3A_513 : i32 to vector<16xi32>
          %add3A_515 = arith.addi %add3A_514, %get3A_71 : vector<16xi32>
          %add3A_516 = arith.constant 102400 : i32
          %add3A_517 = vector.broadcast %add3A_516 : i32 to vector<16xi32>
          %add3A_518 = arith.addi %add3A_517, %iota3A : vector<16xi32>
          %select_n3A_519 = arith.select %and3A_183, %add3A_515, %add3A_518 : vector<16xi1>, vector<16xi32>
          "tpu.region"() ({
            %run_scoped3A = tpu.sem_alloc : memref<!tpu.dma_semaphore, #tpu.memory_space<semaphore_mem>>
            %dma_start3A = arith.constant 0 : i32
            %dma_start3A_520 = tpu.memref_slice %arg14[%dma_start3A] : memref<102416xf32, #tpu.memory_space<vmem_shared>> -> memref<102416xf32, #tpu.memory_space<vmem_shared>>
            tpu.enqueue_indirect_dma source(%arg13 : memref<16xf32, #tpu.memory_space<vmem>>) target(%dma_start3A_520 : memref<102416xf32, #tpu.memory_space<vmem_shared>>) offsets(%select_n3A_519 : vector<16xi32>) semaphore(%run_scoped3A : memref<!tpu.dma_semaphore, #tpu.memory_space<semaphore_mem>>) {add = true}
            %dma_wait3A = arith.constant 0 : i32
            %dma_wait3A_521 = tpu.memref_slice %arg14[%dma_wait3A] : memref<102416xf32, #tpu.memory_space<vmem_shared>> -> memref<102416xf32, #tpu.memory_space<vmem_shared>>
            tpu.wait_indirect_dma semaphore(%run_scoped3A : memref<!tpu.dma_semaphore, #tpu.memory_space<semaphore_mem>>) src(%arg13 : memref<16xf32, #tpu.memory_space<vmem>>) dst(%dma_wait3A_521 : memref<102416xf32, #tpu.memory_space<vmem_shared>>)
            tpu.yield
          }) : () -> ()
        } else {
        }
        %and3A_198 = arith.constant 4 : i32
        %and3A_199 = vector.broadcast %and3A_198 : i32 to vector<16xi32>
        %and3A_200 = arith.andi %gather3A_73, %and3A_199 : vector<16xi32>
        %ne3A_201 = arith.constant 0 : i32
        %ne3A_202 = vector.broadcast %ne3A_201 : i32 to vector<16xi32>
        %ne3A_203 = arith.cmpi ne, %and3A_200, %ne3A_202 : vector<16xi32>
        %and3A_204 = arith.andi %lt3A_67, %ne3A_203 : vector<16xi1>
        %reduce_or3A_205 = arith.constant 1.000000e+00 : f32
        %reduce_or3A_206 = arith.constant 0.000000e+00 : f32
        %reduce_or3A_207 = vector.broadcast %reduce_or3A_205 : f32 to vector<16xf32>
        %reduce_or3A_208 = vector.broadcast %reduce_or3A_206 : f32 to vector<16xf32>
        %reduce_or3A_209 = arith.select %and3A_204, %reduce_or3A_207, %reduce_or3A_208 : vector<16xi1>, vector<16xf32>
        %reduce_or3A_210 = arith.constant true
        %reduce_or3A_211 = vector.broadcast %reduce_or3A_210 : i1 to vector<16xi1>
        %reduce_or3A_212 = tpu.scan <max>, %reduce_or3A_209 masked %reduce_or3A_211 : vector<16xf32>, vector<16xi1> -> vector<16xf32>
        %reduce_or3A_213 = vector.extract %reduce_or3A_212[15] : f32 from vector<16xf32>
        %reduce_or3A_214 = arith.constant 0.000000e+00 : f32
        %reduce_or3A_215 = arith.cmpf ogt, %reduce_or3A_213, %reduce_or3A_214 : f32
        %convert_element_type3A_216 = arith.extui %reduce_or3A_215 : i1 to i32
        %cond3A_217 = arith.constant 0 : i32
        %cond3A_218 = arith.cmpi ne, %convert_element_type3A_216, %cond3A_217 : i32
        scf.if %cond3A_218 {
          %add3A_513 = arith.constant 20480 : i32
          %add3A_514 = vector.broadcast %add3A_513 : i32 to vector<16xi32>
          %add3A_515 = arith.addi %add3A_514, %get3A_69 : vector<16xi32>
          %add3A_516 = arith.constant 102400 : i32
          %add3A_517 = vector.broadcast %add3A_516 : i32 to vector<16xi32>
          %add3A_518 = arith.addi %add3A_517, %iota3A : vector<16xi32>
          %select_n3A_519 = arith.select %and3A_204, %add3A_515, %add3A_518 : vector<16xi1>, vector<16xi32>
          "tpu.region"() ({
            %run_scoped3A = tpu.sem_alloc : memref<!tpu.dma_semaphore, #tpu.memory_space<semaphore_mem>>
            %dma_start3A = arith.constant 0 : i32
            %dma_start3A_520 = tpu.memref_slice %arg14[%dma_start3A] : memref<102416xf32, #tpu.memory_space<vmem_shared>> -> memref<102416xf32, #tpu.memory_space<vmem_shared>>
            tpu.enqueue_indirect_dma source(%arg13 : memref<16xf32, #tpu.memory_space<vmem>>) target(%dma_start3A_520 : memref<102416xf32, #tpu.memory_space<vmem_shared>>) offsets(%select_n3A_519 : vector<16xi32>) semaphore(%run_scoped3A : memref<!tpu.dma_semaphore, #tpu.memory_space<semaphore_mem>>) {add = true}
            %dma_wait3A = arith.constant 0 : i32
            %dma_wait3A_521 = tpu.memref_slice %arg14[%dma_wait3A] : memref<102416xf32, #tpu.memory_space<vmem_shared>> -> memref<102416xf32, #tpu.memory_space<vmem_shared>>
            tpu.wait_indirect_dma semaphore(%run_scoped3A : memref<!tpu.dma_semaphore, #tpu.memory_space<semaphore_mem>>) src(%arg13 : memref<16xf32, #tpu.memory_space<vmem>>) dst(%dma_wait3A_521 : memref<102416xf32, #tpu.memory_space<vmem_shared>>)
            tpu.yield
          }) : () -> ()
        } else {
        }
        %and3A_219 = arith.constant 8 : i32
        %and3A_220 = vector.broadcast %and3A_219 : i32 to vector<16xi32>
        %and3A_221 = arith.andi %gather3A_72, %and3A_220 : vector<16xi32>
        %ne3A_222 = arith.constant 0 : i32
        %ne3A_223 = vector.broadcast %ne3A_222 : i32 to vector<16xi32>
        %ne3A_224 = arith.cmpi ne, %and3A_221, %ne3A_223 : vector<16xi32>
        %and3A_225 = arith.andi %lt3A_67, %ne3A_224 : vector<16xi1>
        %reduce_or3A_226 = arith.constant 1.000000e+00 : f32
        %reduce_or3A_227 = arith.constant 0.000000e+00 : f32
        %reduce_or3A_228 = vector.broadcast %reduce_or3A_226 : f32 to vector<16xf32>
        %reduce_or3A_229 = vector.broadcast %reduce_or3A_227 : f32 to vector<16xf32>
        %reduce_or3A_230 = arith.select %and3A_225, %reduce_or3A_228, %reduce_or3A_229 : vector<16xi1>, vector<16xf32>
        %reduce_or3A_231 = arith.constant true
        %reduce_or3A_232 = vector.broadcast %reduce_or3A_231 : i1 to vector<16xi1>
        %reduce_or3A_233 = tpu.scan <max>, %reduce_or3A_230 masked %reduce_or3A_232 : vector<16xf32>, vector<16xi1> -> vector<16xf32>
        %reduce_or3A_234 = vector.extract %reduce_or3A_233[15] : f32 from vector<16xf32>
        %reduce_or3A_235 = arith.constant 0.000000e+00 : f32
        %reduce_or3A_236 = arith.cmpf ogt, %reduce_or3A_234, %reduce_or3A_235 : f32
        %convert_element_type3A_237 = arith.extui %reduce_or3A_236 : i1 to i32
        %cond3A_238 = arith.constant 0 : i32
        %cond3A_239 = arith.cmpi ne, %convert_element_type3A_237, %cond3A_238 : i32
        scf.if %cond3A_239 {
          %add3A_513 = arith.constant 30720 : i32
          %add3A_514 = vector.broadcast %add3A_513 : i32 to vector<16xi32>
          %add3A_515 = arith.addi %add3A_514, %get3A_71 : vector<16xi32>
          %add3A_516 = arith.constant 102400 : i32
          %add3A_517 = vector.broadcast %add3A_516 : i32 to vector<16xi32>
          %add3A_518 = arith.addi %add3A_517, %iota3A : vector<16xi32>
          %select_n3A_519 = arith.select %and3A_225, %add3A_515, %add3A_518 : vector<16xi1>, vector<16xi32>
          "tpu.region"() ({
            %run_scoped3A = tpu.sem_alloc : memref<!tpu.dma_semaphore, #tpu.memory_space<semaphore_mem>>
            %dma_start3A = arith.constant 0 : i32
            %dma_start3A_520 = tpu.memref_slice %arg14[%dma_start3A] : memref<102416xf32, #tpu.memory_space<vmem_shared>> -> memref<102416xf32, #tpu.memory_space<vmem_shared>>
            tpu.enqueue_indirect_dma source(%arg13 : memref<16xf32, #tpu.memory_space<vmem>>) target(%dma_start3A_520 : memref<102416xf32, #tpu.memory_space<vmem_shared>>) offsets(%select_n3A_519 : vector<16xi32>) semaphore(%run_scoped3A : memref<!tpu.dma_semaphore, #tpu.memory_space<semaphore_mem>>) {add = true}
            %dma_wait3A = arith.constant 0 : i32
            %dma_wait3A_521 = tpu.memref_slice %arg14[%dma_wait3A] : memref<102416xf32, #tpu.memory_space<vmem_shared>> -> memref<102416xf32, #tpu.memory_space<vmem_shared>>
            tpu.wait_indirect_dma semaphore(%run_scoped3A : memref<!tpu.dma_semaphore, #tpu.memory_space<semaphore_mem>>) src(%arg13 : memref<16xf32, #tpu.memory_space<vmem>>) dst(%dma_wait3A_521 : memref<102416xf32, #tpu.memory_space<vmem_shared>>)
            tpu.yield
          }) : () -> ()
        } else {
        }
        %and3A_240 = arith.constant 8 : i32
        %and3A_241 = vector.broadcast %and3A_240 : i32 to vector<16xi32>
        %and3A_242 = arith.andi %gather3A_73, %and3A_241 : vector<16xi32>
        %ne3A_243 = arith.constant 0 : i32
        %ne3A_244 = vector.broadcast %ne3A_243 : i32 to vector<16xi32>
        %ne3A_245 = arith.cmpi ne, %and3A_242, %ne3A_244 : vector<16xi32>
        %and3A_246 = arith.andi %lt3A_67, %ne3A_245 : vector<16xi1>
        %reduce_or3A_247 = arith.constant 1.000000e+00 : f32
        %reduce_or3A_248 = arith.constant 0.000000e+00 : f32
        %reduce_or3A_249 = vector.broadcast %reduce_or3A_247 : f32 to vector<16xf32>
        %reduce_or3A_250 = vector.broadcast %reduce_or3A_248 : f32 to vector<16xf32>
        %reduce_or3A_251 = arith.select %and3A_246, %reduce_or3A_249, %reduce_or3A_250 : vector<16xi1>, vector<16xf32>
        %reduce_or3A_252 = arith.constant true
        %reduce_or3A_253 = vector.broadcast %reduce_or3A_252 : i1 to vector<16xi1>
        %reduce_or3A_254 = tpu.scan <max>, %reduce_or3A_251 masked %reduce_or3A_253 : vector<16xf32>, vector<16xi1> -> vector<16xf32>
        %reduce_or3A_255 = vector.extract %reduce_or3A_254[15] : f32 from vector<16xf32>
        %reduce_or3A_256 = arith.constant 0.000000e+00 : f32
        %reduce_or3A_257 = arith.cmpf ogt, %reduce_or3A_255, %reduce_or3A_256 : f32
        %convert_element_type3A_258 = arith.extui %reduce_or3A_257 : i1 to i32
        %cond3A_259 = arith.constant 0 : i32
        %cond3A_260 = arith.cmpi ne, %convert_element_type3A_258, %cond3A_259 : i32
        scf.if %cond3A_260 {
          %add3A_513 = arith.constant 30720 : i32
          %add3A_514 = vector.broadcast %add3A_513 : i32 to vector<16xi32>
          %add3A_515 = arith.addi %add3A_514, %get3A_69 : vector<16xi32>
          %add3A_516 = arith.constant 102400 : i32
          %add3A_517 = vector.broadcast %add3A_516 : i32 to vector<16xi32>
          %add3A_518 = arith.addi %add3A_517, %iota3A : vector<16xi32>
          %select_n3A_519 = arith.select %and3A_246, %add3A_515, %add3A_518 : vector<16xi1>, vector<16xi32>
          "tpu.region"() ({
            %run_scoped3A = tpu.sem_alloc : memref<!tpu.dma_semaphore, #tpu.memory_space<semaphore_mem>>
            %dma_start3A = arith.constant 0 : i32
            %dma_start3A_520 = tpu.memref_slice %arg14[%dma_start3A] : memref<102416xf32, #tpu.memory_space<vmem_shared>> -> memref<102416xf32, #tpu.memory_space<vmem_shared>>
            tpu.enqueue_indirect_dma source(%arg13 : memref<16xf32, #tpu.memory_space<vmem>>) target(%dma_start3A_520 : memref<102416xf32, #tpu.memory_space<vmem_shared>>) offsets(%select_n3A_519 : vector<16xi32>) semaphore(%run_scoped3A : memref<!tpu.dma_semaphore, #tpu.memory_space<semaphore_mem>>) {add = true}
            %dma_wait3A = arith.constant 0 : i32
            %dma_wait3A_521 = tpu.memref_slice %arg14[%dma_wait3A] : memref<102416xf32, #tpu.memory_space<vmem_shared>> -> memref<102416xf32, #tpu.memory_space<vmem_shared>>
            tpu.wait_indirect_dma semaphore(%run_scoped3A : memref<!tpu.dma_semaphore, #tpu.memory_space<semaphore_mem>>) src(%arg13 : memref<16xf32, #tpu.memory_space<vmem>>) dst(%dma_wait3A_521 : memref<102416xf32, #tpu.memory_space<vmem_shared>>)
            tpu.yield
          }) : () -> ()
        } else {
        }
        %and3A_261 = arith.constant 16 : i32
        %and3A_262 = vector.broadcast %and3A_261 : i32 to vector<16xi32>
        %and3A_263 = arith.andi %gather3A_72, %and3A_262 : vector<16xi32>
        %ne3A_264 = arith.constant 0 : i32
        %ne3A_265 = vector.broadcast %ne3A_264 : i32 to vector<16xi32>
        %ne3A_266 = arith.cmpi ne, %and3A_263, %ne3A_265 : vector<16xi32>
        %and3A_267 = arith.andi %lt3A_67, %ne3A_266 : vector<16xi1>
        %reduce_or3A_268 = arith.constant 1.000000e+00 : f32
        %reduce_or3A_269 = arith.constant 0.000000e+00 : f32
        %reduce_or3A_270 = vector.broadcast %reduce_or3A_268 : f32 to vector<16xf32>
        %reduce_or3A_271 = vector.broadcast %reduce_or3A_269 : f32 to vector<16xf32>
        %reduce_or3A_272 = arith.select %and3A_267, %reduce_or3A_270, %reduce_or3A_271 : vector<16xi1>, vector<16xf32>
        %reduce_or3A_273 = arith.constant true
        %reduce_or3A_274 = vector.broadcast %reduce_or3A_273 : i1 to vector<16xi1>
        %reduce_or3A_275 = tpu.scan <max>, %reduce_or3A_272 masked %reduce_or3A_274 : vector<16xf32>, vector<16xi1> -> vector<16xf32>
        %reduce_or3A_276 = vector.extract %reduce_or3A_275[15] : f32 from vector<16xf32>
        %reduce_or3A_277 = arith.constant 0.000000e+00 : f32
        %reduce_or3A_278 = arith.cmpf ogt, %reduce_or3A_276, %reduce_or3A_277 : f32
        %convert_element_type3A_279 = arith.extui %reduce_or3A_278 : i1 to i32
        %cond3A_280 = arith.constant 0 : i32
        %cond3A_281 = arith.cmpi ne, %convert_element_type3A_279, %cond3A_280 : i32
        scf.if %cond3A_281 {
          %add3A_513 = arith.constant 40960 : i32
          %add3A_514 = vector.broadcast %add3A_513 : i32 to vector<16xi32>
          %add3A_515 = arith.addi %add3A_514, %get3A_71 : vector<16xi32>
          %add3A_516 = arith.constant 102400 : i32
          %add3A_517 = vector.broadcast %add3A_516 : i32 to vector<16xi32>
          %add3A_518 = arith.addi %add3A_517, %iota3A : vector<16xi32>
          %select_n3A_519 = arith.select %and3A_267, %add3A_515, %add3A_518 : vector<16xi1>, vector<16xi32>
          "tpu.region"() ({
            %run_scoped3A = tpu.sem_alloc : memref<!tpu.dma_semaphore, #tpu.memory_space<semaphore_mem>>
            %dma_start3A = arith.constant 0 : i32
            %dma_start3A_520 = tpu.memref_slice %arg14[%dma_start3A] : memref<102416xf32, #tpu.memory_space<vmem_shared>> -> memref<102416xf32, #tpu.memory_space<vmem_shared>>
            tpu.enqueue_indirect_dma source(%arg13 : memref<16xf32, #tpu.memory_space<vmem>>) target(%dma_start3A_520 : memref<102416xf32, #tpu.memory_space<vmem_shared>>) offsets(%select_n3A_519 : vector<16xi32>) semaphore(%run_scoped3A : memref<!tpu.dma_semaphore, #tpu.memory_space<semaphore_mem>>) {add = true}
            %dma_wait3A = arith.constant 0 : i32
            %dma_wait3A_521 = tpu.memref_slice %arg14[%dma_wait3A] : memref<102416xf32, #tpu.memory_space<vmem_shared>> -> memref<102416xf32, #tpu.memory_space<vmem_shared>>
            tpu.wait_indirect_dma semaphore(%run_scoped3A : memref<!tpu.dma_semaphore, #tpu.memory_space<semaphore_mem>>) src(%arg13 : memref<16xf32, #tpu.memory_space<vmem>>) dst(%dma_wait3A_521 : memref<102416xf32, #tpu.memory_space<vmem_shared>>)
            tpu.yield
          }) : () -> ()
        } else {
        }
        %and3A_282 = arith.constant 16 : i32
        %and3A_283 = vector.broadcast %and3A_282 : i32 to vector<16xi32>
        %and3A_284 = arith.andi %gather3A_73, %and3A_283 : vector<16xi32>
        %ne3A_285 = arith.constant 0 : i32
        %ne3A_286 = vector.broadcast %ne3A_285 : i32 to vector<16xi32>
        %ne3A_287 = arith.cmpi ne, %and3A_284, %ne3A_286 : vector<16xi32>
        %and3A_288 = arith.andi %lt3A_67, %ne3A_287 : vector<16xi1>
        %reduce_or3A_289 = arith.constant 1.000000e+00 : f32
        %reduce_or3A_290 = arith.constant 0.000000e+00 : f32
        %reduce_or3A_291 = vector.broadcast %reduce_or3A_289 : f32 to vector<16xf32>
        %reduce_or3A_292 = vector.broadcast %reduce_or3A_290 : f32 to vector<16xf32>
        %reduce_or3A_293 = arith.select %and3A_288, %reduce_or3A_291, %reduce_or3A_292 : vector<16xi1>, vector<16xf32>
        %reduce_or3A_294 = arith.constant true
        %reduce_or3A_295 = vector.broadcast %reduce_or3A_294 : i1 to vector<16xi1>
        %reduce_or3A_296 = tpu.scan <max>, %reduce_or3A_293 masked %reduce_or3A_295 : vector<16xf32>, vector<16xi1> -> vector<16xf32>
        %reduce_or3A_297 = vector.extract %reduce_or3A_296[15] : f32 from vector<16xf32>
        %reduce_or3A_298 = arith.constant 0.000000e+00 : f32
        %reduce_or3A_299 = arith.cmpf ogt, %reduce_or3A_297, %reduce_or3A_298 : f32
        %convert_element_type3A_300 = arith.extui %reduce_or3A_299 : i1 to i32
        %cond3A_301 = arith.constant 0 : i32
        %cond3A_302 = arith.cmpi ne, %convert_element_type3A_300, %cond3A_301 : i32
        scf.if %cond3A_302 {
          %add3A_513 = arith.constant 40960 : i32
          %add3A_514 = vector.broadcast %add3A_513 : i32 to vector<16xi32>
          %add3A_515 = arith.addi %add3A_514, %get3A_69 : vector<16xi32>
          %add3A_516 = arith.constant 102400 : i32
          %add3A_517 = vector.broadcast %add3A_516 : i32 to vector<16xi32>
          %add3A_518 = arith.addi %add3A_517, %iota3A : vector<16xi32>
          %select_n3A_519 = arith.select %and3A_288, %add3A_515, %add3A_518 : vector<16xi1>, vector<16xi32>
          "tpu.region"() ({
            %run_scoped3A = tpu.sem_alloc : memref<!tpu.dma_semaphore, #tpu.memory_space<semaphore_mem>>
            %dma_start3A = arith.constant 0 : i32
            %dma_start3A_520 = tpu.memref_slice %arg14[%dma_start3A] : memref<102416xf32, #tpu.memory_space<vmem_shared>> -> memref<102416xf32, #tpu.memory_space<vmem_shared>>
            tpu.enqueue_indirect_dma source(%arg13 : memref<16xf32, #tpu.memory_space<vmem>>) target(%dma_start3A_520 : memref<102416xf32, #tpu.memory_space<vmem_shared>>) offsets(%select_n3A_519 : vector<16xi32>) semaphore(%run_scoped3A : memref<!tpu.dma_semaphore, #tpu.memory_space<semaphore_mem>>) {add = true}
            %dma_wait3A = arith.constant 0 : i32
            %dma_wait3A_521 = tpu.memref_slice %arg14[%dma_wait3A] : memref<102416xf32, #tpu.memory_space<vmem_shared>> -> memref<102416xf32, #tpu.memory_space<vmem_shared>>
            tpu.wait_indirect_dma semaphore(%run_scoped3A : memref<!tpu.dma_semaphore, #tpu.memory_space<semaphore_mem>>) src(%arg13 : memref<16xf32, #tpu.memory_space<vmem>>) dst(%dma_wait3A_521 : memref<102416xf32, #tpu.memory_space<vmem_shared>>)
            tpu.yield
          }) : () -> ()
        } else {
        }
        %and3A_303 = arith.constant 32 : i32
        %and3A_304 = vector.broadcast %and3A_303 : i32 to vector<16xi32>
        %and3A_305 = arith.andi %gather3A_72, %and3A_304 : vector<16xi32>
        %ne3A_306 = arith.constant 0 : i32
        %ne3A_307 = vector.broadcast %ne3A_306 : i32 to vector<16xi32>
        %ne3A_308 = arith.cmpi ne, %and3A_305, %ne3A_307 : vector<16xi32>
        %and3A_309 = arith.andi %lt3A_67, %ne3A_308 : vector<16xi1>
        %reduce_or3A_310 = arith.constant 1.000000e+00 : f32
        %reduce_or3A_311 = arith.constant 0.000000e+00 : f32
        %reduce_or3A_312 = vector.broadcast %reduce_or3A_310 : f32 to vector<16xf32>
        %reduce_or3A_313 = vector.broadcast %reduce_or3A_311 : f32 to vector<16xf32>
        %reduce_or3A_314 = arith.select %and3A_309, %reduce_or3A_312, %reduce_or3A_313 : vector<16xi1>, vector<16xf32>
        %reduce_or3A_315 = arith.constant true
        %reduce_or3A_316 = vector.broadcast %reduce_or3A_315 : i1 to vector<16xi1>
        %reduce_or3A_317 = tpu.scan <max>, %reduce_or3A_314 masked %reduce_or3A_316 : vector<16xf32>, vector<16xi1> -> vector<16xf32>
        %reduce_or3A_318 = vector.extract %reduce_or3A_317[15] : f32 from vector<16xf32>
        %reduce_or3A_319 = arith.constant 0.000000e+00 : f32
        %reduce_or3A_320 = arith.cmpf ogt, %reduce_or3A_318, %reduce_or3A_319 : f32
        %convert_element_type3A_321 = arith.extui %reduce_or3A_320 : i1 to i32
        %cond3A_322 = arith.constant 0 : i32
        %cond3A_323 = arith.cmpi ne, %convert_element_type3A_321, %cond3A_322 : i32
        scf.if %cond3A_323 {
          %add3A_513 = arith.constant 51200 : i32
          %add3A_514 = vector.broadcast %add3A_513 : i32 to vector<16xi32>
          %add3A_515 = arith.addi %add3A_514, %get3A_71 : vector<16xi32>
          %add3A_516 = arith.constant 102400 : i32
          %add3A_517 = vector.broadcast %add3A_516 : i32 to vector<16xi32>
          %add3A_518 = arith.addi %add3A_517, %iota3A : vector<16xi32>
          %select_n3A_519 = arith.select %and3A_309, %add3A_515, %add3A_518 : vector<16xi1>, vector<16xi32>
          "tpu.region"() ({
            %run_scoped3A = tpu.sem_alloc : memref<!tpu.dma_semaphore, #tpu.memory_space<semaphore_mem>>
            %dma_start3A = arith.constant 0 : i32
            %dma_start3A_520 = tpu.memref_slice %arg14[%dma_start3A] : memref<102416xf32, #tpu.memory_space<vmem_shared>> -> memref<102416xf32, #tpu.memory_space<vmem_shared>>
            tpu.enqueue_indirect_dma source(%arg13 : memref<16xf32, #tpu.memory_space<vmem>>) target(%dma_start3A_520 : memref<102416xf32, #tpu.memory_space<vmem_shared>>) offsets(%select_n3A_519 : vector<16xi32>) semaphore(%run_scoped3A : memref<!tpu.dma_semaphore, #tpu.memory_space<semaphore_mem>>) {add = true}
            %dma_wait3A = arith.constant 0 : i32
            %dma_wait3A_521 = tpu.memref_slice %arg14[%dma_wait3A] : memref<102416xf32, #tpu.memory_space<vmem_shared>> -> memref<102416xf32, #tpu.memory_space<vmem_shared>>
            tpu.wait_indirect_dma semaphore(%run_scoped3A : memref<!tpu.dma_semaphore, #tpu.memory_space<semaphore_mem>>) src(%arg13 : memref<16xf32, #tpu.memory_space<vmem>>) dst(%dma_wait3A_521 : memref<102416xf32, #tpu.memory_space<vmem_shared>>)
            tpu.yield
          }) : () -> ()
        } else {
        }
        %and3A_324 = arith.constant 32 : i32
        %and3A_325 = vector.broadcast %and3A_324 : i32 to vector<16xi32>
        %and3A_326 = arith.andi %gather3A_73, %and3A_325 : vector<16xi32>
        %ne3A_327 = arith.constant 0 : i32
        %ne3A_328 = vector.broadcast %ne3A_327 : i32 to vector<16xi32>
        %ne3A_329 = arith.cmpi ne, %and3A_326, %ne3A_328 : vector<16xi32>
        %and3A_330 = arith.andi %lt3A_67, %ne3A_329 : vector<16xi1>
        %reduce_or3A_331 = arith.constant 1.000000e+00 : f32
        %reduce_or3A_332 = arith.constant 0.000000e+00 : f32
        %reduce_or3A_333 = vector.broadcast %reduce_or3A_331 : f32 to vector<16xf32>
        %reduce_or3A_334 = vector.broadcast %reduce_or3A_332 : f32 to vector<16xf32>
        %reduce_or3A_335 = arith.select %and3A_330, %reduce_or3A_333, %reduce_or3A_334 : vector<16xi1>, vector<16xf32>
        %reduce_or3A_336 = arith.constant true
        %reduce_or3A_337 = vector.broadcast %reduce_or3A_336 : i1 to vector<16xi1>
        %reduce_or3A_338 = tpu.scan <max>, %reduce_or3A_335 masked %reduce_or3A_337 : vector<16xf32>, vector<16xi1> -> vector<16xf32>
        %reduce_or3A_339 = vector.extract %reduce_or3A_338[15] : f32 from vector<16xf32>
        %reduce_or3A_340 = arith.constant 0.000000e+00 : f32
        %reduce_or3A_341 = arith.cmpf ogt, %reduce_or3A_339, %reduce_or3A_340 : f32
        %convert_element_type3A_342 = arith.extui %reduce_or3A_341 : i1 to i32
        %cond3A_343 = arith.constant 0 : i32
        %cond3A_344 = arith.cmpi ne, %convert_element_type3A_342, %cond3A_343 : i32
        scf.if %cond3A_344 {
          %add3A_513 = arith.constant 51200 : i32
          %add3A_514 = vector.broadcast %add3A_513 : i32 to vector<16xi32>
          %add3A_515 = arith.addi %add3A_514, %get3A_69 : vector<16xi32>
          %add3A_516 = arith.constant 102400 : i32
          %add3A_517 = vector.broadcast %add3A_516 : i32 to vector<16xi32>
          %add3A_518 = arith.addi %add3A_517, %iota3A : vector<16xi32>
          %select_n3A_519 = arith.select %and3A_330, %add3A_515, %add3A_518 : vector<16xi1>, vector<16xi32>
          "tpu.region"() ({
            %run_scoped3A = tpu.sem_alloc : memref<!tpu.dma_semaphore, #tpu.memory_space<semaphore_mem>>
            %dma_start3A = arith.constant 0 : i32
            %dma_start3A_520 = tpu.memref_slice %arg14[%dma_start3A] : memref<102416xf32, #tpu.memory_space<vmem_shared>> -> memref<102416xf32, #tpu.memory_space<vmem_shared>>
            tpu.enqueue_indirect_dma source(%arg13 : memref<16xf32, #tpu.memory_space<vmem>>) target(%dma_start3A_520 : memref<102416xf32, #tpu.memory_space<vmem_shared>>) offsets(%select_n3A_519 : vector<16xi32>) semaphore(%run_scoped3A : memref<!tpu.dma_semaphore, #tpu.memory_space<semaphore_mem>>) {add = true}
            %dma_wait3A = arith.constant 0 : i32
            %dma_wait3A_521 = tpu.memref_slice %arg14[%dma_wait3A] : memref<102416xf32, #tpu.memory_space<vmem_shared>> -> memref<102416xf32, #tpu.memory_space<vmem_shared>>
            tpu.wait_indirect_dma semaphore(%run_scoped3A : memref<!tpu.dma_semaphore, #tpu.memory_space<semaphore_mem>>) src(%arg13 : memref<16xf32, #tpu.memory_space<vmem>>) dst(%dma_wait3A_521 : memref<102416xf32, #tpu.memory_space<vmem_shared>>)
            tpu.yield
          }) : () -> ()
        } else {
        }
        %and3A_345 = arith.constant 64 : i32
        %and3A_346 = vector.broadcast %and3A_345 : i32 to vector<16xi32>
        %and3A_347 = arith.andi %gather3A_72, %and3A_346 : vector<16xi32>
        %ne3A_348 = arith.constant 0 : i32
        %ne3A_349 = vector.broadcast %ne3A_348 : i32 to vector<16xi32>
        %ne3A_350 = arith.cmpi ne, %and3A_347, %ne3A_349 : vector<16xi32>
        %and3A_351 = arith.andi %lt3A_67, %ne3A_350 : vector<16xi1>
        %reduce_or3A_352 = arith.constant 1.000000e+00 : f32
        %reduce_or3A_353 = arith.constant 0.000000e+00 : f32
        %reduce_or3A_354 = vector.broadcast %reduce_or3A_352 : f32 to vector<16xf32>
        %reduce_or3A_355 = vector.broadcast %reduce_or3A_353 : f32 to vector<16xf32>
        %reduce_or3A_356 = arith.select %and3A_351, %reduce_or3A_354, %reduce_or3A_355 : vector<16xi1>, vector<16xf32>
        %reduce_or3A_357 = arith.constant true
        %reduce_or3A_358 = vector.broadcast %reduce_or3A_357 : i1 to vector<16xi1>
        %reduce_or3A_359 = tpu.scan <max>, %reduce_or3A_356 masked %reduce_or3A_358 : vector<16xf32>, vector<16xi1> -> vector<16xf32>
        %reduce_or3A_360 = vector.extract %reduce_or3A_359[15] : f32 from vector<16xf32>
        %reduce_or3A_361 = arith.constant 0.000000e+00 : f32
        %reduce_or3A_362 = arith.cmpf ogt, %reduce_or3A_360, %reduce_or3A_361 : f32
        %convert_element_type3A_363 = arith.extui %reduce_or3A_362 : i1 to i32
        %cond3A_364 = arith.constant 0 : i32
        %cond3A_365 = arith.cmpi ne, %convert_element_type3A_363, %cond3A_364 : i32
        scf.if %cond3A_365 {
          %add3A_513 = arith.constant 61440 : i32
          %add3A_514 = vector.broadcast %add3A_513 : i32 to vector<16xi32>
          %add3A_515 = arith.addi %add3A_514, %get3A_71 : vector<16xi32>
          %add3A_516 = arith.constant 102400 : i32
          %add3A_517 = vector.broadcast %add3A_516 : i32 to vector<16xi32>
          %add3A_518 = arith.addi %add3A_517, %iota3A : vector<16xi32>
          %select_n3A_519 = arith.select %and3A_351, %add3A_515, %add3A_518 : vector<16xi1>, vector<16xi32>
          "tpu.region"() ({
            %run_scoped3A = tpu.sem_alloc : memref<!tpu.dma_semaphore, #tpu.memory_space<semaphore_mem>>
            %dma_start3A = arith.constant 0 : i32
            %dma_start3A_520 = tpu.memref_slice %arg14[%dma_start3A] : memref<102416xf32, #tpu.memory_space<vmem_shared>> -> memref<102416xf32, #tpu.memory_space<vmem_shared>>
            tpu.enqueue_indirect_dma source(%arg13 : memref<16xf32, #tpu.memory_space<vmem>>) target(%dma_start3A_520 : memref<102416xf32, #tpu.memory_space<vmem_shared>>) offsets(%select_n3A_519 : vector<16xi32>) semaphore(%run_scoped3A : memref<!tpu.dma_semaphore, #tpu.memory_space<semaphore_mem>>) {add = true}
            %dma_wait3A = arith.constant 0 : i32
            %dma_wait3A_521 = tpu.memref_slice %arg14[%dma_wait3A] : memref<102416xf32, #tpu.memory_space<vmem_shared>> -> memref<102416xf32, #tpu.memory_space<vmem_shared>>
            tpu.wait_indirect_dma semaphore(%run_scoped3A : memref<!tpu.dma_semaphore, #tpu.memory_space<semaphore_mem>>) src(%arg13 : memref<16xf32, #tpu.memory_space<vmem>>) dst(%dma_wait3A_521 : memref<102416xf32, #tpu.memory_space<vmem_shared>>)
            tpu.yield
          }) : () -> ()
        } else {
        }
        %and3A_366 = arith.constant 64 : i32
        %and3A_367 = vector.broadcast %and3A_366 : i32 to vector<16xi32>
        %and3A_368 = arith.andi %gather3A_73, %and3A_367 : vector<16xi32>
        %ne3A_369 = arith.constant 0 : i32
        %ne3A_370 = vector.broadcast %ne3A_369 : i32 to vector<16xi32>
        %ne3A_371 = arith.cmpi ne, %and3A_368, %ne3A_370 : vector<16xi32>
        %and3A_372 = arith.andi %lt3A_67, %ne3A_371 : vector<16xi1>
        %reduce_or3A_373 = arith.constant 1.000000e+00 : f32
        %reduce_or3A_374 = arith.constant 0.000000e+00 : f32
        %reduce_or3A_375 = vector.broadcast %reduce_or3A_373 : f32 to vector<16xf32>
        %reduce_or3A_376 = vector.broadcast %reduce_or3A_374 : f32 to vector<16xf32>
        %reduce_or3A_377 = arith.select %and3A_372, %reduce_or3A_375, %reduce_or3A_376 : vector<16xi1>, vector<16xf32>
        %reduce_or3A_378 = arith.constant true
        %reduce_or3A_379 = vector.broadcast %reduce_or3A_378 : i1 to vector<16xi1>
        %reduce_or3A_380 = tpu.scan <max>, %reduce_or3A_377 masked %reduce_or3A_379 : vector<16xf32>, vector<16xi1> -> vector<16xf32>
        %reduce_or3A_381 = vector.extract %reduce_or3A_380[15] : f32 from vector<16xf32>
        %reduce_or3A_382 = arith.constant 0.000000e+00 : f32
        %reduce_or3A_383 = arith.cmpf ogt, %reduce_or3A_381, %reduce_or3A_382 : f32
        %convert_element_type3A_384 = arith.extui %reduce_or3A_383 : i1 to i32
        %cond3A_385 = arith.constant 0 : i32
        %cond3A_386 = arith.cmpi ne, %convert_element_type3A_384, %cond3A_385 : i32
        scf.if %cond3A_386 {
          %add3A_513 = arith.constant 61440 : i32
          %add3A_514 = vector.broadcast %add3A_513 : i32 to vector<16xi32>
          %add3A_515 = arith.addi %add3A_514, %get3A_69 : vector<16xi32>
          %add3A_516 = arith.constant 102400 : i32
          %add3A_517 = vector.broadcast %add3A_516 : i32 to vector<16xi32>
          %add3A_518 = arith.addi %add3A_517, %iota3A : vector<16xi32>
          %select_n3A_519 = arith.select %and3A_372, %add3A_515, %add3A_518 : vector<16xi1>, vector<16xi32>
          "tpu.region"() ({
            %run_scoped3A = tpu.sem_alloc : memref<!tpu.dma_semaphore, #tpu.memory_space<semaphore_mem>>
            %dma_start3A = arith.constant 0 : i32
            %dma_start3A_520 = tpu.memref_slice %arg14[%dma_start3A] : memref<102416xf32, #tpu.memory_space<vmem_shared>> -> memref<102416xf32, #tpu.memory_space<vmem_shared>>
            tpu.enqueue_indirect_dma source(%arg13 : memref<16xf32, #tpu.memory_space<vmem>>) target(%dma_start3A_520 : memref<102416xf32, #tpu.memory_space<vmem_shared>>) offsets(%select_n3A_519 : vector<16xi32>) semaphore(%run_scoped3A : memref<!tpu.dma_semaphore, #tpu.memory_space<semaphore_mem>>) {add = true}
            %dma_wait3A = arith.constant 0 : i32
            %dma_wait3A_521 = tpu.memref_slice %arg14[%dma_wait3A] : memref<102416xf32, #tpu.memory_space<vmem_shared>> -> memref<102416xf32, #tpu.memory_space<vmem_shared>>
            tpu.wait_indirect_dma semaphore(%run_scoped3A : memref<!tpu.dma_semaphore, #tpu.memory_space<semaphore_mem>>) src(%arg13 : memref<16xf32, #tpu.memory_space<vmem>>) dst(%dma_wait3A_521 : memref<102416xf32, #tpu.memory_space<vmem_shared>>)
            tpu.yield
          }) : () -> ()
        } else {
        }
        %and3A_387 = arith.constant 128 : i32
        %and3A_388 = vector.broadcast %and3A_387 : i32 to vector<16xi32>
        %and3A_389 = arith.andi %gather3A_72, %and3A_388 : vector<16xi32>
        %ne3A_390 = arith.constant 0 : i32
        %ne3A_391 = vector.broadcast %ne3A_390 : i32 to vector<16xi32>
        %ne3A_392 = arith.cmpi ne, %and3A_389, %ne3A_391 : vector<16xi32>
        %and3A_393 = arith.andi %lt3A_67, %ne3A_392 : vector<16xi1>
        %reduce_or3A_394 = arith.constant 1.000000e+00 : f32
        %reduce_or3A_395 = arith.constant 0.000000e+00 : f32
        %reduce_or3A_396 = vector.broadcast %reduce_or3A_394 : f32 to vector<16xf32>
        %reduce_or3A_397 = vector.broadcast %reduce_or3A_395 : f32 to vector<16xf32>
        %reduce_or3A_398 = arith.select %and3A_393, %reduce_or3A_396, %reduce_or3A_397 : vector<16xi1>, vector<16xf32>
        %reduce_or3A_399 = arith.constant true
        %reduce_or3A_400 = vector.broadcast %reduce_or3A_399 : i1 to vector<16xi1>
        %reduce_or3A_401 = tpu.scan <max>, %reduce_or3A_398 masked %reduce_or3A_400 : vector<16xf32>, vector<16xi1> -> vector<16xf32>
        %reduce_or3A_402 = vector.extract %reduce_or3A_401[15] : f32 from vector<16xf32>
        %reduce_or3A_403 = arith.constant 0.000000e+00 : f32
        %reduce_or3A_404 = arith.cmpf ogt, %reduce_or3A_402, %reduce_or3A_403 : f32
        %convert_element_type3A_405 = arith.extui %reduce_or3A_404 : i1 to i32
        %cond3A_406 = arith.constant 0 : i32
        %cond3A_407 = arith.cmpi ne, %convert_element_type3A_405, %cond3A_406 : i32
        scf.if %cond3A_407 {
          %add3A_513 = arith.constant 71680 : i32
          %add3A_514 = vector.broadcast %add3A_513 : i32 to vector<16xi32>
          %add3A_515 = arith.addi %add3A_514, %get3A_71 : vector<16xi32>
          %add3A_516 = arith.constant 102400 : i32
          %add3A_517 = vector.broadcast %add3A_516 : i32 to vector<16xi32>
          %add3A_518 = arith.addi %add3A_517, %iota3A : vector<16xi32>
          %select_n3A_519 = arith.select %and3A_393, %add3A_515, %add3A_518 : vector<16xi1>, vector<16xi32>
          "tpu.region"() ({
            %run_scoped3A = tpu.sem_alloc : memref<!tpu.dma_semaphore, #tpu.memory_space<semaphore_mem>>
            %dma_start3A = arith.constant 0 : i32
            %dma_start3A_520 = tpu.memref_slice %arg14[%dma_start3A] : memref<102416xf32, #tpu.memory_space<vmem_shared>> -> memref<102416xf32, #tpu.memory_space<vmem_shared>>
            tpu.enqueue_indirect_dma source(%arg13 : memref<16xf32, #tpu.memory_space<vmem>>) target(%dma_start3A_520 : memref<102416xf32, #tpu.memory_space<vmem_shared>>) offsets(%select_n3A_519 : vector<16xi32>) semaphore(%run_scoped3A : memref<!tpu.dma_semaphore, #tpu.memory_space<semaphore_mem>>) {add = true}
            %dma_wait3A = arith.constant 0 : i32
            %dma_wait3A_521 = tpu.memref_slice %arg14[%dma_wait3A] : memref<102416xf32, #tpu.memory_space<vmem_shared>> -> memref<102416xf32, #tpu.memory_space<vmem_shared>>
            tpu.wait_indirect_dma semaphore(%run_scoped3A : memref<!tpu.dma_semaphore, #tpu.memory_space<semaphore_mem>>) src(%arg13 : memref<16xf32, #tpu.memory_space<vmem>>) dst(%dma_wait3A_521 : memref<102416xf32, #tpu.memory_space<vmem_shared>>)
            tpu.yield
          }) : () -> ()
        } else {
        }
        %and3A_408 = arith.constant 128 : i32
        %and3A_409 = vector.broadcast %and3A_408 : i32 to vector<16xi32>
        %and3A_410 = arith.andi %gather3A_73, %and3A_409 : vector<16xi32>
        %ne3A_411 = arith.constant 0 : i32
        %ne3A_412 = vector.broadcast %ne3A_411 : i32 to vector<16xi32>
        %ne3A_413 = arith.cmpi ne, %and3A_410, %ne3A_412 : vector<16xi32>
        %and3A_414 = arith.andi %lt3A_67, %ne3A_413 : vector<16xi1>
        %reduce_or3A_415 = arith.constant 1.000000e+00 : f32
        %reduce_or3A_416 = arith.constant 0.000000e+00 : f32
        %reduce_or3A_417 = vector.broadcast %reduce_or3A_415 : f32 to vector<16xf32>
        %reduce_or3A_418 = vector.broadcast %reduce_or3A_416 : f32 to vector<16xf32>
        %reduce_or3A_419 = arith.select %and3A_414, %reduce_or3A_417, %reduce_or3A_418 : vector<16xi1>, vector<16xf32>
        %reduce_or3A_420 = arith.constant true
        %reduce_or3A_421 = vector.broadcast %reduce_or3A_420 : i1 to vector<16xi1>
        %reduce_or3A_422 = tpu.scan <max>, %reduce_or3A_419 masked %reduce_or3A_421 : vector<16xf32>, vector<16xi1> -> vector<16xf32>
        %reduce_or3A_423 = vector.extract %reduce_or3A_422[15] : f32 from vector<16xf32>
        %reduce_or3A_424 = arith.constant 0.000000e+00 : f32
        %reduce_or3A_425 = arith.cmpf ogt, %reduce_or3A_423, %reduce_or3A_424 : f32
        %convert_element_type3A_426 = arith.extui %reduce_or3A_425 : i1 to i32
        %cond3A_427 = arith.constant 0 : i32
        %cond3A_428 = arith.cmpi ne, %convert_element_type3A_426, %cond3A_427 : i32
        scf.if %cond3A_428 {
          %add3A_513 = arith.constant 71680 : i32
          %add3A_514 = vector.broadcast %add3A_513 : i32 to vector<16xi32>
          %add3A_515 = arith.addi %add3A_514, %get3A_69 : vector<16xi32>
          %add3A_516 = arith.constant 102400 : i32
          %add3A_517 = vector.broadcast %add3A_516 : i32 to vector<16xi32>
          %add3A_518 = arith.addi %add3A_517, %iota3A : vector<16xi32>
          %select_n3A_519 = arith.select %and3A_414, %add3A_515, %add3A_518 : vector<16xi1>, vector<16xi32>
          "tpu.region"() ({
            %run_scoped3A = tpu.sem_alloc : memref<!tpu.dma_semaphore, #tpu.memory_space<semaphore_mem>>
            %dma_start3A = arith.constant 0 : i32
            %dma_start3A_520 = tpu.memref_slice %arg14[%dma_start3A] : memref<102416xf32, #tpu.memory_space<vmem_shared>> -> memref<102416xf32, #tpu.memory_space<vmem_shared>>
            tpu.enqueue_indirect_dma source(%arg13 : memref<16xf32, #tpu.memory_space<vmem>>) target(%dma_start3A_520 : memref<102416xf32, #tpu.memory_space<vmem_shared>>) offsets(%select_n3A_519 : vector<16xi32>) semaphore(%run_scoped3A : memref<!tpu.dma_semaphore, #tpu.memory_space<semaphore_mem>>) {add = true}
            %dma_wait3A = arith.constant 0 : i32
            %dma_wait3A_521 = tpu.memref_slice %arg14[%dma_wait3A] : memref<102416xf32, #tpu.memory_space<vmem_shared>> -> memref<102416xf32, #tpu.memory_space<vmem_shared>>
            tpu.wait_indirect_dma semaphore(%run_scoped3A : memref<!tpu.dma_semaphore, #tpu.memory_space<semaphore_mem>>) src(%arg13 : memref<16xf32, #tpu.memory_space<vmem>>) dst(%dma_wait3A_521 : memref<102416xf32, #tpu.memory_space<vmem_shared>>)
            tpu.yield
          }) : () -> ()
        } else {
        }
        %and3A_429 = arith.constant 256 : i32
        %and3A_430 = vector.broadcast %and3A_429 : i32 to vector<16xi32>
        %and3A_431 = arith.andi %gather3A_72, %and3A_430 : vector<16xi32>
        %ne3A_432 = arith.constant 0 : i32
        %ne3A_433 = vector.broadcast %ne3A_432 : i32 to vector<16xi32>
        %ne3A_434 = arith.cmpi ne, %and3A_431, %ne3A_433 : vector<16xi32>
        %and3A_435 = arith.andi %lt3A_67, %ne3A_434 : vector<16xi1>
        %reduce_or3A_436 = arith.constant 1.000000e+00 : f32
        %reduce_or3A_437 = arith.constant 0.000000e+00 : f32
        %reduce_or3A_438 = vector.broadcast %reduce_or3A_436 : f32 to vector<16xf32>
        %reduce_or3A_439 = vector.broadcast %reduce_or3A_437 : f32 to vector<16xf32>
        %reduce_or3A_440 = arith.select %and3A_435, %reduce_or3A_438, %reduce_or3A_439 : vector<16xi1>, vector<16xf32>
        %reduce_or3A_441 = arith.constant true
        %reduce_or3A_442 = vector.broadcast %reduce_or3A_441 : i1 to vector<16xi1>
        %reduce_or3A_443 = tpu.scan <max>, %reduce_or3A_440 masked %reduce_or3A_442 : vector<16xf32>, vector<16xi1> -> vector<16xf32>
        %reduce_or3A_444 = vector.extract %reduce_or3A_443[15] : f32 from vector<16xf32>
        %reduce_or3A_445 = arith.constant 0.000000e+00 : f32
        %reduce_or3A_446 = arith.cmpf ogt, %reduce_or3A_444, %reduce_or3A_445 : f32
        %convert_element_type3A_447 = arith.extui %reduce_or3A_446 : i1 to i32
        %cond3A_448 = arith.constant 0 : i32
        %cond3A_449 = arith.cmpi ne, %convert_element_type3A_447, %cond3A_448 : i32
        scf.if %cond3A_449 {
          %add3A_513 = arith.constant 81920 : i32
          %add3A_514 = vector.broadcast %add3A_513 : i32 to vector<16xi32>
          %add3A_515 = arith.addi %add3A_514, %get3A_71 : vector<16xi32>
          %add3A_516 = arith.constant 102400 : i32
          %add3A_517 = vector.broadcast %add3A_516 : i32 to vector<16xi32>
          %add3A_518 = arith.addi %add3A_517, %iota3A : vector<16xi32>
          %select_n3A_519 = arith.select %and3A_435, %add3A_515, %add3A_518 : vector<16xi1>, vector<16xi32>
          "tpu.region"() ({
            %run_scoped3A = tpu.sem_alloc : memref<!tpu.dma_semaphore, #tpu.memory_space<semaphore_mem>>
            %dma_start3A = arith.constant 0 : i32
            %dma_start3A_520 = tpu.memref_slice %arg14[%dma_start3A] : memref<102416xf32, #tpu.memory_space<vmem_shared>> -> memref<102416xf32, #tpu.memory_space<vmem_shared>>
            tpu.enqueue_indirect_dma source(%arg13 : memref<16xf32, #tpu.memory_space<vmem>>) target(%dma_start3A_520 : memref<102416xf32, #tpu.memory_space<vmem_shared>>) offsets(%select_n3A_519 : vector<16xi32>) semaphore(%run_scoped3A : memref<!tpu.dma_semaphore, #tpu.memory_space<semaphore_mem>>) {add = true}
            %dma_wait3A = arith.constant 0 : i32
            %dma_wait3A_521 = tpu.memref_slice %arg14[%dma_wait3A] : memref<102416xf32, #tpu.memory_space<vmem_shared>> -> memref<102416xf32, #tpu.memory_space<vmem_shared>>
            tpu.wait_indirect_dma semaphore(%run_scoped3A : memref<!tpu.dma_semaphore, #tpu.memory_space<semaphore_mem>>) src(%arg13 : memref<16xf32, #tpu.memory_space<vmem>>) dst(%dma_wait3A_521 : memref<102416xf32, #tpu.memory_space<vmem_shared>>)
            tpu.yield
          }) : () -> ()
        } else {
        }
        %and3A_450 = arith.constant 256 : i32
        %and3A_451 = vector.broadcast %and3A_450 : i32 to vector<16xi32>
        %and3A_452 = arith.andi %gather3A_73, %and3A_451 : vector<16xi32>
        %ne3A_453 = arith.constant 0 : i32
        %ne3A_454 = vector.broadcast %ne3A_453 : i32 to vector<16xi32>
        %ne3A_455 = arith.cmpi ne, %and3A_452, %ne3A_454 : vector<16xi32>
        %and3A_456 = arith.andi %lt3A_67, %ne3A_455 : vector<16xi1>
        %reduce_or3A_457 = arith.constant 1.000000e+00 : f32
        %reduce_or3A_458 = arith.constant 0.000000e+00 : f32
        %reduce_or3A_459 = vector.broadcast %reduce_or3A_457 : f32 to vector<16xf32>
        %reduce_or3A_460 = vector.broadcast %reduce_or3A_458 : f32 to vector<16xf32>
        %reduce_or3A_461 = arith.select %and3A_456, %reduce_or3A_459, %reduce_or3A_460 : vector<16xi1>, vector<16xf32>
        %reduce_or3A_462 = arith.constant true
        %reduce_or3A_463 = vector.broadcast %reduce_or3A_462 : i1 to vector<16xi1>
        %reduce_or3A_464 = tpu.scan <max>, %reduce_or3A_461 masked %reduce_or3A_463 : vector<16xf32>, vector<16xi1> -> vector<16xf32>
        %reduce_or3A_465 = vector.extract %reduce_or3A_464[15] : f32 from vector<16xf32>
        %reduce_or3A_466 = arith.constant 0.000000e+00 : f32
        %reduce_or3A_467 = arith.cmpf ogt, %reduce_or3A_465, %reduce_or3A_466 : f32
        %convert_element_type3A_468 = arith.extui %reduce_or3A_467 : i1 to i32
        %cond3A_469 = arith.constant 0 : i32
        %cond3A_470 = arith.cmpi ne, %convert_element_type3A_468, %cond3A_469 : i32
        scf.if %cond3A_470 {
          %add3A_513 = arith.constant 81920 : i32
          %add3A_514 = vector.broadcast %add3A_513 : i32 to vector<16xi32>
          %add3A_515 = arith.addi %add3A_514, %get3A_69 : vector<16xi32>
          %add3A_516 = arith.constant 102400 : i32
          %add3A_517 = vector.broadcast %add3A_516 : i32 to vector<16xi32>
          %add3A_518 = arith.addi %add3A_517, %iota3A : vector<16xi32>
          %select_n3A_519 = arith.select %and3A_456, %add3A_515, %add3A_518 : vector<16xi1>, vector<16xi32>
          "tpu.region"() ({
            %run_scoped3A = tpu.sem_alloc : memref<!tpu.dma_semaphore, #tpu.memory_space<semaphore_mem>>
            %dma_start3A = arith.constant 0 : i32
            %dma_start3A_520 = tpu.memref_slice %arg14[%dma_start3A] : memref<102416xf32, #tpu.memory_space<vmem_shared>> -> memref<102416xf32, #tpu.memory_space<vmem_shared>>
            tpu.enqueue_indirect_dma source(%arg13 : memref<16xf32, #tpu.memory_space<vmem>>) target(%dma_start3A_520 : memref<102416xf32, #tpu.memory_space<vmem_shared>>) offsets(%select_n3A_519 : vector<16xi32>) semaphore(%run_scoped3A : memref<!tpu.dma_semaphore, #tpu.memory_space<semaphore_mem>>) {add = true}
            %dma_wait3A = arith.constant 0 : i32
            %dma_wait3A_521 = tpu.memref_slice %arg14[%dma_wait3A] : memref<102416xf32, #tpu.memory_space<vmem_shared>> -> memref<102416xf32, #tpu.memory_space<vmem_shared>>
            tpu.wait_indirect_dma semaphore(%run_scoped3A : memref<!tpu.dma_semaphore, #tpu.memory_space<semaphore_mem>>) src(%arg13 : memref<16xf32, #tpu.memory_space<vmem>>) dst(%dma_wait3A_521 : memref<102416xf32, #tpu.memory_space<vmem_shared>>)
            tpu.yield
          }) : () -> ()
        } else {
        }
        %and3A_471 = arith.constant 512 : i32
        %and3A_472 = vector.broadcast %and3A_471 : i32 to vector<16xi32>
        %and3A_473 = arith.andi %gather3A_72, %and3A_472 : vector<16xi32>
        %ne3A_474 = arith.constant 0 : i32
        %ne3A_475 = vector.broadcast %ne3A_474 : i32 to vector<16xi32>
        %ne3A_476 = arith.cmpi ne, %and3A_473, %ne3A_475 : vector<16xi32>
        %and3A_477 = arith.andi %lt3A_67, %ne3A_476 : vector<16xi1>
        %reduce_or3A_478 = arith.constant 1.000000e+00 : f32
        %reduce_or3A_479 = arith.constant 0.000000e+00 : f32
        %reduce_or3A_480 = vector.broadcast %reduce_or3A_478 : f32 to vector<16xf32>
        %reduce_or3A_481 = vector.broadcast %reduce_or3A_479 : f32 to vector<16xf32>
        %reduce_or3A_482 = arith.select %and3A_477, %reduce_or3A_480, %reduce_or3A_481 : vector<16xi1>, vector<16xf32>
        %reduce_or3A_483 = arith.constant true
        %reduce_or3A_484 = vector.broadcast %reduce_or3A_483 : i1 to vector<16xi1>
        %reduce_or3A_485 = tpu.scan <max>, %reduce_or3A_482 masked %reduce_or3A_484 : vector<16xf32>, vector<16xi1> -> vector<16xf32>
        %reduce_or3A_486 = vector.extract %reduce_or3A_485[15] : f32 from vector<16xf32>
        %reduce_or3A_487 = arith.constant 0.000000e+00 : f32
        %reduce_or3A_488 = arith.cmpf ogt, %reduce_or3A_486, %reduce_or3A_487 : f32
        %convert_element_type3A_489 = arith.extui %reduce_or3A_488 : i1 to i32
        %cond3A_490 = arith.constant 0 : i32
        %cond3A_491 = arith.cmpi ne, %convert_element_type3A_489, %cond3A_490 : i32
        scf.if %cond3A_491 {
          %add3A_513 = arith.constant 92160 : i32
          %add3A_514 = vector.broadcast %add3A_513 : i32 to vector<16xi32>
          %add3A_515 = arith.addi %add3A_514, %get3A_71 : vector<16xi32>
          %add3A_516 = arith.constant 102400 : i32
          %add3A_517 = vector.broadcast %add3A_516 : i32 to vector<16xi32>
          %add3A_518 = arith.addi %add3A_517, %iota3A : vector<16xi32>
          %select_n3A_519 = arith.select %and3A_477, %add3A_515, %add3A_518 : vector<16xi1>, vector<16xi32>
          "tpu.region"() ({
            %run_scoped3A = tpu.sem_alloc : memref<!tpu.dma_semaphore, #tpu.memory_space<semaphore_mem>>
            %dma_start3A = arith.constant 0 : i32
            %dma_start3A_520 = tpu.memref_slice %arg14[%dma_start3A] : memref<102416xf32, #tpu.memory_space<vmem_shared>> -> memref<102416xf32, #tpu.memory_space<vmem_shared>>
            tpu.enqueue_indirect_dma source(%arg13 : memref<16xf32, #tpu.memory_space<vmem>>) target(%dma_start3A_520 : memref<102416xf32, #tpu.memory_space<vmem_shared>>) offsets(%select_n3A_519 : vector<16xi32>) semaphore(%run_scoped3A : memref<!tpu.dma_semaphore, #tpu.memory_space<semaphore_mem>>) {add = true}
            %dma_wait3A = arith.constant 0 : i32
            %dma_wait3A_521 = tpu.memref_slice %arg14[%dma_wait3A] : memref<102416xf32, #tpu.memory_space<vmem_shared>> -> memref<102416xf32, #tpu.memory_space<vmem_shared>>
            tpu.wait_indirect_dma semaphore(%run_scoped3A : memref<!tpu.dma_semaphore, #tpu.memory_space<semaphore_mem>>) src(%arg13 : memref<16xf32, #tpu.memory_space<vmem>>) dst(%dma_wait3A_521 : memref<102416xf32, #tpu.memory_space<vmem_shared>>)
            tpu.yield
          }) : () -> ()
        } else {
        }
        %and3A_492 = arith.constant 512 : i32
        %and3A_493 = vector.broadcast %and3A_492 : i32 to vector<16xi32>
        %and3A_494 = arith.andi %gather3A_73, %and3A_493 : vector<16xi32>
        %ne3A_495 = arith.constant 0 : i32
        %ne3A_496 = vector.broadcast %ne3A_495 : i32 to vector<16xi32>
        %ne3A_497 = arith.cmpi ne, %and3A_494, %ne3A_496 : vector<16xi32>
        %and3A_498 = arith.andi %lt3A_67, %ne3A_497 : vector<16xi1>
        %reduce_or3A_499 = arith.constant 1.000000e+00 : f32
        %reduce_or3A_500 = arith.constant 0.000000e+00 : f32
        %reduce_or3A_501 = vector.broadcast %reduce_or3A_499 : f32 to vector<16xf32>
        %reduce_or3A_502 = vector.broadcast %reduce_or3A_500 : f32 to vector<16xf32>
        %reduce_or3A_503 = arith.select %and3A_498, %reduce_or3A_501, %reduce_or3A_502 : vector<16xi1>, vector<16xf32>
        %reduce_or3A_504 = arith.constant true
        %reduce_or3A_505 = vector.broadcast %reduce_or3A_504 : i1 to vector<16xi1>
        %reduce_or3A_506 = tpu.scan <max>, %reduce_or3A_503 masked %reduce_or3A_505 : vector<16xf32>, vector<16xi1> -> vector<16xf32>
        %reduce_or3A_507 = vector.extract %reduce_or3A_506[15] : f32 from vector<16xf32>
        %reduce_or3A_508 = arith.constant 0.000000e+00 : f32
        %reduce_or3A_509 = arith.cmpf ogt, %reduce_or3A_507, %reduce_or3A_508 : f32
        %convert_element_type3A_510 = arith.extui %reduce_or3A_509 : i1 to i32
        %cond3A_511 = arith.constant 0 : i32
        %cond3A_512 = arith.cmpi ne, %convert_element_type3A_510, %cond3A_511 : i32
        scf.if %cond3A_512 {
          %add3A_513 = arith.constant 92160 : i32
          %add3A_514 = vector.broadcast %add3A_513 : i32 to vector<16xi32>
          %add3A_515 = arith.addi %add3A_514, %get3A_69 : vector<16xi32>
          %add3A_516 = arith.constant 102400 : i32
          %add3A_517 = vector.broadcast %add3A_516 : i32 to vector<16xi32>
          %add3A_518 = arith.addi %add3A_517, %iota3A : vector<16xi32>
          %select_n3A_519 = arith.select %and3A_498, %add3A_515, %add3A_518 : vector<16xi1>, vector<16xi32>
          "tpu.region"() ({
            %run_scoped3A = tpu.sem_alloc : memref<!tpu.dma_semaphore, #tpu.memory_space<semaphore_mem>>
            %dma_start3A = arith.constant 0 : i32
            %dma_start3A_520 = tpu.memref_slice %arg14[%dma_start3A] : memref<102416xf32, #tpu.memory_space<vmem_shared>> -> memref<102416xf32, #tpu.memory_space<vmem_shared>>
            tpu.enqueue_indirect_dma source(%arg13 : memref<16xf32, #tpu.memory_space<vmem>>) target(%dma_start3A_520 : memref<102416xf32, #tpu.memory_space<vmem_shared>>) offsets(%select_n3A_519 : vector<16xi32>) semaphore(%run_scoped3A : memref<!tpu.dma_semaphore, #tpu.memory_space<semaphore_mem>>) {add = true}
            %dma_wait3A = arith.constant 0 : i32
            %dma_wait3A_521 = tpu.memref_slice %arg14[%dma_wait3A] : memref<102416xf32, #tpu.memory_space<vmem_shared>> -> memref<102416xf32, #tpu.memory_space<vmem_shared>>
            tpu.wait_indirect_dma semaphore(%run_scoped3A : memref<!tpu.dma_semaphore, #tpu.memory_space<semaphore_mem>>) src(%arg13 : memref<16xf32, #tpu.memory_space<vmem>>) dst(%dma_wait3A_521 : memref<102416xf32, #tpu.memory_space<vmem_shared>>)
            tpu.yield
          }) : () -> ()
        } else {
        }
      } else {
      }
    }
    %scan3A_21 = arith.constant 157 : i32
    "tpu.region"() ({
      %run_scoped3A = tpu.sem_alloc : memref<!tpu.dma_semaphore, #tpu.memory_space<semaphore_mem>>
      %dma_start3A = arith.constant 0 : i32
      %dma_start3A_28 = tpu.memref_slice %arg6[%add3A, %dma_start3A] : memref<32x10240xf32, #tpu.memory_space<hbm>> -> memref<1x10240xf32, #tpu.memory_space<hbm>>
      %dma_start3A_29 = tpu.memref_squeeze %dma_start3A_28 : memref<1x10240xf32, #tpu.memory_space<hbm>> -> memref<10240xf32, #tpu.memory_space<hbm>>
      %dma_start3A_30 = arith.constant 0 : i32
      %dma_start3A_31 = tpu.memref_slice %arg6[%add3A, %dma_start3A_30] : memref<32x10240xf32, #tpu.memory_space<hbm>> -> memref<1x10240xf32, #tpu.memory_space<hbm>>
      %dma_start3A_32 = tpu.memref_squeeze %dma_start3A_31 : memref<1x10240xf32, #tpu.memory_space<hbm>> -> memref<10240xf32, #tpu.memory_space<hbm>>
      tpu.enqueue_dma source(%arg11 : memref<10240xf32, #tpu.memory_space<vmem>>) target(%dma_start3A_32 : memref<10240xf32, #tpu.memory_space<hbm>>) target_semaphore(%run_scoped3A : memref<!tpu.dma_semaphore, #tpu.memory_space<semaphore_mem>>)
      %dma_wait3A = arith.constant 0 : i32
      %dma_wait3A_33 = tpu.memref_slice %arg6[%add3A, %dma_wait3A] : memref<32x10240xf32, #tpu.memory_space<hbm>> -> memref<1x10240xf32, #tpu.memory_space<hbm>>
      %dma_wait3A_34 = tpu.memref_squeeze %dma_wait3A_33 : memref<1x10240xf32, #tpu.memory_space<hbm>> -> memref<10240xf32, #tpu.memory_space<hbm>>
      %dma_wait3A_35 = arith.constant 0 : i32
      %dma_wait3A_36 = tpu.memref_slice %arg6[%add3A, %dma_wait3A_35] : memref<32x10240xf32, #tpu.memory_space<hbm>> -> memref<1x10240xf32, #tpu.memory_space<hbm>>
      %dma_wait3A_37 = tpu.memref_squeeze %dma_wait3A_36 : memref<1x10240xf32, #tpu.memory_space<hbm>> -> memref<10240xf32, #tpu.memory_space<hbm>>
      tpu.wait_dma2 semaphore(%run_scoped3A : memref<!tpu.dma_semaphore, #tpu.memory_space<semaphore_mem>>) src(%arg11 : memref<10240xf32, #tpu.memory_space<vmem>>) dst(%dma_wait3A_37 : memref<10240xf32, #tpu.memory_space<hbm>>)
      tpu.yield
    }) : () -> ()
    %barrier3A_22 = arith.constant 0 : index
    tpu.barrier barrier_id(%barrier3A_22)
    %eq3A_23 = arith.constant 0 : i32
    %eq3A_24 = arith.cmpi eq, %arg1, %eq3A_23 : i32
    %convert_element_type3A_25 = arith.extui %eq3A_24 : i1 to i32
    %cond3A_26 = arith.constant 0 : i32
    %cond3A_27 = arith.cmpi ne, %convert_element_type3A_25, %cond3A_26 : i32
    scf.if %cond3A_27 {
      "tpu.region"() ({
        %run_scoped3A = tpu.sem_alloc : memref<!tpu.dma_semaphore, #tpu.memory_space<semaphore_mem>>
        %dma_start3A = arith.constant 0 : i32
        %dma_start3A_28 = tpu.memref_slice %arg7[%arg0, %dma_start3A] : memref<2x102416xf32, #tpu.memory_space<hbm>> -> memref<1x102416xf32, #tpu.memory_space<hbm>>
        %dma_start3A_29 = tpu.memref_squeeze %dma_start3A_28 : memref<1x102416xf32, #tpu.memory_space<hbm>> -> memref<102416xf32, #tpu.memory_space<hbm>>
        tpu.enqueue_dma source(%arg14 : memref<102416xf32, #tpu.memory_space<vmem_shared>>) target(%dma_start3A_29 : memref<102416xf32, #tpu.memory_space<hbm>>) target_semaphore(%run_scoped3A : memref<!tpu.dma_semaphore, #tpu.memory_space<semaphore_mem>>)
        %dma_wait3A = arith.constant 0 : i32
        %dma_wait3A_30 = tpu.memref_slice %arg7[%arg0, %dma_wait3A] : memref<2x102416xf32, #tpu.memory_space<hbm>> -> memref<1x102416xf32, #tpu.memory_space<hbm>>
        %dma_wait3A_31 = tpu.memref_squeeze %dma_wait3A_30 : memref<1x102416xf32, #tpu.memory_space<hbm>> -> memref<102416xf32, #tpu.memory_space<hbm>>
        tpu.wait_dma2 semaphore(%run_scoped3A : memref<!tpu.dma_semaphore, #tpu.memory_space<semaphore_mem>>) src(%arg14 : memref<102416xf32, #tpu.memory_space<vmem_shared>>) dst(%dma_wait3A_31 : memref<102416xf32, #tpu.memory_space<hbm>>)
        tpu.yield
      }) : () -> ()
    } else {
    }
    return
  }
}

module attributes {stable_mosaic.version = 14 : i64} {
  func.func @_dense_body(%arg0: i32, %arg1: memref<32x10240xf32, #tpu.memory_space<vmem>>, %arg2: memref<2x102416xf32, #tpu.memory_space<vmem>>, %arg3: memref<128x2xf32, #tpu.memory_space<vmem>>, %arg4: memref<128x2xf32, #tpu.memory_space<vmem>>, %arg5: memref<128x2xf32, #tpu.memory_space<vmem>>, %arg6: memref<128x128xf32, #tpu.memory_space<vmem>>, %arg7: memref<128x128xf32, #tpu.memory_space<vmem>>, %arg8: memref<128x128xf32, #tpu.memory_space<vmem>>, %arg9: memref<256x128xf32, #tpu.memory_space<vmem>>, %arg10: memref<1x256xf32, #tpu.memory_space<vmem>>, %arg11: memref<128x128xf32, #tpu.memory_space<vmem>>, %arg12: memref<128x1xf32, #tpu.memory_space<vmem>>, %arg13: memref<128x1xf32, #tpu.memory_space<vmem>>, %arg14: memref<128x1xf32, #tpu.memory_space<vmem>>, %arg15: memref<256x1xf32, #tpu.memory_space<vmem>>, %arg16: memref<1x1xf32, #tpu.memory_space<vmem>>, %arg17: memref<2xi32, #tpu.memory_space<smem>>, %arg18: memref<8xi32, #tpu.memory_space<smem>>, %arg19: memref<1x8xf32, #tpu.memory_space<vmem>>, %arg20: memref<128x8xf32, #tpu.memory_space<vmem>>, %arg21: memref<128x8xf32, #tpu.memory_space<vmem>>, %arg22: memref<1x8xf32, #tpu.memory_space<vmem>>, %arg23: memref<1x10240xf32, #tpu.memory_space<vmem>>, %arg24: memref<128x8xf32, #tpu.memory_space<vmem>>, %arg25: memref<1x1xf32, #tpu.memory_space<smem>>) attributes {dimension_semantics = [#tpu.dimension_semantics<arbitrary>], iteration_bounds = array<i64: 1>, scalar_prefetch = 0 : i64, scratch_operands = 6 : i64, tpu.core_type = #tpu.core_type<tc>, window_params = [{pipeline_mode = #tpu.pipeline_mode<synchronous>, transform_indices = @transform_0, window_bounds = array<i64: 32, 10240>}, {pipeline_mode = #tpu.pipeline_mode<synchronous>, transform_indices = @transform_1, window_bounds = array<i64: 2, 102416>}, {pipeline_mode = #tpu.pipeline_mode<synchronous>, transform_indices = @transform_2, window_bounds = array<i64: 128, 2>}, {pipeline_mode = #tpu.pipeline_mode<synchronous>, transform_indices = @transform_3, window_bounds = array<i64: 128, 2>}, {pipeline_mode = #tpu.pipeline_mode<synchronous>, transform_indices = @transform_4, window_bounds = array<i64: 128, 2>}, {pipeline_mode = #tpu.pipeline_mode<synchronous>, transform_indices = @transform_5, window_bounds = array<i64: 128, 128>}, {pipeline_mode = #tpu.pipeline_mode<synchronous>, transform_indices = @transform_6, window_bounds = array<i64: 128, 128>}, {pipeline_mode = #tpu.pipeline_mode<synchronous>, transform_indices = @transform_7, window_bounds = array<i64: 128, 128>}, {pipeline_mode = #tpu.pipeline_mode<synchronous>, transform_indices = @transform_8, window_bounds = array<i64: 256, 128>}, {pipeline_mode = #tpu.pipeline_mode<synchronous>, transform_indices = @transform_9, window_bounds = array<i64: 1, 256>}, {pipeline_mode = #tpu.pipeline_mode<synchronous>, transform_indices = @transform_10, window_bounds = array<i64: 128, 128>}, {pipeline_mode = #tpu.pipeline_mode<synchronous>, transform_indices = @transform_11, window_bounds = array<i64: 128, 1>}, {pipeline_mode = #tpu.pipeline_mode<synchronous>, transform_indices = @transform_12, window_bounds = array<i64: 128, 1>}, {pipeline_mode = #tpu.pipeline_mode<synchronous>, transform_indices = @transform_13, window_bounds = array<i64: 128, 1>}, {pipeline_mode = #tpu.pipeline_mode<synchronous>, transform_indices = @transform_14, window_bounds = array<i64: 256, 1>}, {pipeline_mode = #tpu.pipeline_mode<synchronous>, transform_indices = @transform_15, window_bounds = array<i64: 1, 1>}, {transform_indices = @transform_16, window_bounds = array<i64: 2>}, {transform_indices = @transform_17, window_bounds = array<i64: 8>}, {pipeline_mode = #tpu.pipeline_mode<synchronous>, transform_indices = @transform_18, window_bounds = array<i64: 1, 8>}]} {
    %eq3A = arith.constant 0 : i32
    %eq3A_0 = arith.cmpi eq, %arg0, %eq3A : i32
    %convert_element_type3A = arith.extui %eq3A_0 : i1 to i32
    %cond3A = arith.constant 0 : i32
    %cond3A_1 = arith.cmpi ne, %convert_element_type3A, %cond3A : i32
    scf.if %cond3A_1 {
      %get3A_476 = arith.constant 0 : index
      %get3A_477 = arith.constant 0 : index
      %get3A_478 = vector.load %arg1[%get3A_476, %get3A_477] : memref<32x10240xf32, #tpu.memory_space<vmem>>, vector<1x10240xf32>
      %get3A_479 = arith.constant 1 : index
      %get3A_480 = arith.constant 0 : index
      %get3A_481 = vector.load %arg1[%get3A_479, %get3A_480] : memref<32x10240xf32, #tpu.memory_space<vmem>>, vector<1x10240xf32>
      %add3A_482 = arith.addf %get3A_478, %get3A_481 : vector<1x10240xf32>
      %get3A_483 = arith.constant 2 : index
      %get3A_484 = arith.constant 0 : index
      %get3A_485 = vector.load %arg1[%get3A_483, %get3A_484] : memref<32x10240xf32, #tpu.memory_space<vmem>>, vector<1x10240xf32>
      %add3A_486 = arith.addf %add3A_482, %get3A_485 : vector<1x10240xf32>
      %get3A_487 = arith.constant 3 : index
      %get3A_488 = arith.constant 0 : index
      %get3A_489 = vector.load %arg1[%get3A_487, %get3A_488] : memref<32x10240xf32, #tpu.memory_space<vmem>>, vector<1x10240xf32>
      %add3A_490 = arith.addf %add3A_486, %get3A_489 : vector<1x10240xf32>
      %get3A_491 = arith.constant 4 : index
      %get3A_492 = arith.constant 0 : index
      %get3A_493 = vector.load %arg1[%get3A_491, %get3A_492] : memref<32x10240xf32, #tpu.memory_space<vmem>>, vector<1x10240xf32>
      %add3A_494 = arith.addf %add3A_490, %get3A_493 : vector<1x10240xf32>
      %get3A_495 = arith.constant 5 : index
      %get3A_496 = arith.constant 0 : index
      %get3A_497 = vector.load %arg1[%get3A_495, %get3A_496] : memref<32x10240xf32, #tpu.memory_space<vmem>>, vector<1x10240xf32>
      %add3A_498 = arith.addf %add3A_494, %get3A_497 : vector<1x10240xf32>
      %get3A_499 = arith.constant 6 : index
      %get3A_500 = arith.constant 0 : index
      %get3A_501 = vector.load %arg1[%get3A_499, %get3A_500] : memref<32x10240xf32, #tpu.memory_space<vmem>>, vector<1x10240xf32>
      %add3A_502 = arith.addf %add3A_498, %get3A_501 : vector<1x10240xf32>
      %get3A_503 = arith.constant 7 : index
      %get3A_504 = arith.constant 0 : index
      %get3A_505 = vector.load %arg1[%get3A_503, %get3A_504] : memref<32x10240xf32, #tpu.memory_space<vmem>>, vector<1x10240xf32>
      %add3A_506 = arith.addf %add3A_502, %get3A_505 : vector<1x10240xf32>
      %get3A_507 = arith.constant 8 : index
      %get3A_508 = arith.constant 0 : index
      %get3A_509 = vector.load %arg1[%get3A_507, %get3A_508] : memref<32x10240xf32, #tpu.memory_space<vmem>>, vector<1x10240xf32>
      %add3A_510 = arith.addf %add3A_506, %get3A_509 : vector<1x10240xf32>
      %get3A_511 = arith.constant 9 : index
      %get3A_512 = arith.constant 0 : index
      %get3A_513 = vector.load %arg1[%get3A_511, %get3A_512] : memref<32x10240xf32, #tpu.memory_space<vmem>>, vector<1x10240xf32>
      %add3A_514 = arith.addf %add3A_510, %get3A_513 : vector<1x10240xf32>
      %get3A_515 = arith.constant 10 : index
      %get3A_516 = arith.constant 0 : index
      %get3A_517 = vector.load %arg1[%get3A_515, %get3A_516] : memref<32x10240xf32, #tpu.memory_space<vmem>>, vector<1x10240xf32>
      %add3A_518 = arith.addf %add3A_514, %get3A_517 : vector<1x10240xf32>
      %get3A_519 = arith.constant 11 : index
      %get3A_520 = arith.constant 0 : index
      %get3A_521 = vector.load %arg1[%get3A_519, %get3A_520] : memref<32x10240xf32, #tpu.memory_space<vmem>>, vector<1x10240xf32>
      %add3A_522 = arith.addf %add3A_518, %get3A_521 : vector<1x10240xf32>
      %get3A_523 = arith.constant 12 : index
      %get3A_524 = arith.constant 0 : index
      %get3A_525 = vector.load %arg1[%get3A_523, %get3A_524] : memref<32x10240xf32, #tpu.memory_space<vmem>>, vector<1x10240xf32>
      %add3A_526 = arith.addf %add3A_522, %get3A_525 : vector<1x10240xf32>
      %get3A_527 = arith.constant 13 : index
      %get3A_528 = arith.constant 0 : index
      %get3A_529 = vector.load %arg1[%get3A_527, %get3A_528] : memref<32x10240xf32, #tpu.memory_space<vmem>>, vector<1x10240xf32>
      %add3A_530 = arith.addf %add3A_526, %get3A_529 : vector<1x10240xf32>
      %get3A_531 = arith.constant 14 : index
      %get3A_532 = arith.constant 0 : index
      %get3A_533 = vector.load %arg1[%get3A_531, %get3A_532] : memref<32x10240xf32, #tpu.memory_space<vmem>>, vector<1x10240xf32>
      %add3A_534 = arith.addf %add3A_530, %get3A_533 : vector<1x10240xf32>
      %get3A_535 = arith.constant 15 : index
      %get3A_536 = arith.constant 0 : index
      %get3A_537 = vector.load %arg1[%get3A_535, %get3A_536] : memref<32x10240xf32, #tpu.memory_space<vmem>>, vector<1x10240xf32>
      %add3A_538 = arith.addf %add3A_534, %get3A_537 : vector<1x10240xf32>
      %get3A_539 = arith.constant 16 : index
      %get3A_540 = arith.constant 0 : index
      %get3A_541 = vector.load %arg1[%get3A_539, %get3A_540] : memref<32x10240xf32, #tpu.memory_space<vmem>>, vector<1x10240xf32>
      %add3A_542 = arith.addf %add3A_538, %get3A_541 : vector<1x10240xf32>
      %get3A_543 = arith.constant 17 : index
      %get3A_544 = arith.constant 0 : index
      %get3A_545 = vector.load %arg1[%get3A_543, %get3A_544] : memref<32x10240xf32, #tpu.memory_space<vmem>>, vector<1x10240xf32>
      %add3A_546 = arith.addf %add3A_542, %get3A_545 : vector<1x10240xf32>
      %get3A_547 = arith.constant 18 : index
      %get3A_548 = arith.constant 0 : index
      %get3A_549 = vector.load %arg1[%get3A_547, %get3A_548] : memref<32x10240xf32, #tpu.memory_space<vmem>>, vector<1x10240xf32>
      %add3A_550 = arith.addf %add3A_546, %get3A_549 : vector<1x10240xf32>
      %get3A_551 = arith.constant 19 : index
      %get3A_552 = arith.constant 0 : index
      %get3A_553 = vector.load %arg1[%get3A_551, %get3A_552] : memref<32x10240xf32, #tpu.memory_space<vmem>>, vector<1x10240xf32>
      %add3A_554 = arith.addf %add3A_550, %get3A_553 : vector<1x10240xf32>
      %get3A_555 = arith.constant 20 : index
      %get3A_556 = arith.constant 0 : index
      %get3A_557 = vector.load %arg1[%get3A_555, %get3A_556] : memref<32x10240xf32, #tpu.memory_space<vmem>>, vector<1x10240xf32>
      %add3A_558 = arith.addf %add3A_554, %get3A_557 : vector<1x10240xf32>
      %get3A_559 = arith.constant 21 : index
      %get3A_560 = arith.constant 0 : index
      %get3A_561 = vector.load %arg1[%get3A_559, %get3A_560] : memref<32x10240xf32, #tpu.memory_space<vmem>>, vector<1x10240xf32>
      %add3A_562 = arith.addf %add3A_558, %get3A_561 : vector<1x10240xf32>
      %get3A_563 = arith.constant 22 : index
      %get3A_564 = arith.constant 0 : index
      %get3A_565 = vector.load %arg1[%get3A_563, %get3A_564] : memref<32x10240xf32, #tpu.memory_space<vmem>>, vector<1x10240xf32>
      %add3A_566 = arith.addf %add3A_562, %get3A_565 : vector<1x10240xf32>
      %get3A_567 = arith.constant 23 : index
      %get3A_568 = arith.constant 0 : index
      %get3A_569 = vector.load %arg1[%get3A_567, %get3A_568] : memref<32x10240xf32, #tpu.memory_space<vmem>>, vector<1x10240xf32>
      %add3A_570 = arith.addf %add3A_566, %get3A_569 : vector<1x10240xf32>
      %get3A_571 = arith.constant 24 : index
      %get3A_572 = arith.constant 0 : index
      %get3A_573 = vector.load %arg1[%get3A_571, %get3A_572] : memref<32x10240xf32, #tpu.memory_space<vmem>>, vector<1x10240xf32>
      %add3A_574 = arith.addf %add3A_570, %get3A_573 : vector<1x10240xf32>
      %get3A_575 = arith.constant 25 : index
      %get3A_576 = arith.constant 0 : index
      %get3A_577 = vector.load %arg1[%get3A_575, %get3A_576] : memref<32x10240xf32, #tpu.memory_space<vmem>>, vector<1x10240xf32>
      %add3A_578 = arith.addf %add3A_574, %get3A_577 : vector<1x10240xf32>
      %get3A_579 = arith.constant 26 : index
      %get3A_580 = arith.constant 0 : index
      %get3A_581 = vector.load %arg1[%get3A_579, %get3A_580] : memref<32x10240xf32, #tpu.memory_space<vmem>>, vector<1x10240xf32>
      %add3A_582 = arith.addf %add3A_578, %get3A_581 : vector<1x10240xf32>
      %get3A_583 = arith.constant 27 : index
      %get3A_584 = arith.constant 0 : index
      %get3A_585 = vector.load %arg1[%get3A_583, %get3A_584] : memref<32x10240xf32, #tpu.memory_space<vmem>>, vector<1x10240xf32>
      %add3A_586 = arith.addf %add3A_582, %get3A_585 : vector<1x10240xf32>
      %get3A_587 = arith.constant 28 : index
      %get3A_588 = arith.constant 0 : index
      %get3A_589 = vector.load %arg1[%get3A_587, %get3A_588] : memref<32x10240xf32, #tpu.memory_space<vmem>>, vector<1x10240xf32>
      %add3A_590 = arith.addf %add3A_586, %get3A_589 : vector<1x10240xf32>
      %get3A_591 = arith.constant 29 : index
      %get3A_592 = arith.constant 0 : index
      %get3A_593 = vector.load %arg1[%get3A_591, %get3A_592] : memref<32x10240xf32, #tpu.memory_space<vmem>>, vector<1x10240xf32>
      %add3A_594 = arith.addf %add3A_590, %get3A_593 : vector<1x10240xf32>
      %get3A_595 = arith.constant 30 : index
      %get3A_596 = arith.constant 0 : index
      %get3A_597 = vector.load %arg1[%get3A_595, %get3A_596] : memref<32x10240xf32, #tpu.memory_space<vmem>>, vector<1x10240xf32>
      %add3A_598 = arith.addf %add3A_594, %get3A_597 : vector<1x10240xf32>
      %get3A_599 = arith.constant 31 : index
      %get3A_600 = arith.constant 0 : index
      %get3A_601 = vector.load %arg1[%get3A_599, %get3A_600] : memref<32x10240xf32, #tpu.memory_space<vmem>>, vector<1x10240xf32>
      %add3A_602 = arith.addf %add3A_598, %get3A_601 : vector<1x10240xf32>
      %swap3A = arith.constant 0 : index
      %swap3A_603 = arith.constant 0 : index
      %swap3A_604 = vector.load %arg23[%swap3A, %swap3A_603] : memref<1x10240xf32, #tpu.memory_space<vmem>>, vector<1x10240xf32>
      tpu.vector_store %arg23[%swap3A, %swap3A_603], %add3A_602 {strides = array<i32>} : memref<1x10240xf32, #tpu.memory_space<vmem>>, vector<1x10240xf32>,
      %add3A_605 = arith.constant 1.000000e+00 : f32
      %add3A_606 = vector.broadcast %add3A_605 : f32 to vector<1x10240xf32>
      %add3A_607 = arith.addf %add3A_602, %add3A_606 : vector<1x10240xf32>
      %log3A_608 = math.log %add3A_607 : vector<1x10240xf32>
      %reduce_sum3A_609 = vector.shape_cast %log3A_608 : vector<1x10240xf32> to vector<1x1x10240xf32>
      %reduce_sum3A_610 = arith.constant dense<0.000000e+00> : vector<1xf32>
      %reduce_sum3A_611 = vector.multi_reduction <add>, %reduce_sum3A_609, %reduce_sum3A_610 [1, 2] : vector<1x1x10240xf32> to vector<1xf32>
      %reduce_sum3A_612 = vector.shape_cast %reduce_sum3A_611 : vector<1xf32> to vector<1x1x1xf32>
      %reduce_sum3A_613 = vector.extract %reduce_sum3A_612[0, 0, 0] : f32 from vector<1x1x1xf32>
      %div3A_614 = arith.constant 1.000000e+04 : f32
      %div3A_615 = arith.divf %reduce_sum3A_613, %div3A_614 : f32
      %swap3A_616 = arith.constant 0 : index
      %swap3A_617 = arith.constant 0 : index
      %swap3A_618 = memref.load %arg25[%swap3A_616, %swap3A_617] : memref<1x1xf32, #tpu.memory_space<smem>>
      memref.store %div3A_615, %arg25[%swap3A_616, %swap3A_617] : memref<1x1xf32, #tpu.memory_space<smem>>
      %get3A_619 = arith.constant 0 : index
      %get3A_620 = arith.constant 0 : index
      %get3A_621 = vector.load %arg4[%get3A_619, %get3A_620] : memref<128x2xf32, #tpu.memory_space<vmem>>, vector<128x2xf32>
      %get3A_622 = arith.constant 0 : index
      %get3A_623 = arith.constant 0 : index
      %get3A_624 = vector.load %arg3[%get3A_622, %get3A_623] : memref<128x2xf32, #tpu.memory_space<vmem>>, vector<128x2xf32>
      %get3A_625 = arith.constant 0 : index
      %get3A_626 = arith.constant 0 : index
      %get3A_627 = vector.load %arg5[%get3A_625, %get3A_626] : memref<128x2xf32, #tpu.memory_space<vmem>>, vector<128x2xf32>
      %mul3A_628 = arith.mulf %get3A_627, %get3A_621 : vector<128x2xf32>
      %reduce_sum3A_629 = arith.constant dense<0.000000e+00> : vector<2xf32>
      %reduce_sum3A_630 = vector.multi_reduction <add>, %mul3A_628, %reduce_sum3A_629 [0] : vector<128x2xf32> to vector<2xf32>
      %broadcast_in_dim3A_631 = vector.shape_cast %reduce_sum3A_630 : vector<2xf32> to vector<1x2xf32>
      %div3A_632 = arith.constant 11.3137083 : f32
      %div3A_633 = vector.broadcast %div3A_632 : f32 to vector<1x2xf32>
      %div3A_634 = arith.divf %broadcast_in_dim3A_631, %div3A_633 : vector<1x2xf32>
      %logistic3A_635 = arith.negf %div3A_634 : vector<1x2xf32>
      %logistic3A_636 = math.exp %logistic3A_635 : vector<1x2xf32>
      %logistic3A_637 = arith.constant 1.000000e+00 : f32
      %logistic3A_638 = vector.broadcast %logistic3A_637 : f32 to vector<1x2xf32>
      %logistic3A_639 = arith.addf %logistic3A_638, %logistic3A_636 : vector<1x2xf32>
      %logistic3A_640 = arith.divf %logistic3A_638, %logistic3A_639 : vector<1x2xf32>
      %mul3A_641 = vector.broadcast %logistic3A_640 : vector<1x2xf32> to vector<128x2xf32>
      %mul3A_642 = arith.mulf %mul3A_641, %get3A_624 : vector<128x2xf32>
      %mul3A_643 = arith.mulf %mul3A_642, %get3A_621 : vector<128x2xf32>
      %get3A_644 = arith.constant 0 : index
      %get3A_645 = arith.constant 0 : index
      %get3A_646 = vector.load %arg6[%get3A_644, %get3A_645] : memref<128x128xf32, #tpu.memory_space<vmem>>, vector<128x128xf32>
      %dot_general3A_647 = arith.constant dense<0.000000e+00> : vector<128x2xf32>
      %dot_general3A_648 = tpu.matmul %get3A_646, %mul3A_643, %dot_general3A_647 {dimension_numbers = #tpu.dot_dimension_numbers<[1], [0], [0], [1], [0, 0, 1, 1], [], []>, transpose_lhs_hint = false} : vector<128x128xf32>, vector<128x2xf32>, vector<128x2xf32> -> vector<128x2xf32>
      %swap3A_649 = arith.constant 0 : index
      %swap3A_650 = arith.constant 0 : index
      %swap3A_651 = vector.load %arg24[%swap3A_649, %swap3A_650] : memref<128x8xf32, #tpu.memory_space<vmem>>, vector<128x2xf32>
      tpu.vector_store %arg24[%swap3A_649, %swap3A_650], %dot_general3A_648 {strides = array<i32>} : memref<128x8xf32, #tpu.memory_space<vmem>>, vector<128x2xf32>,
      %max3A_652 = arith.constant 0.000000e+00 : f32
      %max3A_653 = vector.broadcast %max3A_652 : f32 to vector<128x2xf32>
      %max3A_654 = arith.maximumf %mul3A_643, %max3A_653 : vector<128x2xf32>
      %get3A_655 = arith.constant 0 : index
      %get3A_656 = arith.constant 0 : index
      %get3A_657 = vector.load %arg6[%get3A_655, %get3A_656] : memref<128x128xf32, #tpu.memory_space<vmem>>, vector<128x128xf32>
      %dot_general3A_658 = arith.constant dense<0.000000e+00> : vector<128x2xf32>
      %dot_general3A_659 = tpu.matmul %get3A_657, %max3A_654, %dot_general3A_658 {dimension_numbers = #tpu.dot_dimension_numbers<[1], [0], [0], [1], [0, 0, 1, 1], [], []>, transpose_lhs_hint = false} : vector<128x128xf32>, vector<128x2xf32>, vector<128x2xf32> -> vector<128x2xf32>
      %swap3A_660 = arith.constant 0 : index
      %swap3A_661 = arith.constant 2 : index
      %swap3A_662 = vector.load %arg24[%swap3A_660, %swap3A_661] : memref<128x8xf32, #tpu.memory_space<vmem>>, vector<128x2xf32>
      tpu.vector_store %arg24[%swap3A_660, %swap3A_661], %dot_general3A_659 {strides = array<i32>} : memref<128x8xf32, #tpu.memory_space<vmem>>, vector<128x2xf32>,
      %get3A_663 = arith.constant 0 : index
      %get3A_664 = arith.constant 0 : index
      %get3A_665 = vector.load %arg8[%get3A_663, %get3A_664] : memref<128x128xf32, #tpu.memory_space<vmem>>, vector<128x128xf32>
      %dot_general3A_666 = arith.constant dense<0.000000e+00> : vector<128x2xf32>
      %dot_general3A_667 = tpu.matmul %get3A_665, %get3A_621, %dot_general3A_666 {dimension_numbers = #tpu.dot_dimension_numbers<[1], [0], [0], [1], [0, 0, 1, 1], [], []>, transpose_lhs_hint = false} : vector<128x128xf32>, vector<128x2xf32>, vector<128x2xf32> -> vector<128x2xf32>
      %get3A_668 = arith.constant 0 : index
      %get3A_669 = arith.constant 0 : index
      %get3A_670 = vector.load %arg14[%get3A_668, %get3A_669] : memref<128x1xf32, #tpu.memory_space<vmem>>, vector<128x1xf32>
      %add3A_671 = vector.broadcast %get3A_670 : vector<128x1xf32> to vector<128x2xf32>
      %add3A_672 = arith.addf %dot_general3A_667, %add3A_671 : vector<128x2xf32>
      %swap3A_673 = arith.constant 0 : index
      %swap3A_674 = arith.constant 4 : index
      %swap3A_675 = vector.load %arg24[%swap3A_673, %swap3A_674] : memref<128x8xf32, #tpu.memory_space<vmem>>, vector<128x2xf32>
      tpu.vector_store %arg24[%swap3A_673, %swap3A_674], %add3A_672 {strides = array<i32>} : memref<128x8xf32, #tpu.memory_space<vmem>>, vector<128x2xf32>,
      %mul3A_676 = arith.mulf %get3A_624, %get3A_621 : vector<128x2xf32>
      %swap3A_677 = arith.constant 0 : index
      %swap3A_678 = arith.constant 6 : index
      %swap3A_679 = vector.load %arg24[%swap3A_677, %swap3A_678] : memref<128x8xf32, #tpu.memory_space<vmem>>, vector<128x2xf32>
      tpu.vector_store %arg24[%swap3A_677, %swap3A_678], %mul3A_676 {strides = array<i32>} : memref<128x8xf32, #tpu.memory_space<vmem>>, vector<128x2xf32>,
    } else {
    }
    %get3A = arith.constant 0 : index
    %get3A_2 = arith.constant 0 : index
    %get3A_3 = memref.load %arg25[%get3A, %get3A_2] : memref<1x1xf32, #tpu.memory_space<smem>>
    %mul3A = arith.constant 10240 : i32
    %mul3A_4 = arith.muli %arg0, %mul3A : i32
    %get3A_5 = arith.constant 0 : index
    %get3A_6 = arith.index_cast %mul3A_4 : i32 to index
    %get3A_7 = vector.load %arg23[%get3A_5, %get3A_6] : memref<1x10240xf32, #tpu.memory_space<vmem>>, vector<1x10240xf32>
    %add3A = arith.constant 1.000000e+00 : f32
    %add3A_8 = vector.broadcast %add3A : f32 to vector<1x10240xf32>
    %add3A_9 = arith.addf %get3A_7, %add3A_8 : vector<1x10240xf32>
    %log3A = math.log %add3A_9 : vector<1x10240xf32>
    %div3A = vector.broadcast %get3A_3 : f32 to vector<1x10240xf32>
    %div3A_10 = arith.divf %log3A, %div3A : vector<1x10240xf32>
    %max3A = arith.constant 1.000000e+00 : f32
    %max3A_11 = vector.broadcast %max3A : f32 to vector<1x10240xf32>
    %max3A_12 = arith.maximumf %get3A_7, %max3A_11 : vector<1x10240xf32>
    %iota3A = tpu.iota {dimensions = array<i32: 1>} : vector<1x10240xi32>
    %add3A_13 = vector.broadcast %mul3A_4 : i32 to vector<1x10240xi32>
    %add3A_14 = arith.addi %iota3A, %add3A_13 : vector<1x10240xi32>
    %add3A_15 = arith.constant 0 : i32
    %add3A_16 = arith.addi %add3A_15, %mul3A_4 : i32
    %get3A_17 = arith.constant 0 : index
    %get3A_18 = arith.index_cast %add3A_16 : i32 to index
    %get3A_19 = vector.load %arg2[%get3A_17, %get3A_18] : memref<2x102416xf32, #tpu.memory_space<vmem>>, vector<1x10240xf32>
    %add3A_20 = arith.constant 0 : i32
    %add3A_21 = arith.addi %add3A_20, %mul3A_4 : i32
    %get3A_22 = arith.constant 1 : index
    %get3A_23 = arith.index_cast %add3A_21 : i32 to index
    %get3A_24 = vector.load %arg2[%get3A_22, %get3A_23] : memref<2x102416xf32, #tpu.memory_space<vmem>>, vector<1x10240xf32>
    %add3A_25 = arith.addf %get3A_19, %get3A_24 : vector<1x10240xf32>
    %add3A_26 = arith.constant 20480 : i32
    %add3A_27 = arith.addi %add3A_26, %mul3A_4 : i32
    %get3A_28 = arith.constant 0 : index
    %get3A_29 = arith.index_cast %add3A_27 : i32 to index
    %get3A_30 = vector.load %arg2[%get3A_28, %get3A_29] : memref<2x102416xf32, #tpu.memory_space<vmem>>, vector<1x10240xf32>
    %add3A_31 = arith.constant 20480 : i32
    %add3A_32 = arith.addi %add3A_31, %mul3A_4 : i32
    %get3A_33 = arith.constant 1 : index
    %get3A_34 = arith.index_cast %add3A_32 : i32 to index
    %get3A_35 = vector.load %arg2[%get3A_33, %get3A_34] : memref<2x102416xf32, #tpu.memory_space<vmem>>, vector<1x10240xf32>
    %add3A_36 = arith.addf %get3A_30, %get3A_35 : vector<1x10240xf32>
    %add3A_37 = arith.constant 30720 : i32
    %add3A_38 = arith.addi %add3A_37, %mul3A_4 : i32
    %get3A_39 = arith.constant 0 : index
    %get3A_40 = arith.index_cast %add3A_38 : i32 to index
    %get3A_41 = vector.load %arg2[%get3A_39, %get3A_40] : memref<2x102416xf32, #tpu.memory_space<vmem>>, vector<1x10240xf32>
    %add3A_42 = arith.constant 30720 : i32
    %add3A_43 = arith.addi %add3A_42, %mul3A_4 : i32
    %get3A_44 = arith.constant 1 : index
    %get3A_45 = arith.index_cast %add3A_43 : i32 to index
    %get3A_46 = vector.load %arg2[%get3A_44, %get3A_45] : memref<2x102416xf32, #tpu.memory_space<vmem>>, vector<1x10240xf32>
    %add3A_47 = arith.addf %get3A_41, %get3A_46 : vector<1x10240xf32>
    %add3A_48 = arith.constant 40960 : i32
    %add3A_49 = arith.addi %add3A_48, %mul3A_4 : i32
    %get3A_50 = arith.constant 0 : index
    %get3A_51 = arith.index_cast %add3A_49 : i32 to index
    %get3A_52 = vector.load %arg2[%get3A_50, %get3A_51] : memref<2x102416xf32, #tpu.memory_space<vmem>>, vector<1x10240xf32>
    %add3A_53 = arith.constant 40960 : i32
    %add3A_54 = arith.addi %add3A_53, %mul3A_4 : i32
    %get3A_55 = arith.constant 1 : index
    %get3A_56 = arith.index_cast %add3A_54 : i32 to index
    %get3A_57 = vector.load %arg2[%get3A_55, %get3A_56] : memref<2x102416xf32, #tpu.memory_space<vmem>>, vector<1x10240xf32>
    %add3A_58 = arith.addf %get3A_52, %get3A_57 : vector<1x10240xf32>
    %add3A_59 = arith.constant 51200 : i32
    %add3A_60 = arith.addi %add3A_59, %mul3A_4 : i32
    %get3A_61 = arith.constant 0 : index
    %get3A_62 = arith.index_cast %add3A_60 : i32 to index
    %get3A_63 = vector.load %arg2[%get3A_61, %get3A_62] : memref<2x102416xf32, #tpu.memory_space<vmem>>, vector<1x10240xf32>
    %add3A_64 = arith.constant 51200 : i32
    %add3A_65 = arith.addi %add3A_64, %mul3A_4 : i32
    %get3A_66 = arith.constant 1 : index
    %get3A_67 = arith.index_cast %add3A_65 : i32 to index
    %get3A_68 = vector.load %arg2[%get3A_66, %get3A_67] : memref<2x102416xf32, #tpu.memory_space<vmem>>, vector<1x10240xf32>
    %add3A_69 = arith.addf %get3A_63, %get3A_68 : vector<1x10240xf32>
    %concatenate3A = tpu.concatenate %add3A_36, %add3A_47, %add3A_58, %add3A_69 in 0 : vector<1x10240xf32>, vector<1x10240xf32>, vector<1x10240xf32>, vector<1x10240xf32> -> vector<4x10240xf32>
    %get3A_70 = arith.constant 0 : index
    %get3A_71 = arith.constant 0 : index
    %get3A_72 = vector.load %arg24[%get3A_70, %get3A_71] : memref<128x8xf32, #tpu.memory_space<vmem>>, vector<128x1xf32>
    %get3A_73 = arith.constant 0 : index
    %get3A_74 = arith.constant 2 : index
    %get3A_75 = vector.load %arg24[%get3A_73, %get3A_74] : memref<128x8xf32, #tpu.memory_space<vmem>>, vector<128x1xf32>
    %get3A_76 = arith.constant 0 : index
    %get3A_77 = arith.constant 4 : index
    %get3A_78 = vector.load %arg24[%get3A_76, %get3A_77] : memref<128x8xf32, #tpu.memory_space<vmem>>, vector<128x1xf32>
    %get3A_79 = arith.constant 0 : index
    %get3A_80 = arith.constant 6 : index
    %get3A_81 = vector.load %arg24[%get3A_79, %get3A_80] : memref<128x8xf32, #tpu.memory_space<vmem>>, vector<128x1xf32>
    %mul3A_82 = arith.mulf %div3A_10, %add3A_25 : vector<1x10240xf32>
    %div3A_83 = arith.divf %mul3A_82, %max3A_12 : vector<1x10240xf32>
    %gt3A = arith.constant 0.000000e+00 : f32
    %gt3A_84 = vector.broadcast %gt3A : f32 to vector<1x10240xf32>
    %gt3A_85 = arith.cmpf ogt, %add3A_25, %gt3A_84 : vector<1x10240xf32>
    %eq3A_86 = arith.cmpf oeq, %add3A_25, %get3A_7 : vector<1x10240xf32>
    %and3A = arith.andi %gt3A_85, %eq3A_86 : vector<1x10240xi1>
    %jit3A = arith.constant 0.000000e+00 : f32
    %broadcast_in_dim3A = vector.broadcast %jit3A : f32 to vector<1x10240xf32>
    %select_n3A = arith.select %and3A, %div3A_10, %broadcast_in_dim3A : vector<1x10240xi1>, vector<1x10240xf32>
    %add3A_87 = arith.addf %div3A_83, %select_n3A : vector<1x10240xf32>
    %gt3A_88 = arith.constant 0.000000e+00 : f32
    %gt3A_89 = vector.broadcast %gt3A_88 : f32 to vector<1x10240xf32>
    %gt3A_90 = arith.cmpf ogt, %add3A_25, %gt3A_89 : vector<1x10240xf32>
    %lt3A = arith.cmpf olt, %add3A_25, %get3A_7 : vector<1x10240xf32>
    %and3A_91 = arith.andi %gt3A_90, %lt3A : vector<1x10240xi1>
    %jit3A_92 = arith.constant 0.000000e+00 : f32
    %broadcast_in_dim3A_93 = vector.broadcast %jit3A_92 : f32 to vector<1x10240xf32>
    %select_n3A_94 = arith.select %and3A_91, %div3A_10, %broadcast_in_dim3A_93 : vector<1x10240xi1>, vector<1x10240xf32>
    %mul3A_95 = vector.broadcast %get3A_72 : vector<128x1xf32> to vector<128x10240xf32>
    %mul3A_96 = vector.broadcast %add3A_87 : vector<1x10240xf32> to vector<128x10240xf32>
    %mul3A_97 = arith.mulf %mul3A_95, %mul3A_96 : vector<128x10240xf32>
    %mul3A_98 = vector.broadcast %get3A_75 : vector<128x1xf32> to vector<128x10240xf32>
    %mul3A_99 = vector.broadcast %select_n3A_94 : vector<1x10240xf32> to vector<128x10240xf32>
    %mul3A_100 = arith.mulf %mul3A_98, %mul3A_99 : vector<128x10240xf32>
    %add3A_101 = arith.addf %mul3A_97, %mul3A_100 : vector<128x10240xf32>
    %get3A_102 = arith.constant 0 : index
    %get3A_103 = arith.constant 0 : index
    %get3A_104 = vector.load %arg12[%get3A_102, %get3A_103] : memref<128x1xf32, #tpu.memory_space<vmem>>, vector<128x1xf32>
    %add3A_105 = vector.broadcast %get3A_104 : vector<128x1xf32> to vector<128x10240xf32>
    %add3A_106 = arith.addf %add3A_101, %add3A_105 : vector<128x10240xf32>
    %max3A_107 = arith.constant 0.000000e+00 : f32
    %max3A_108 = vector.broadcast %max3A_107 : f32 to vector<128x10240xf32>
    %max3A_109 = arith.maximumf %add3A_106, %max3A_108 : vector<128x10240xf32>
    %get3A_110 = arith.constant 0 : index
    %get3A_111 = memref.load %arg17[%get3A_110] : memref<2xi32, #tpu.memory_space<smem>>
    %eq3A_112 = vector.broadcast %get3A_111 : i32 to vector<1x10240xi32>
    %eq3A_113 = arith.cmpi eq, %add3A_14, %eq3A_112 : vector<1x10240xi32>
    %jit3A_114 = arith.constant 1.000000e+00 : f32
    %jit3A_115 = arith.constant 0.000000e+00 : f32
    %broadcast_in_dim3A_116 = vector.broadcast %jit3A_114 : f32 to vector<1x10240xf32>
    %broadcast_in_dim3A_117 = vector.broadcast %jit3A_115 : f32 to vector<1x10240xf32>
    %select_n3A_118 = arith.select %eq3A_113, %broadcast_in_dim3A_116, %broadcast_in_dim3A_117 : vector<1x10240xi1>, vector<1x10240xf32>
    %mul3A_119 = vector.broadcast %select_n3A_118 : vector<1x10240xf32> to vector<128x10240xf32>
    %mul3A_120 = vector.broadcast %get3A_81 : vector<128x1xf32> to vector<128x10240xf32>
    %mul3A_121 = arith.mulf %mul3A_119, %mul3A_120 : vector<128x10240xf32>
    %add3A_122 = arith.addf %max3A_109, %mul3A_121 : vector<128x10240xf32>
    %get3A_123 = arith.constant 0 : index
    %get3A_124 = arith.constant 0 : index
    %get3A_125 = vector.load %arg7[%get3A_123, %get3A_124] : memref<128x128xf32, #tpu.memory_space<vmem>>, vector<128x128xf32>
    %dot_general3A = arith.constant dense<0.000000e+00> : vector<128x10240xf32>
    %dot_general3A_126 = tpu.matmul %get3A_125, %add3A_122, %dot_general3A {dimension_numbers = #tpu.dot_dimension_numbers<[1], [0], [0], [1], [0, 0, 1, 1], [], []>, transpose_lhs_hint = false} : vector<128x128xf32>, vector<128x10240xf32>, vector<128x10240xf32> -> vector<128x10240xf32>
    %add3A_127 = vector.broadcast %get3A_78 : vector<128x1xf32> to vector<128x10240xf32>
    %add3A_128 = arith.addf %dot_general3A_126, %add3A_127 : vector<128x10240xf32>
    %max3A_129 = arith.constant 0.000000e+00 : f32
    %max3A_130 = vector.broadcast %max3A_129 : f32 to vector<128x10240xf32>
    %max3A_131 = arith.maximumf %add3A_128, %max3A_130 : vector<128x10240xf32>
    %get3A_132 = arith.constant 0 : index
    %get3A_133 = arith.constant 0 : index
    %get3A_134 = vector.load %arg9[%get3A_132, %get3A_133] : memref<256x128xf32, #tpu.memory_space<vmem>>, vector<256x128xf32>
    %dot_general3A_135 = arith.constant dense<0.000000e+00> : vector<256x10240xf32>
    %dot_general3A_136 = tpu.matmul %get3A_134, %max3A_131, %dot_general3A_135 {dimension_numbers = #tpu.dot_dimension_numbers<[1], [0], [0], [1], [0, 0, 1, 1], [], []>, transpose_lhs_hint = false} : vector<256x128xf32>, vector<128x10240xf32>, vector<256x10240xf32> -> vector<256x10240xf32>
    %get3A_137 = arith.constant 0 : index
    %get3A_138 = arith.constant 0 : index
    %get3A_139 = vector.load %arg15[%get3A_137, %get3A_138] : memref<256x1xf32, #tpu.memory_space<vmem>>, vector<256x1xf32>
    %add3A_140 = vector.broadcast %get3A_139 : vector<256x1xf32> to vector<256x10240xf32>
    %add3A_141 = arith.addf %dot_general3A_136, %add3A_140 : vector<256x10240xf32>
    %max3A_142 = arith.constant 0.000000e+00 : f32
    %max3A_143 = vector.broadcast %max3A_142 : f32 to vector<256x10240xf32>
    %max3A_144 = arith.maximumf %add3A_141, %max3A_143 : vector<256x10240xf32>
    %get3A_145 = arith.constant 0 : index
    %get3A_146 = arith.constant 0 : index
    %get3A_147 = vector.load %arg10[%get3A_145, %get3A_146] : memref<1x256xf32, #tpu.memory_space<vmem>>, vector<1x256xf32>
    %dot_general3A_148 = arith.constant dense<0.000000e+00> : vector<1x10240xf32>
    %dot_general3A_149 = tpu.matmul %get3A_147, %max3A_144, %dot_general3A_148 {dimension_numbers = #tpu.dot_dimension_numbers<[1], [0], [0], [1], [0, 0, 1, 1], [], []>, transpose_lhs_hint = false} : vector<1x256xf32>, vector<256x10240xf32>, vector<1x10240xf32> -> vector<1x10240xf32>
    %get3A_150 = arith.constant 0 : index
    %get3A_151 = arith.constant 0 : index
    %get3A_152 = vector.load %arg16[%get3A_150, %get3A_151] : memref<1x1xf32, #tpu.memory_space<vmem>>, vector<1x1xf32>
    %add3A_153 = vector.broadcast %get3A_152 : vector<1x1xf32> to vector<1x10240xf32>
    %add3A_154 = arith.addf %dot_general3A_149, %add3A_153 : vector<1x10240xf32>
    %logistic3A = arith.negf %add3A_154 : vector<1x10240xf32>
    %logistic3A_155 = math.exp %logistic3A : vector<1x10240xf32>
    %logistic3A_156 = arith.constant 1.000000e+00 : f32
    %logistic3A_157 = vector.broadcast %logistic3A_156 : f32 to vector<1x10240xf32>
    %logistic3A_158 = arith.addf %logistic3A_157, %logistic3A_155 : vector<1x10240xf32>
    %logistic3A_159 = arith.divf %logistic3A_157, %logistic3A_158 : vector<1x10240xf32>
    %mul3A_160 = vector.broadcast %logistic3A_159 : vector<1x10240xf32> to vector<128x10240xf32>
    %mul3A_161 = arith.mulf %mul3A_160, %add3A_122 : vector<128x10240xf32>
    %dot_general3A_162 = arith.constant dense<0.000000e+00> : vector<128x4xf32>
    %dot_general3A_163 = tpu.matmul %mul3A_161, %concatenate3A, %dot_general3A_162 {dimension_numbers = #tpu.dot_dimension_numbers<[1], [1], [0], [0], [0, 0, 1, 0], [], []>, transpose_lhs_hint = false} : vector<128x10240xf32>, vector<4x10240xf32>, vector<128x4xf32> -> vector<128x4xf32>
    %slice3A = vector.extract_strided_slice %concatenate3A {offsets = [0, 0], sizes = [1, 10240], strides = [1, 1]} : vector<4x10240xf32> to vector<1x10240xf32>
    %gt3A_164 = arith.constant 0.000000e+00 : f32
    %gt3A_165 = vector.broadcast %gt3A_164 : f32 to vector<1x10240xf32>
    %gt3A_166 = arith.cmpf ogt, %slice3A, %gt3A_165 : vector<1x10240xf32>
    %jit3A_167 = arith.constant 0xFF800000 : f32
    %broadcast_in_dim3A_168 = vector.shape_cast %gt3A_166 : vector<1x10240xi1> to vector<1x10240xi1>
    %broadcast_in_dim3A_169 = vector.broadcast %broadcast_in_dim3A_168 : vector<1x10240xi1> to vector<128x10240xi1>
    %broadcast_in_dim3A_170 = vector.broadcast %jit3A_167 : f32 to vector<128x10240xf32>
    %select_n3A_171 = arith.select %broadcast_in_dim3A_169, %mul3A_161, %broadcast_in_dim3A_170 : vector<128x10240xi1>, vector<128x10240xf32>
    %reduce_max3A = arith.constant dense<0xFF800000> : vector<128xf32>
    %reduce_max3A_172 = vector.multi_reduction <maximumf>, %select_n3A_171, %reduce_max3A [1] : vector<128x10240xf32> to vector<128xf32>
    %broadcast_in_dim3A_173 = vector.shape_cast %reduce_max3A_172 : vector<128xf32> to vector<128x1xf32>
    %slice3A_174 = vector.extract_strided_slice %concatenate3A {offsets = [0, 0], sizes = [1, 10240], strides = [1, 1]} : vector<4x10240xf32> to vector<1x10240xf32>
    %reduce_sum3A = arith.constant dense<0.000000e+00> : vector<1xf32>
    %reduce_sum3A_175 = vector.multi_reduction <add>, %slice3A_174, %reduce_sum3A [1] : vector<1x10240xf32> to vector<1xf32>
    %broadcast_in_dim3A_176 = vector.shape_cast %reduce_sum3A_175 : vector<1xf32> to vector<1x1xf32>
    %slice3A_177 = vector.extract_strided_slice %concatenate3A {offsets = [1, 0], sizes = [1, 10240], strides = [1, 1]} : vector<4x10240xf32> to vector<1x10240xf32>
    %gt3A_178 = arith.constant 0.000000e+00 : f32
    %gt3A_179 = vector.broadcast %gt3A_178 : f32 to vector<1x10240xf32>
    %gt3A_180 = arith.cmpf ogt, %slice3A_177, %gt3A_179 : vector<1x10240xf32>
    %jit3A_181 = arith.constant 0xFF800000 : f32
    %broadcast_in_dim3A_182 = vector.shape_cast %gt3A_180 : vector<1x10240xi1> to vector<1x10240xi1>
    %broadcast_in_dim3A_183 = vector.broadcast %broadcast_in_dim3A_182 : vector<1x10240xi1> to vector<128x10240xi1>
    %broadcast_in_dim3A_184 = vector.broadcast %jit3A_181 : f32 to vector<128x10240xf32>
    %select_n3A_185 = arith.select %broadcast_in_dim3A_183, %mul3A_161, %broadcast_in_dim3A_184 : vector<128x10240xi1>, vector<128x10240xf32>
    %reduce_max3A_186 = arith.constant dense<0xFF800000> : vector<128xf32>
    %reduce_max3A_187 = vector.multi_reduction <maximumf>, %select_n3A_185, %reduce_max3A_186 [1] : vector<128x10240xf32> to vector<128xf32>
    %broadcast_in_dim3A_188 = vector.shape_cast %reduce_max3A_187 : vector<128xf32> to vector<128x1xf32>
    %slice3A_189 = vector.extract_strided_slice %concatenate3A {offsets = [1, 0], sizes = [1, 10240], strides = [1, 1]} : vector<4x10240xf32> to vector<1x10240xf32>
    %reduce_sum3A_190 = arith.constant dense<0.000000e+00> : vector<1xf32>
    %reduce_sum3A_191 = vector.multi_reduction <add>, %slice3A_189, %reduce_sum3A_190 [1] : vector<1x10240xf32> to vector<1xf32>
    %broadcast_in_dim3A_192 = vector.shape_cast %reduce_sum3A_191 : vector<1xf32> to vector<1x1xf32>
    %slice3A_193 = vector.extract_strided_slice %concatenate3A {offsets = [2, 0], sizes = [1, 10240], strides = [1, 1]} : vector<4x10240xf32> to vector<1x10240xf32>
    %gt3A_194 = arith.constant 0.000000e+00 : f32
    %gt3A_195 = vector.broadcast %gt3A_194 : f32 to vector<1x10240xf32>
    %gt3A_196 = arith.cmpf ogt, %slice3A_193, %gt3A_195 : vector<1x10240xf32>
    %jit3A_197 = arith.constant 0xFF800000 : f32
    %broadcast_in_dim3A_198 = vector.shape_cast %gt3A_196 : vector<1x10240xi1> to vector<1x10240xi1>
    %broadcast_in_dim3A_199 = vector.broadcast %broadcast_in_dim3A_198 : vector<1x10240xi1> to vector<128x10240xi1>
    %broadcast_in_dim3A_200 = vector.broadcast %jit3A_197 : f32 to vector<128x10240xf32>
    %select_n3A_201 = arith.select %broadcast_in_dim3A_199, %mul3A_161, %broadcast_in_dim3A_200 : vector<128x10240xi1>, vector<128x10240xf32>
    %reduce_max3A_202 = arith.constant dense<0xFF800000> : vector<128xf32>
    %reduce_max3A_203 = vector.multi_reduction <maximumf>, %select_n3A_201, %reduce_max3A_202 [1] : vector<128x10240xf32> to vector<128xf32>
    %broadcast_in_dim3A_204 = vector.shape_cast %reduce_max3A_203 : vector<128xf32> to vector<128x1xf32>
    %slice3A_205 = vector.extract_strided_slice %concatenate3A {offsets = [2, 0], sizes = [1, 10240], strides = [1, 1]} : vector<4x10240xf32> to vector<1x10240xf32>
    %reduce_sum3A_206 = arith.constant dense<0.000000e+00> : vector<1xf32>
    %reduce_sum3A_207 = vector.multi_reduction <add>, %slice3A_205, %reduce_sum3A_206 [1] : vector<1x10240xf32> to vector<1xf32>
    %broadcast_in_dim3A_208 = vector.shape_cast %reduce_sum3A_207 : vector<1xf32> to vector<1x1xf32>
    %slice3A_209 = vector.extract_strided_slice %concatenate3A {offsets = [3, 0], sizes = [1, 10240], strides = [1, 1]} : vector<4x10240xf32> to vector<1x10240xf32>
    %gt3A_210 = arith.constant 0.000000e+00 : f32
    %gt3A_211 = vector.broadcast %gt3A_210 : f32 to vector<1x10240xf32>
    %gt3A_212 = arith.cmpf ogt, %slice3A_209, %gt3A_211 : vector<1x10240xf32>
    %jit3A_213 = arith.constant 0xFF800000 : f32
    %broadcast_in_dim3A_214 = vector.shape_cast %gt3A_212 : vector<1x10240xi1> to vector<1x10240xi1>
    %broadcast_in_dim3A_215 = vector.broadcast %broadcast_in_dim3A_214 : vector<1x10240xi1> to vector<128x10240xi1>
    %broadcast_in_dim3A_216 = vector.broadcast %jit3A_213 : f32 to vector<128x10240xf32>
    %select_n3A_217 = arith.select %broadcast_in_dim3A_215, %mul3A_161, %broadcast_in_dim3A_216 : vector<128x10240xi1>, vector<128x10240xf32>
    %reduce_max3A_218 = arith.constant dense<0xFF800000> : vector<128xf32>
    %reduce_max3A_219 = vector.multi_reduction <maximumf>, %select_n3A_217, %reduce_max3A_218 [1] : vector<128x10240xf32> to vector<128xf32>
    %broadcast_in_dim3A_220 = vector.shape_cast %reduce_max3A_219 : vector<128xf32> to vector<128x1xf32>
    %slice3A_221 = vector.extract_strided_slice %concatenate3A {offsets = [3, 0], sizes = [1, 10240], strides = [1, 1]} : vector<4x10240xf32> to vector<1x10240xf32>
    %reduce_sum3A_222 = arith.constant dense<0.000000e+00> : vector<1xf32>
    %reduce_sum3A_223 = vector.multi_reduction <add>, %slice3A_221, %reduce_sum3A_222 [1] : vector<1x10240xf32> to vector<1xf32>
    %broadcast_in_dim3A_224 = vector.shape_cast %reduce_sum3A_223 : vector<1xf32> to vector<1x1xf32>
    %concatenate3A_225 = tpu.concatenate %broadcast_in_dim3A_173, %broadcast_in_dim3A_188, %broadcast_in_dim3A_204, %broadcast_in_dim3A_220 in 1 : vector<128x1xf32>, vector<128x1xf32>, vector<128x1xf32>, vector<128x1xf32> -> vector<128x4xf32>
    %concatenate3A_226 = tpu.concatenate %broadcast_in_dim3A_176, %broadcast_in_dim3A_192, %broadcast_in_dim3A_208, %broadcast_in_dim3A_224 in 1 : vector<1x1xf32>, vector<1x1xf32>, vector<1x1xf32>, vector<1x1xf32> -> vector<1x4xf32>
    %eq3A_227 = arith.constant 0 : i32
    %eq3A_228 = arith.cmpi eq, %arg0, %eq3A_227 : i32
    %convert_element_type3A_229 = arith.extui %eq3A_228 : i1 to i32
    %cond3A_230 = arith.constant 0 : i32
    %cond3A_231 = arith.cmpi ne, %convert_element_type3A_229, %cond3A_230 : i32
    scf.if %cond3A_231 {
      %swap3A = arith.constant 0 : index
      %swap3A_476 = arith.constant 0 : index
      %swap3A_477 = vector.load %arg20[%swap3A, %swap3A_476] : memref<128x8xf32, #tpu.memory_space<vmem>>, vector<128x4xf32>
      tpu.vector_store %arg20[%swap3A, %swap3A_476], %dot_general3A_163 {strides = array<i32>} : memref<128x8xf32, #tpu.memory_space<vmem>>, vector<128x4xf32>,
      %swap3A_478 = arith.constant 0 : index
      %swap3A_479 = arith.constant 0 : index
      %swap3A_480 = vector.load %arg21[%swap3A_478, %swap3A_479] : memref<128x8xf32, #tpu.memory_space<vmem>>, vector<128x4xf32>
      tpu.vector_store %arg21[%swap3A_478, %swap3A_479], %concatenate3A_225 {strides = array<i32>} : memref<128x8xf32, #tpu.memory_space<vmem>>, vector<128x4xf32>,
      %swap3A_481 = arith.constant 0 : index
      %swap3A_482 = arith.constant 0 : index
      %swap3A_483 = vector.load %arg22[%swap3A_481, %swap3A_482] : memref<1x8xf32, #tpu.memory_space<vmem>>, vector<1x4xf32>
      tpu.vector_store %arg22[%swap3A_481, %swap3A_482], %concatenate3A_226 {strides = array<i32>} : memref<1x8xf32, #tpu.memory_space<vmem>>, vector<1x4xf32>,
    } else {
    }
    %gt3A_232 = arith.constant 0 : i32
    %gt3A_233 = arith.cmpi sgt, %arg0, %gt3A_232 : i32
    %convert_element_type3A_234 = arith.extui %gt3A_233 : i1 to i32
    %cond3A_235 = arith.constant 0 : i32
    %cond3A_236 = arith.cmpi ne, %convert_element_type3A_234, %cond3A_235 : i32
    scf.if %cond3A_236 {
      %get3A_476 = arith.constant 0 : index
      %get3A_477 = arith.constant 0 : index
      %get3A_478 = vector.load %arg20[%get3A_476, %get3A_477] : memref<128x8xf32, #tpu.memory_space<vmem>>, vector<128x4xf32>
      %add3A_479 = arith.addf %get3A_478, %dot_general3A_163 : vector<128x4xf32>
      %swap3A = arith.constant 0 : index
      %swap3A_480 = arith.constant 0 : index
      %swap3A_481 = vector.load %arg20[%swap3A, %swap3A_480] : memref<128x8xf32, #tpu.memory_space<vmem>>, vector<128x4xf32>
      tpu.vector_store %arg20[%swap3A, %swap3A_480], %add3A_479 {strides = array<i32>} : memref<128x8xf32, #tpu.memory_space<vmem>>, vector<128x4xf32>,
      %get3A_482 = arith.constant 0 : index
      %get3A_483 = arith.constant 0 : index
      %get3A_484 = vector.load %arg21[%get3A_482, %get3A_483] : memref<128x8xf32, #tpu.memory_space<vmem>>, vector<128x4xf32>
      %max3A_485 = arith.maximumf %get3A_484, %concatenate3A_225 : vector<128x4xf32>
      %swap3A_486 = arith.constant 0 : index
      %swap3A_487 = arith.constant 0 : index
      %swap3A_488 = vector.load %arg21[%swap3A_486, %swap3A_487] : memref<128x8xf32, #tpu.memory_space<vmem>>, vector<128x4xf32>
      tpu.vector_store %arg21[%swap3A_486, %swap3A_487], %max3A_485 {strides = array<i32>} : memref<128x8xf32, #tpu.memory_space<vmem>>, vector<128x4xf32>,
      %get3A_489 = arith.constant 0 : index
      %get3A_490 = arith.constant 0 : index
      %get3A_491 = vector.load %arg22[%get3A_489, %get3A_490] : memref<1x8xf32, #tpu.memory_space<vmem>>, vector<1x4xf32>
      %add3A_492 = arith.addf %get3A_491, %concatenate3A_226 : vector<1x4xf32>
      %swap3A_493 = arith.constant 0 : index
      %swap3A_494 = arith.constant 0 : index
      %swap3A_495 = vector.load %arg22[%swap3A_493, %swap3A_494] : memref<1x8xf32, #tpu.memory_space<vmem>>, vector<1x4xf32>
      tpu.vector_store %arg22[%swap3A_493, %swap3A_494], %add3A_492 {strides = array<i32>} : memref<1x8xf32, #tpu.memory_space<vmem>>, vector<1x4xf32>,
    } else {
    }
    %add3A_237 = arith.constant 10240 : i32
    %add3A_238 = arith.addi %add3A_237, %mul3A_4 : i32
    %get3A_239 = arith.constant 0 : index
    %get3A_240 = arith.index_cast %add3A_238 : i32 to index
    %get3A_241 = vector.load %arg2[%get3A_239, %get3A_240] : memref<2x102416xf32, #tpu.memory_space<vmem>>, vector<1x10240xf32>
    %add3A_242 = arith.constant 10240 : i32
    %add3A_243 = arith.addi %add3A_242, %mul3A_4 : i32
    %get3A_244 = arith.constant 1 : index
    %get3A_245 = arith.index_cast %add3A_243 : i32 to index
    %get3A_246 = vector.load %arg2[%get3A_244, %get3A_245] : memref<2x102416xf32, #tpu.memory_space<vmem>>, vector<1x10240xf32>
    %add3A_247 = arith.addf %get3A_241, %get3A_246 : vector<1x10240xf32>
    %add3A_248 = arith.constant 61440 : i32
    %add3A_249 = arith.addi %add3A_248, %mul3A_4 : i32
    %get3A_250 = arith.constant 0 : index
    %get3A_251 = arith.index_cast %add3A_249 : i32 to index
    %get3A_252 = vector.load %arg2[%get3A_250, %get3A_251] : memref<2x102416xf32, #tpu.memory_space<vmem>>, vector<1x10240xf32>
    %add3A_253 = arith.constant 61440 : i32
    %add3A_254 = arith.addi %add3A_253, %mul3A_4 : i32
    %get3A_255 = arith.constant 1 : index
    %get3A_256 = arith.index_cast %add3A_254 : i32 to index
    %get3A_257 = vector.load %arg2[%get3A_255, %get3A_256] : memref<2x102416xf32, #tpu.memory_space<vmem>>, vector<1x10240xf32>
    %add3A_258 = arith.addf %get3A_252, %get3A_257 : vector<1x10240xf32>
    %add3A_259 = arith.constant 71680 : i32
    %add3A_260 = arith.addi %add3A_259, %mul3A_4 : i32
    %get3A_261 = arith.constant 0 : index
    %get3A_262 = arith.index_cast %add3A_260 : i32 to index
    %get3A_263 = vector.load %arg2[%get3A_261, %get3A_262] : memref<2x102416xf32, #tpu.memory_space<vmem>>, vector<1x10240xf32>
    %add3A_264 = arith.constant 71680 : i32
    %add3A_265 = arith.addi %add3A_264, %mul3A_4 : i32
    %get3A_266 = arith.constant 1 : index
    %get3A_267 = arith.index_cast %add3A_265 : i32 to index
    %get3A_268 = vector.load %arg2[%get3A_266, %get3A_267] : memref<2x102416xf32, #tpu.memory_space<vmem>>, vector<1x10240xf32>
    %add3A_269 = arith.addf %get3A_263, %get3A_268 : vector<1x10240xf32>
    %add3A_270 = arith.constant 81920 : i32
    %add3A_271 = arith.addi %add3A_270, %mul3A_4 : i32
    %get3A_272 = arith.constant 0 : index
    %get3A_273 = arith.index_cast %add3A_271 : i32 to index
    %get3A_274 = vector.load %arg2[%get3A_272, %get3A_273] : memref<2x102416xf32, #tpu.memory_space<vmem>>, vector<1x10240xf32>
    %add3A_275 = arith.constant 81920 : i32
    %add3A_276 = arith.addi %add3A_275, %mul3A_4 : i32
    %get3A_277 = arith.constant 1 : index
    %get3A_278 = arith.index_cast %add3A_276 : i32 to index
    %get3A_279 = vector.load %arg2[%get3A_277, %get3A_278] : memref<2x102416xf32, #tpu.memory_space<vmem>>, vector<1x10240xf32>
    %add3A_280 = arith.addf %get3A_274, %get3A_279 : vector<1x10240xf32>
    %add3A_281 = arith.constant 92160 : i32
    %add3A_282 = arith.addi %add3A_281, %mul3A_4 : i32
    %get3A_283 = arith.constant 0 : index
    %get3A_284 = arith.index_cast %add3A_282 : i32 to index
    %get3A_285 = vector.load %arg2[%get3A_283, %get3A_284] : memref<2x102416xf32, #tpu.memory_space<vmem>>, vector<1x10240xf32>
    %add3A_286 = arith.constant 92160 : i32
    %add3A_287 = arith.addi %add3A_286, %mul3A_4 : i32
    %get3A_288 = arith.constant 1 : index
    %get3A_289 = arith.index_cast %add3A_287 : i32 to index
    %get3A_290 = vector.load %arg2[%get3A_288, %get3A_289] : memref<2x102416xf32, #tpu.memory_space<vmem>>, vector<1x10240xf32>
    %add3A_291 = arith.addf %get3A_285, %get3A_290 : vector<1x10240xf32>
    %concatenate3A_292 = tpu.concatenate %add3A_258, %add3A_269, %add3A_280, %add3A_291 in 0 : vector<1x10240xf32>, vector<1x10240xf32>, vector<1x10240xf32>, vector<1x10240xf32> -> vector<4x10240xf32>
    %get3A_293 = arith.constant 0 : index
    %get3A_294 = arith.constant 1 : index
    %get3A_295 = vector.load %arg24[%get3A_293, %get3A_294] : memref<128x8xf32, #tpu.memory_space<vmem>>, vector<128x1xf32>
    %get3A_296 = arith.constant 0 : index
    %get3A_297 = arith.constant 3 : index
    %get3A_298 = vector.load %arg24[%get3A_296, %get3A_297] : memref<128x8xf32, #tpu.memory_space<vmem>>, vector<128x1xf32>
    %get3A_299 = arith.constant 0 : index
    %get3A_300 = arith.constant 5 : index
    %get3A_301 = vector.load %arg24[%get3A_299, %get3A_300] : memref<128x8xf32, #tpu.memory_space<vmem>>, vector<128x1xf32>
    %get3A_302 = arith.constant 0 : index
    %get3A_303 = arith.constant 7 : index
    %get3A_304 = vector.load %arg24[%get3A_302, %get3A_303] : memref<128x8xf32, #tpu.memory_space<vmem>>, vector<128x1xf32>
    %mul3A_305 = arith.mulf %div3A_10, %add3A_247 : vector<1x10240xf32>
    %div3A_306 = arith.divf %mul3A_305, %max3A_12 : vector<1x10240xf32>
    %gt3A_307 = arith.constant 0.000000e+00 : f32
    %gt3A_308 = vector.broadcast %gt3A_307 : f32 to vector<1x10240xf32>
    %gt3A_309 = arith.cmpf ogt, %add3A_247, %gt3A_308 : vector<1x10240xf32>
    %eq3A_310 = arith.cmpf oeq, %add3A_247, %get3A_7 : vector<1x10240xf32>
    %and3A_311 = arith.andi %gt3A_309, %eq3A_310 : vector<1x10240xi1>
    %jit3A_312 = arith.constant 0.000000e+00 : f32
    %broadcast_in_dim3A_313 = vector.broadcast %jit3A_312 : f32 to vector<1x10240xf32>
    %select_n3A_314 = arith.select %and3A_311, %div3A_10, %broadcast_in_dim3A_313 : vector<1x10240xi1>, vector<1x10240xf32>
    %add3A_315 = arith.addf %div3A_306, %select_n3A_314 : vector<1x10240xf32>
    %gt3A_316 = arith.constant 0.000000e+00 : f32
    %gt3A_317 = vector.broadcast %gt3A_316 : f32 to vector<1x10240xf32>
    %gt3A_318 = arith.cmpf ogt, %add3A_247, %gt3A_317 : vector<1x10240xf32>
    %lt3A_319 = arith.cmpf olt, %add3A_247, %get3A_7 : vector<1x10240xf32>
    %and3A_320 = arith.andi %gt3A_318, %lt3A_319 : vector<1x10240xi1>
    %jit3A_321 = arith.constant 0.000000e+00 : f32
    %broadcast_in_dim3A_322 = vector.broadcast %jit3A_321 : f32 to vector<1x10240xf32>
    %select_n3A_323 = arith.select %and3A_320, %div3A_10, %broadcast_in_dim3A_322 : vector<1x10240xi1>, vector<1x10240xf32>
    %mul3A_324 = vector.broadcast %get3A_295 : vector<128x1xf32> to vector<128x10240xf32>
    %mul3A_325 = vector.broadcast %add3A_315 : vector<1x10240xf32> to vector<128x10240xf32>
    %mul3A_326 = arith.mulf %mul3A_324, %mul3A_325 : vector<128x10240xf32>
    %mul3A_327 = vector.broadcast %get3A_298 : vector<128x1xf32> to vector<128x10240xf32>
    %mul3A_328 = vector.broadcast %select_n3A_323 : vector<1x10240xf32> to vector<128x10240xf32>
    %mul3A_329 = arith.mulf %mul3A_327, %mul3A_328 : vector<128x10240xf32>
    %add3A_330 = arith.addf %mul3A_326, %mul3A_329 : vector<128x10240xf32>
    %get3A_331 = arith.constant 0 : index
    %get3A_332 = arith.constant 0 : index
    %get3A_333 = vector.load %arg12[%get3A_331, %get3A_332] : memref<128x1xf32, #tpu.memory_space<vmem>>, vector<128x1xf32>
    %add3A_334 = vector.broadcast %get3A_333 : vector<128x1xf32> to vector<128x10240xf32>
    %add3A_335 = arith.addf %add3A_330, %add3A_334 : vector<128x10240xf32>
    %max3A_336 = arith.constant 0.000000e+00 : f32
    %max3A_337 = vector.broadcast %max3A_336 : f32 to vector<128x10240xf32>
    %max3A_338 = arith.maximumf %add3A_335, %max3A_337 : vector<128x10240xf32>
    %get3A_339 = arith.constant 1 : index
    %get3A_340 = memref.load %arg17[%get3A_339] : memref<2xi32, #tpu.memory_space<smem>>
    %eq3A_341 = vector.broadcast %get3A_340 : i32 to vector<1x10240xi32>
    %eq3A_342 = arith.cmpi eq, %add3A_14, %eq3A_341 : vector<1x10240xi32>
    %jit3A_343 = arith.constant 1.000000e+00 : f32
    %jit3A_344 = arith.constant 0.000000e+00 : f32
    %broadcast_in_dim3A_345 = vector.broadcast %jit3A_343 : f32 to vector<1x10240xf32>
    %broadcast_in_dim3A_346 = vector.broadcast %jit3A_344 : f32 to vector<1x10240xf32>
    %select_n3A_347 = arith.select %eq3A_342, %broadcast_in_dim3A_345, %broadcast_in_dim3A_346 : vector<1x10240xi1>, vector<1x10240xf32>
    %mul3A_348 = vector.broadcast %select_n3A_347 : vector<1x10240xf32> to vector<128x10240xf32>
    %mul3A_349 = vector.broadcast %get3A_304 : vector<128x1xf32> to vector<128x10240xf32>
    %mul3A_350 = arith.mulf %mul3A_348, %mul3A_349 : vector<128x10240xf32>
    %add3A_351 = arith.addf %max3A_338, %mul3A_350 : vector<128x10240xf32>
    %get3A_352 = arith.constant 0 : index
    %get3A_353 = arith.constant 0 : index
    %get3A_354 = vector.load %arg7[%get3A_352, %get3A_353] : memref<128x128xf32, #tpu.memory_space<vmem>>, vector<128x128xf32>
    %dot_general3A_355 = arith.constant dense<0.000000e+00> : vector<128x10240xf32>
    %dot_general3A_356 = tpu.matmul %get3A_354, %add3A_351, %dot_general3A_355 {dimension_numbers = #tpu.dot_dimension_numbers<[1], [0], [0], [1], [0, 0, 1, 1], [], []>, transpose_lhs_hint = false} : vector<128x128xf32>, vector<128x10240xf32>, vector<128x10240xf32> -> vector<128x10240xf32>
    %add3A_357 = vector.broadcast %get3A_301 : vector<128x1xf32> to vector<128x10240xf32>
    %add3A_358 = arith.addf %dot_general3A_356, %add3A_357 : vector<128x10240xf32>
    %max3A_359 = arith.constant 0.000000e+00 : f32
    %max3A_360 = vector.broadcast %max3A_359 : f32 to vector<128x10240xf32>
    %max3A_361 = arith.maximumf %add3A_358, %max3A_360 : vector<128x10240xf32>
    %get3A_362 = arith.constant 0 : index
    %get3A_363 = arith.constant 0 : index
    %get3A_364 = vector.load %arg9[%get3A_362, %get3A_363] : memref<256x128xf32, #tpu.memory_space<vmem>>, vector<256x128xf32>
    %dot_general3A_365 = arith.constant dense<0.000000e+00> : vector<256x10240xf32>
    %dot_general3A_366 = tpu.matmul %get3A_364, %max3A_361, %dot_general3A_365 {dimension_numbers = #tpu.dot_dimension_numbers<[1], [0], [0], [1], [0, 0, 1, 1], [], []>, transpose_lhs_hint = false} : vector<256x128xf32>, vector<128x10240xf32>, vector<256x10240xf32> -> vector<256x10240xf32>
    %get3A_367 = arith.constant 0 : index
    %get3A_368 = arith.constant 0 : index
    %get3A_369 = vector.load %arg15[%get3A_367, %get3A_368] : memref<256x1xf32, #tpu.memory_space<vmem>>, vector<256x1xf32>
    %add3A_370 = vector.broadcast %get3A_369 : vector<256x1xf32> to vector<256x10240xf32>
    %add3A_371 = arith.addf %dot_general3A_366, %add3A_370 : vector<256x10240xf32>
    %max3A_372 = arith.constant 0.000000e+00 : f32
    %max3A_373 = vector.broadcast %max3A_372 : f32 to vector<256x10240xf32>
    %max3A_374 = arith.maximumf %add3A_371, %max3A_373 : vector<256x10240xf32>
    %get3A_375 = arith.constant 0 : index
    %get3A_376 = arith.constant 0 : index
    %get3A_377 = vector.load %arg10[%get3A_375, %get3A_376] : memref<1x256xf32, #tpu.memory_space<vmem>>, vector<1x256xf32>
    %dot_general3A_378 = arith.constant dense<0.000000e+00> : vector<1x10240xf32>
    %dot_general3A_379 = tpu.matmul %get3A_377, %max3A_374, %dot_general3A_378 {dimension_numbers = #tpu.dot_dimension_numbers<[1], [0], [0], [1], [0, 0, 1, 1], [], []>, transpose_lhs_hint = false} : vector<1x256xf32>, vector<256x10240xf32>, vector<1x10240xf32> -> vector<1x10240xf32>
    %get3A_380 = arith.constant 0 : index
    %get3A_381 = arith.constant 0 : index
    %get3A_382 = vector.load %arg16[%get3A_380, %get3A_381] : memref<1x1xf32, #tpu.memory_space<vmem>>, vector<1x1xf32>
    %add3A_383 = vector.broadcast %get3A_382 : vector<1x1xf32> to vector<1x10240xf32>
    %add3A_384 = arith.addf %dot_general3A_379, %add3A_383 : vector<1x10240xf32>
    %logistic3A_385 = arith.negf %add3A_384 : vector<1x10240xf32>
    %logistic3A_386 = math.exp %logistic3A_385 : vector<1x10240xf32>
    %logistic3A_387 = arith.constant 1.000000e+00 : f32
    %logistic3A_388 = vector.broadcast %logistic3A_387 : f32 to vector<1x10240xf32>
    %logistic3A_389 = arith.addf %logistic3A_388, %logistic3A_386 : vector<1x10240xf32>
    %logistic3A_390 = arith.divf %logistic3A_388, %logistic3A_389 : vector<1x10240xf32>
    %mul3A_391 = vector.broadcast %logistic3A_390 : vector<1x10240xf32> to vector<128x10240xf32>
    %mul3A_392 = arith.mulf %mul3A_391, %add3A_351 : vector<128x10240xf32>
    %dot_general3A_393 = arith.constant dense<0.000000e+00> : vector<128x4xf32>
    %dot_general3A_394 = tpu.matmul %mul3A_392, %concatenate3A_292, %dot_general3A_393 {dimension_numbers = #tpu.dot_dimension_numbers<[1], [1], [0], [0], [0, 0, 1, 0], [], []>, transpose_lhs_hint = false} : vector<128x10240xf32>, vector<4x10240xf32>, vector<128x4xf32> -> vector<128x4xf32>
    %slice3A_395 = vector.extract_strided_slice %concatenate3A_292 {offsets = [0, 0], sizes = [1, 10240], strides = [1, 1]} : vector<4x10240xf32> to vector<1x10240xf32>
    %gt3A_396 = arith.constant 0.000000e+00 : f32
    %gt3A_397 = vector.broadcast %gt3A_396 : f32 to vector<1x10240xf32>
    %gt3A_398 = arith.cmpf ogt, %slice3A_395, %gt3A_397 : vector<1x10240xf32>
    %jit3A_399 = arith.constant 0xFF800000 : f32
    %broadcast_in_dim3A_400 = vector.shape_cast %gt3A_398 : vector<1x10240xi1> to vector<1x10240xi1>
    %broadcast_in_dim3A_401 = vector.broadcast %broadcast_in_dim3A_400 : vector<1x10240xi1> to vector<128x10240xi1>
    %broadcast_in_dim3A_402 = vector.broadcast %jit3A_399 : f32 to vector<128x10240xf32>
    %select_n3A_403 = arith.select %broadcast_in_dim3A_401, %mul3A_392, %broadcast_in_dim3A_402 : vector<128x10240xi1>, vector<128x10240xf32>
    %reduce_max3A_404 = arith.constant dense<0xFF800000> : vector<128xf32>
    %reduce_max3A_405 = vector.multi_reduction <maximumf>, %select_n3A_403, %reduce_max3A_404 [1] : vector<128x10240xf32> to vector<128xf32>
    %broadcast_in_dim3A_406 = vector.shape_cast %reduce_max3A_405 : vector<128xf32> to vector<128x1xf32>
    %slice3A_407 = vector.extract_strided_slice %concatenate3A_292 {offsets = [0, 0], sizes = [1, 10240], strides = [1, 1]} : vector<4x10240xf32> to vector<1x10240xf32>
    %reduce_sum3A_408 = arith.constant dense<0.000000e+00> : vector<1xf32>
    %reduce_sum3A_409 = vector.multi_reduction <add>, %slice3A_407, %reduce_sum3A_408 [1] : vector<1x10240xf32> to vector<1xf32>
    %broadcast_in_dim3A_410 = vector.shape_cast %reduce_sum3A_409 : vector<1xf32> to vector<1x1xf32>
    %slice3A_411 = vector.extract_strided_slice %concatenate3A_292 {offsets = [1, 0], sizes = [1, 10240], strides = [1, 1]} : vector<4x10240xf32> to vector<1x10240xf32>
    %gt3A_412 = arith.constant 0.000000e+00 : f32
    %gt3A_413 = vector.broadcast %gt3A_412 : f32 to vector<1x10240xf32>
    %gt3A_414 = arith.cmpf ogt, %slice3A_411, %gt3A_413 : vector<1x10240xf32>
    %jit3A_415 = arith.constant 0xFF800000 : f32
    %broadcast_in_dim3A_416 = vector.shape_cast %gt3A_414 : vector<1x10240xi1> to vector<1x10240xi1>
    %broadcast_in_dim3A_417 = vector.broadcast %broadcast_in_dim3A_416 : vector<1x10240xi1> to vector<128x10240xi1>
    %broadcast_in_dim3A_418 = vector.broadcast %jit3A_415 : f32 to vector<128x10240xf32>
    %select_n3A_419 = arith.select %broadcast_in_dim3A_417, %mul3A_392, %broadcast_in_dim3A_418 : vector<128x10240xi1>, vector<128x10240xf32>
    %reduce_max3A_420 = arith.constant dense<0xFF800000> : vector<128xf32>
    %reduce_max3A_421 = vector.multi_reduction <maximumf>, %select_n3A_419, %reduce_max3A_420 [1] : vector<128x10240xf32> to vector<128xf32>
    %broadcast_in_dim3A_422 = vector.shape_cast %reduce_max3A_421 : vector<128xf32> to vector<128x1xf32>
    %slice3A_423 = vector.extract_strided_slice %concatenate3A_292 {offsets = [1, 0], sizes = [1, 10240], strides = [1, 1]} : vector<4x10240xf32> to vector<1x10240xf32>
    %reduce_sum3A_424 = arith.constant dense<0.000000e+00> : vector<1xf32>
    %reduce_sum3A_425 = vector.multi_reduction <add>, %slice3A_423, %reduce_sum3A_424 [1] : vector<1x10240xf32> to vector<1xf32>
    %broadcast_in_dim3A_426 = vector.shape_cast %reduce_sum3A_425 : vector<1xf32> to vector<1x1xf32>
    %slice3A_427 = vector.extract_strided_slice %concatenate3A_292 {offsets = [2, 0], sizes = [1, 10240], strides = [1, 1]} : vector<4x10240xf32> to vector<1x10240xf32>
    %gt3A_428 = arith.constant 0.000000e+00 : f32
    %gt3A_429 = vector.broadcast %gt3A_428 : f32 to vector<1x10240xf32>
    %gt3A_430 = arith.cmpf ogt, %slice3A_427, %gt3A_429 : vector<1x10240xf32>
    %jit3A_431 = arith.constant 0xFF800000 : f32
    %broadcast_in_dim3A_432 = vector.shape_cast %gt3A_430 : vector<1x10240xi1> to vector<1x10240xi1>
    %broadcast_in_dim3A_433 = vector.broadcast %broadcast_in_dim3A_432 : vector<1x10240xi1> to vector<128x10240xi1>
    %broadcast_in_dim3A_434 = vector.broadcast %jit3A_431 : f32 to vector<128x10240xf32>
    %select_n3A_435 = arith.select %broadcast_in_dim3A_433, %mul3A_392, %broadcast_in_dim3A_434 : vector<128x10240xi1>, vector<128x10240xf32>
    %reduce_max3A_436 = arith.constant dense<0xFF800000> : vector<128xf32>
    %reduce_max3A_437 = vector.multi_reduction <maximumf>, %select_n3A_435, %reduce_max3A_436 [1] : vector<128x10240xf32> to vector<128xf32>
    %broadcast_in_dim3A_438 = vector.shape_cast %reduce_max3A_437 : vector<128xf32> to vector<128x1xf32>
    %slice3A_439 = vector.extract_strided_slice %concatenate3A_292 {offsets = [2, 0], sizes = [1, 10240], strides = [1, 1]} : vector<4x10240xf32> to vector<1x10240xf32>
    %reduce_sum3A_440 = arith.constant dense<0.000000e+00> : vector<1xf32>
    %reduce_sum3A_441 = vector.multi_reduction <add>, %slice3A_439, %reduce_sum3A_440 [1] : vector<1x10240xf32> to vector<1xf32>
    %broadcast_in_dim3A_442 = vector.shape_cast %reduce_sum3A_441 : vector<1xf32> to vector<1x1xf32>
    %slice3A_443 = vector.extract_strided_slice %concatenate3A_292 {offsets = [3, 0], sizes = [1, 10240], strides = [1, 1]} : vector<4x10240xf32> to vector<1x10240xf32>
    %gt3A_444 = arith.constant 0.000000e+00 : f32
    %gt3A_445 = vector.broadcast %gt3A_444 : f32 to vector<1x10240xf32>
    %gt3A_446 = arith.cmpf ogt, %slice3A_443, %gt3A_445 : vector<1x10240xf32>
    %jit3A_447 = arith.constant 0xFF800000 : f32
    %broadcast_in_dim3A_448 = vector.shape_cast %gt3A_446 : vector<1x10240xi1> to vector<1x10240xi1>
    %broadcast_in_dim3A_449 = vector.broadcast %broadcast_in_dim3A_448 : vector<1x10240xi1> to vector<128x10240xi1>
    %broadcast_in_dim3A_450 = vector.broadcast %jit3A_447 : f32 to vector<128x10240xf32>
    %select_n3A_451 = arith.select %broadcast_in_dim3A_449, %mul3A_392, %broadcast_in_dim3A_450 : vector<128x10240xi1>, vector<128x10240xf32>
    %reduce_max3A_452 = arith.constant dense<0xFF800000> : vector<128xf32>
    %reduce_max3A_453 = vector.multi_reduction <maximumf>, %select_n3A_451, %reduce_max3A_452 [1] : vector<128x10240xf32> to vector<128xf32>
    %broadcast_in_dim3A_454 = vector.shape_cast %reduce_max3A_453 : vector<128xf32> to vector<128x1xf32>
    %slice3A_455 = vector.extract_strided_slice %concatenate3A_292 {offsets = [3, 0], sizes = [1, 10240], strides = [1, 1]} : vector<4x10240xf32> to vector<1x10240xf32>
    %reduce_sum3A_456 = arith.constant dense<0.000000e+00> : vector<1xf32>
    %reduce_sum3A_457 = vector.multi_reduction <add>, %slice3A_455, %reduce_sum3A_456 [1] : vector<1x10240xf32> to vector<1xf32>
    %broadcast_in_dim3A_458 = vector.shape_cast %reduce_sum3A_457 : vector<1xf32> to vector<1x1xf32>
    %concatenate3A_459 = tpu.concatenate %broadcast_in_dim3A_406, %broadcast_in_dim3A_422, %broadcast_in_dim3A_438, %broadcast_in_dim3A_454 in 1 : vector<128x1xf32>, vector<128x1xf32>, vector<128x1xf32>, vector<128x1xf32> -> vector<128x4xf32>
    %concatenate3A_460 = tpu.concatenate %broadcast_in_dim3A_410, %broadcast_in_dim3A_426, %broadcast_in_dim3A_442, %broadcast_in_dim3A_458 in 1 : vector<1x1xf32>, vector<1x1xf32>, vector<1x1xf32>, vector<1x1xf32> -> vector<1x4xf32>
    %eq3A_461 = arith.constant 0 : i32
    %eq3A_462 = arith.cmpi eq, %arg0, %eq3A_461 : i32
    %convert_element_type3A_463 = arith.extui %eq3A_462 : i1 to i32
    %cond3A_464 = arith.constant 0 : i32
    %cond3A_465 = arith.cmpi ne, %convert_element_type3A_463, %cond3A_464 : i32
    scf.if %cond3A_465 {
      %swap3A = arith.constant 0 : index
      %swap3A_476 = arith.constant 4 : index
      %swap3A_477 = vector.load %arg20[%swap3A, %swap3A_476] : memref<128x8xf32, #tpu.memory_space<vmem>>, vector<128x4xf32>
      tpu.vector_store %arg20[%swap3A, %swap3A_476], %dot_general3A_394 {strides = array<i32>} : memref<128x8xf32, #tpu.memory_space<vmem>>, vector<128x4xf32>,
      %swap3A_478 = arith.constant 0 : index
      %swap3A_479 = arith.constant 4 : index
      %swap3A_480 = vector.load %arg21[%swap3A_478, %swap3A_479] : memref<128x8xf32, #tpu.memory_space<vmem>>, vector<128x4xf32>
      tpu.vector_store %arg21[%swap3A_478, %swap3A_479], %concatenate3A_459 {strides = array<i32>} : memref<128x8xf32, #tpu.memory_space<vmem>>, vector<128x4xf32>,
      %swap3A_481 = arith.constant 0 : index
      %swap3A_482 = arith.constant 4 : index
      %swap3A_483 = vector.load %arg22[%swap3A_481, %swap3A_482] : memref<1x8xf32, #tpu.memory_space<vmem>>, vector<1x4xf32>
      tpu.vector_store %arg22[%swap3A_481, %swap3A_482], %concatenate3A_460 {strides = array<i32>} : memref<1x8xf32, #tpu.memory_space<vmem>>, vector<1x4xf32>,
    } else {
    }
    %gt3A_466 = arith.constant 0 : i32
    %gt3A_467 = arith.cmpi sgt, %arg0, %gt3A_466 : i32
    %convert_element_type3A_468 = arith.extui %gt3A_467 : i1 to i32
    %cond3A_469 = arith.constant 0 : i32
    %cond3A_470 = arith.cmpi ne, %convert_element_type3A_468, %cond3A_469 : i32
    scf.if %cond3A_470 {
      %get3A_476 = arith.constant 0 : index
      %get3A_477 = arith.constant 4 : index
      %get3A_478 = vector.load %arg20[%get3A_476, %get3A_477] : memref<128x8xf32, #tpu.memory_space<vmem>>, vector<128x4xf32>
      %add3A_479 = arith.addf %get3A_478, %dot_general3A_394 : vector<128x4xf32>
      %swap3A = arith.constant 0 : index
      %swap3A_480 = arith.constant 4 : index
      %swap3A_481 = vector.load %arg20[%swap3A, %swap3A_480] : memref<128x8xf32, #tpu.memory_space<vmem>>, vector<128x4xf32>
      tpu.vector_store %arg20[%swap3A, %swap3A_480], %add3A_479 {strides = array<i32>} : memref<128x8xf32, #tpu.memory_space<vmem>>, vector<128x4xf32>,
      %get3A_482 = arith.constant 0 : index
      %get3A_483 = arith.constant 4 : index
      %get3A_484 = vector.load %arg21[%get3A_482, %get3A_483] : memref<128x8xf32, #tpu.memory_space<vmem>>, vector<128x4xf32>
      %max3A_485 = arith.maximumf %get3A_484, %concatenate3A_459 : vector<128x4xf32>
      %swap3A_486 = arith.constant 0 : index
      %swap3A_487 = arith.constant 4 : index
      %swap3A_488 = vector.load %arg21[%swap3A_486, %swap3A_487] : memref<128x8xf32, #tpu.memory_space<vmem>>, vector<128x4xf32>
      tpu.vector_store %arg21[%swap3A_486, %swap3A_487], %max3A_485 {strides = array<i32>} : memref<128x8xf32, #tpu.memory_space<vmem>>, vector<128x4xf32>,
      %get3A_489 = arith.constant 0 : index
      %get3A_490 = arith.constant 4 : index
      %get3A_491 = vector.load %arg22[%get3A_489, %get3A_490] : memref<1x8xf32, #tpu.memory_space<vmem>>, vector<1x4xf32>
      %add3A_492 = arith.addf %get3A_491, %concatenate3A_460 : vector<1x4xf32>
      %swap3A_493 = arith.constant 0 : index
      %swap3A_494 = arith.constant 4 : index
      %swap3A_495 = vector.load %arg22[%swap3A_493, %swap3A_494] : memref<1x8xf32, #tpu.memory_space<vmem>>, vector<1x4xf32>
      tpu.vector_store %arg22[%swap3A_493, %swap3A_494], %add3A_492 {strides = array<i32>} : memref<1x8xf32, #tpu.memory_space<vmem>>, vector<1x4xf32>,
    } else {
    }
    %eq3A_471 = arith.constant 0 : i32
    %eq3A_472 = arith.cmpi eq, %arg0, %eq3A_471 : i32
    %convert_element_type3A_473 = arith.extui %eq3A_472 : i1 to i32
    %cond3A_474 = arith.constant 0 : i32
    %cond3A_475 = arith.cmpi ne, %convert_element_type3A_473, %cond3A_474 : i32
    scf.if %cond3A_475 {
      %get3A_476 = arith.constant 0 : index
      %get3A_477 = arith.constant 0 : index
      %get3A_478 = vector.load %arg22[%get3A_476, %get3A_477] : memref<1x8xf32, #tpu.memory_space<vmem>>, vector<1x8xf32>
      %add3A_479 = arith.constant 1.000000e+00 : f32
      %add3A_480 = vector.broadcast %add3A_479 : f32 to vector<1x8xf32>
      %add3A_481 = arith.addf %get3A_478, %add3A_480 : vector<1x8xf32>
      %log3A_482 = math.log %add3A_481 : vector<1x8xf32>
      %div3A_483 = vector.broadcast %get3A_3 : f32 to vector<1x8xf32>
      %div3A_484 = arith.divf %log3A_482, %div3A_483 : vector<1x8xf32>
      %get3A_485 = arith.constant 0 : index
      %get3A_486 = arith.constant 0 : index
      %get3A_487 = vector.load %arg20[%get3A_485, %get3A_486] : memref<128x8xf32, #tpu.memory_space<vmem>>, vector<128x8xf32>
      %max3A_488 = arith.constant 1.000000e+00 : f32
      %max3A_489 = vector.broadcast %max3A_488 : f32 to vector<1x8xf32>
      %max3A_490 = arith.maximumf %get3A_478, %max3A_489 : vector<1x8xf32>
      %div3A_491 = vector.broadcast %max3A_490 : vector<1x8xf32> to vector<128x8xf32>
      %div3A_492 = arith.divf %get3A_487, %div3A_491 : vector<128x8xf32>
      %gt3A_493 = arith.constant 0.000000e+00 : f32
      %gt3A_494 = vector.broadcast %gt3A_493 : f32 to vector<1x8xf32>
      %gt3A_495 = arith.cmpf ogt, %get3A_478, %gt3A_494 : vector<1x8xf32>
      %get3A_496 = arith.constant 0 : index
      %get3A_497 = arith.constant 0 : index
      %get3A_498 = vector.load %arg21[%get3A_496, %get3A_497] : memref<128x8xf32, #tpu.memory_space<vmem>>, vector<128x8xf32>
      %jit3A_499 = arith.constant 0.000000e+00 : f32
      %broadcast_in_dim3A_500 = vector.shape_cast %gt3A_495 : vector<1x8xi1> to vector<1x8xi1>
      %broadcast_in_dim3A_501 = vector.broadcast %broadcast_in_dim3A_500 : vector<1x8xi1> to vector<128x8xi1>
      %broadcast_in_dim3A_502 = vector.broadcast %jit3A_499 : f32 to vector<128x8xf32>
      %select_n3A_503 = arith.select %broadcast_in_dim3A_501, %get3A_498, %broadcast_in_dim3A_502 : vector<128x8xi1>, vector<128x8xf32>
      %add3A_504 = arith.addf %div3A_492, %select_n3A_503 : vector<128x8xf32>
      %mul3A_505 = vector.broadcast %div3A_484 : vector<1x8xf32> to vector<128x8xf32>
      %mul3A_506 = arith.mulf %add3A_504, %mul3A_505 : vector<128x8xf32>
      %get3A_507 = arith.constant 0 : index
      %get3A_508 = arith.constant 0 : index
      %get3A_509 = vector.load %arg11[%get3A_507, %get3A_508] : memref<128x128xf32, #tpu.memory_space<vmem>>, vector<128x128xf32>
      %dot_general3A_510 = arith.constant dense<0.000000e+00> : vector<128x8xf32>
      %dot_general3A_511 = tpu.matmul %get3A_509, %mul3A_506, %dot_general3A_510 {dimension_numbers = #tpu.dot_dimension_numbers<[1], [0], [0], [1], [0, 0, 1, 1], [], []>, transpose_lhs_hint = false} : vector<128x128xf32>, vector<128x8xf32>, vector<128x8xf32> -> vector<128x8xf32>
      %get3A_512 = arith.constant 0 : index
      %get3A_513 = arith.constant 0 : index
      %get3A_514 = vector.load %arg13[%get3A_512, %get3A_513] : memref<128x1xf32, #tpu.memory_space<vmem>>, vector<128x1xf32>
      %add3A_515 = vector.broadcast %get3A_514 : vector<128x1xf32> to vector<128x8xf32>
      %add3A_516 = arith.addf %dot_general3A_511, %add3A_515 : vector<128x8xf32>
      %max3A_517 = arith.constant 0.000000e+00 : f32
      %max3A_518 = vector.broadcast %max3A_517 : f32 to vector<128x8xf32>
      %max3A_519 = arith.maximumf %add3A_516, %max3A_518 : vector<128x8xf32>
      %get3A_520 = arith.constant 0 : index
      %get3A_521 = arith.constant 6 : index
      %get3A_522 = vector.load %arg24[%get3A_520, %get3A_521] : memref<128x8xf32, #tpu.memory_space<vmem>>, vector<128x1xf32>
      %get3A_523 = arith.constant 0 : index
      %get3A_524 = arith.constant 6 : index
      %get3A_525 = vector.load %arg24[%get3A_523, %get3A_524] : memref<128x8xf32, #tpu.memory_space<vmem>>, vector<128x1xf32>
      %get3A_526 = arith.constant 0 : index
      %get3A_527 = arith.constant 6 : index
      %get3A_528 = vector.load %arg24[%get3A_526, %get3A_527] : memref<128x8xf32, #tpu.memory_space<vmem>>, vector<128x1xf32>
      %get3A_529 = arith.constant 0 : index
      %get3A_530 = arith.constant 6 : index
      %get3A_531 = vector.load %arg24[%get3A_529, %get3A_530] : memref<128x8xf32, #tpu.memory_space<vmem>>, vector<128x1xf32>
      %get3A_532 = arith.constant 0 : index
      %get3A_533 = arith.constant 7 : index
      %get3A_534 = vector.load %arg24[%get3A_532, %get3A_533] : memref<128x8xf32, #tpu.memory_space<vmem>>, vector<128x1xf32>
      %get3A_535 = arith.constant 0 : index
      %get3A_536 = arith.constant 7 : index
      %get3A_537 = vector.load %arg24[%get3A_535, %get3A_536] : memref<128x8xf32, #tpu.memory_space<vmem>>, vector<128x1xf32>
      %get3A_538 = arith.constant 0 : index
      %get3A_539 = arith.constant 7 : index
      %get3A_540 = vector.load %arg24[%get3A_538, %get3A_539] : memref<128x8xf32, #tpu.memory_space<vmem>>, vector<128x1xf32>
      %get3A_541 = arith.constant 0 : index
      %get3A_542 = arith.constant 7 : index
      %get3A_543 = vector.load %arg24[%get3A_541, %get3A_542] : memref<128x8xf32, #tpu.memory_space<vmem>>, vector<128x1xf32>
      %concatenate3A_544 = tpu.concatenate %get3A_522, %get3A_525, %get3A_528, %get3A_531, %get3A_534, %get3A_537, %get3A_540, %get3A_543 in 1 : vector<128x1xf32>, vector<128x1xf32>, vector<128x1xf32>, vector<128x1xf32>, vector<128x1xf32>, vector<128x1xf32>, vector<128x1xf32>, vector<128x1xf32> -> vector<128x8xf32>
      %get3A_545 = arith.constant 0 : index
      %get3A_546 = arith.constant 4 : index
      %get3A_547 = vector.load %arg24[%get3A_545, %get3A_546] : memref<128x8xf32, #tpu.memory_space<vmem>>, vector<128x1xf32>
      %get3A_548 = arith.constant 0 : index
      %get3A_549 = arith.constant 4 : index
      %get3A_550 = vector.load %arg24[%get3A_548, %get3A_549] : memref<128x8xf32, #tpu.memory_space<vmem>>, vector<128x1xf32>
      %get3A_551 = arith.constant 0 : index
      %get3A_552 = arith.constant 4 : index
      %get3A_553 = vector.load %arg24[%get3A_551, %get3A_552] : memref<128x8xf32, #tpu.memory_space<vmem>>, vector<128x1xf32>
      %get3A_554 = arith.constant 0 : index
      %get3A_555 = arith.constant 4 : index
      %get3A_556 = vector.load %arg24[%get3A_554, %get3A_555] : memref<128x8xf32, #tpu.memory_space<vmem>>, vector<128x1xf32>
      %get3A_557 = arith.constant 0 : index
      %get3A_558 = arith.constant 5 : index
      %get3A_559 = vector.load %arg24[%get3A_557, %get3A_558] : memref<128x8xf32, #tpu.memory_space<vmem>>, vector<128x1xf32>
      %get3A_560 = arith.constant 0 : index
      %get3A_561 = arith.constant 5 : index
      %get3A_562 = vector.load %arg24[%get3A_560, %get3A_561] : memref<128x8xf32, #tpu.memory_space<vmem>>, vector<128x1xf32>
      %get3A_563 = arith.constant 0 : index
      %get3A_564 = arith.constant 5 : index
      %get3A_565 = vector.load %arg24[%get3A_563, %get3A_564] : memref<128x8xf32, #tpu.memory_space<vmem>>, vector<128x1xf32>
      %get3A_566 = arith.constant 0 : index
      %get3A_567 = arith.constant 5 : index
      %get3A_568 = vector.load %arg24[%get3A_566, %get3A_567] : memref<128x8xf32, #tpu.memory_space<vmem>>, vector<128x1xf32>
      %concatenate3A_569 = tpu.concatenate %get3A_547, %get3A_550, %get3A_553, %get3A_556, %get3A_559, %get3A_562, %get3A_565, %get3A_568 in 1 : vector<128x1xf32>, vector<128x1xf32>, vector<128x1xf32>, vector<128x1xf32>, vector<128x1xf32>, vector<128x1xf32>, vector<128x1xf32>, vector<128x1xf32> -> vector<128x8xf32>
      %get3A_570 = arith.constant 0 : index
      %get3A_571 = memref.load %arg18[%get3A_570] : memref<8xi32, #tpu.memory_space<smem>>
      %get3A_572 = arith.constant 0 : index
      %get3A_573 = memref.load %arg17[%get3A_572] : memref<2xi32, #tpu.memory_space<smem>>
      %eq3A_574 = arith.cmpi eq, %get3A_571, %get3A_573 : i32
      %jit3A_575 = arith.constant 1.000000e+00 : f32
      %jit3A_576 = arith.constant 0.000000e+00 : f32
      %select_n3A_577 = arith.select %eq3A_574, %jit3A_575, %jit3A_576 : f32
      %reshape3A = vector.broadcast %select_n3A_577 : f32 to vector<1x1xf32>
      %get3A_578 = arith.constant 1 : index
      %get3A_579 = memref.load %arg18[%get3A_578] : memref<8xi32, #tpu.memory_space<smem>>
      %get3A_580 = arith.constant 0 : index
      %get3A_581 = memref.load %arg17[%get3A_580] : memref<2xi32, #tpu.memory_space<smem>>
      %eq3A_582 = arith.cmpi eq, %get3A_579, %get3A_581 : i32
      %jit3A_583 = arith.constant 1.000000e+00 : f32
      %jit3A_584 = arith.constant 0.000000e+00 : f32
      %select_n3A_585 = arith.select %eq3A_582, %jit3A_583, %jit3A_584 : f32
      %reshape3A_586 = vector.broadcast %select_n3A_585 : f32 to vector<1x1xf32>
      %get3A_587 = arith.constant 2 : index
      %get3A_588 = memref.load %arg18[%get3A_587] : memref<8xi32, #tpu.memory_space<smem>>
      %get3A_589 = arith.constant 0 : index
      %get3A_590 = memref.load %arg17[%get3A_589] : memref<2xi32, #tpu.memory_space<smem>>
      %eq3A_591 = arith.cmpi eq, %get3A_588, %get3A_590 : i32
      %jit3A_592 = arith.constant 1.000000e+00 : f32
      %jit3A_593 = arith.constant 0.000000e+00 : f32
      %select_n3A_594 = arith.select %eq3A_591, %jit3A_592, %jit3A_593 : f32
      %reshape3A_595 = vector.broadcast %select_n3A_594 : f32 to vector<1x1xf32>
      %get3A_596 = arith.constant 3 : index
      %get3A_597 = memref.load %arg18[%get3A_596] : memref<8xi32, #tpu.memory_space<smem>>
      %get3A_598 = arith.constant 0 : index
      %get3A_599 = memref.load %arg17[%get3A_598] : memref<2xi32, #tpu.memory_space<smem>>
      %eq3A_600 = arith.cmpi eq, %get3A_597, %get3A_599 : i32
      %jit3A_601 = arith.constant 1.000000e+00 : f32
      %jit3A_602 = arith.constant 0.000000e+00 : f32
      %select_n3A_603 = arith.select %eq3A_600, %jit3A_601, %jit3A_602 : f32
      %reshape3A_604 = vector.broadcast %select_n3A_603 : f32 to vector<1x1xf32>
      %get3A_605 = arith.constant 4 : index
      %get3A_606 = memref.load %arg18[%get3A_605] : memref<8xi32, #tpu.memory_space<smem>>
      %get3A_607 = arith.constant 1 : index
      %get3A_608 = memref.load %arg17[%get3A_607] : memref<2xi32, #tpu.memory_space<smem>>
      %eq3A_609 = arith.cmpi eq, %get3A_606, %get3A_608 : i32
      %jit3A_610 = arith.constant 1.000000e+00 : f32
      %jit3A_611 = arith.constant 0.000000e+00 : f32
      %select_n3A_612 = arith.select %eq3A_609, %jit3A_610, %jit3A_611 : f32
      %reshape3A_613 = vector.broadcast %select_n3A_612 : f32 to vector<1x1xf32>
      %get3A_614 = arith.constant 5 : index
      %get3A_615 = memref.load %arg18[%get3A_614] : memref<8xi32, #tpu.memory_space<smem>>
      %get3A_616 = arith.constant 1 : index
      %get3A_617 = memref.load %arg17[%get3A_616] : memref<2xi32, #tpu.memory_space<smem>>
      %eq3A_618 = arith.cmpi eq, %get3A_615, %get3A_617 : i32
      %jit3A_619 = arith.constant 1.000000e+00 : f32
      %jit3A_620 = arith.constant 0.000000e+00 : f32
      %select_n3A_621 = arith.select %eq3A_618, %jit3A_619, %jit3A_620 : f32
      %reshape3A_622 = vector.broadcast %select_n3A_621 : f32 to vector<1x1xf32>
      %get3A_623 = arith.constant 6 : index
      %get3A_624 = memref.load %arg18[%get3A_623] : memref<8xi32, #tpu.memory_space<smem>>
      %get3A_625 = arith.constant 1 : index
      %get3A_626 = memref.load %arg17[%get3A_625] : memref<2xi32, #tpu.memory_space<smem>>
      %eq3A_627 = arith.cmpi eq, %get3A_624, %get3A_626 : i32
      %jit3A_628 = arith.constant 1.000000e+00 : f32
      %jit3A_629 = arith.constant 0.000000e+00 : f32
      %select_n3A_630 = arith.select %eq3A_627, %jit3A_628, %jit3A_629 : f32
      %reshape3A_631 = vector.broadcast %select_n3A_630 : f32 to vector<1x1xf32>
      %get3A_632 = arith.constant 7 : index
      %get3A_633 = memref.load %arg18[%get3A_632] : memref<8xi32, #tpu.memory_space<smem>>
      %get3A_634 = arith.constant 1 : index
      %get3A_635 = memref.load %arg17[%get3A_634] : memref<2xi32, #tpu.memory_space<smem>>
      %eq3A_636 = arith.cmpi eq, %get3A_633, %get3A_635 : i32
      %jit3A_637 = arith.constant 1.000000e+00 : f32
      %jit3A_638 = arith.constant 0.000000e+00 : f32
      %select_n3A_639 = arith.select %eq3A_636, %jit3A_637, %jit3A_638 : f32
      %reshape3A_640 = vector.broadcast %select_n3A_639 : f32 to vector<1x1xf32>
      %concatenate3A_641 = tpu.concatenate %reshape3A, %reshape3A_586, %reshape3A_595, %reshape3A_604, %reshape3A_613, %reshape3A_622, %reshape3A_631, %reshape3A_640 in 1 : vector<1x1xf32>, vector<1x1xf32>, vector<1x1xf32>, vector<1x1xf32>, vector<1x1xf32>, vector<1x1xf32>, vector<1x1xf32>, vector<1x1xf32> -> vector<1x8xf32>
      %mul3A_642 = vector.broadcast %concatenate3A_641 : vector<1x8xf32> to vector<128x8xf32>
      %mul3A_643 = arith.mulf %mul3A_642, %concatenate3A_544 : vector<128x8xf32>
      %add3A_644 = arith.addf %max3A_519, %mul3A_643 : vector<128x8xf32>
      %get3A_645 = arith.constant 0 : index
      %get3A_646 = arith.constant 0 : index
      %get3A_647 = vector.load %arg7[%get3A_645, %get3A_646] : memref<128x128xf32, #tpu.memory_space<vmem>>, vector<128x128xf32>
      %dot_general3A_648 = arith.constant dense<0.000000e+00> : vector<128x8xf32>
      %dot_general3A_649 = tpu.matmul %get3A_647, %add3A_644, %dot_general3A_648 {dimension_numbers = #tpu.dot_dimension_numbers<[1], [0], [0], [1], [0, 0, 1, 1], [], []>, transpose_lhs_hint = false} : vector<128x128xf32>, vector<128x8xf32>, vector<128x8xf32> -> vector<128x8xf32>
      %add3A_650 = arith.addf %dot_general3A_649, %concatenate3A_569 : vector<128x8xf32>
      %max3A_651 = arith.constant 0.000000e+00 : f32
      %max3A_652 = vector.broadcast %max3A_651 : f32 to vector<128x8xf32>
      %max3A_653 = arith.maximumf %add3A_650, %max3A_652 : vector<128x8xf32>
      %get3A_654 = arith.constant 0 : index
      %get3A_655 = arith.constant 0 : index
      %get3A_656 = vector.load %arg9[%get3A_654, %get3A_655] : memref<256x128xf32, #tpu.memory_space<vmem>>, vector<256x128xf32>
      %dot_general3A_657 = arith.constant dense<0.000000e+00> : vector<256x8xf32>
      %dot_general3A_658 = tpu.matmul %get3A_656, %max3A_653, %dot_general3A_657 {dimension_numbers = #tpu.dot_dimension_numbers<[1], [0], [0], [1], [0, 0, 1, 1], [], []>, transpose_lhs_hint = false} : vector<256x128xf32>, vector<128x8xf32>, vector<256x8xf32> -> vector<256x8xf32>
      %get3A_659 = arith.constant 0 : index
      %get3A_660 = arith.constant 0 : index
      %get3A_661 = vector.load %arg15[%get3A_659, %get3A_660] : memref<256x1xf32, #tpu.memory_space<vmem>>, vector<256x1xf32>
      %add3A_662 = vector.broadcast %get3A_661 : vector<256x1xf32> to vector<256x8xf32>
      %add3A_663 = arith.addf %dot_general3A_658, %add3A_662 : vector<256x8xf32>
      %max3A_664 = arith.constant 0.000000e+00 : f32
      %max3A_665 = vector.broadcast %max3A_664 : f32 to vector<256x8xf32>
      %max3A_666 = arith.maximumf %add3A_663, %max3A_665 : vector<256x8xf32>
      %get3A_667 = arith.constant 0 : index
      %get3A_668 = arith.constant 0 : index
      %get3A_669 = vector.load %arg10[%get3A_667, %get3A_668] : memref<1x256xf32, #tpu.memory_space<vmem>>, vector<1x256xf32>
      %dot_general3A_670 = arith.constant dense<0.000000e+00> : vector<1x8xf32>
      %dot_general3A_671 = tpu.matmul %get3A_669, %max3A_666, %dot_general3A_670 {dimension_numbers = #tpu.dot_dimension_numbers<[1], [0], [0], [1], [0, 0, 1, 1], [], []>, transpose_lhs_hint = false} : vector<1x256xf32>, vector<256x8xf32>, vector<1x8xf32> -> vector<1x8xf32>
      %get3A_672 = arith.constant 0 : index
      %get3A_673 = arith.constant 0 : index
      %get3A_674 = vector.load %arg16[%get3A_672, %get3A_673] : memref<1x1xf32, #tpu.memory_space<vmem>>, vector<1x1xf32>
      %add3A_675 = vector.broadcast %get3A_674 : vector<1x1xf32> to vector<1x8xf32>
      %add3A_676 = arith.addf %dot_general3A_671, %add3A_675 : vector<1x8xf32>
      %swap3A = arith.constant 0 : index
      %swap3A_677 = arith.constant 0 : index
      %swap3A_678 = vector.load %arg19[%swap3A, %swap3A_677] : memref<1x8xf32, #tpu.memory_space<vmem>>, vector<1x8xf32>
      tpu.vector_store %arg19[%swap3A, %swap3A_677], %add3A_676 {strides = array<i32>} : memref<1x8xf32, #tpu.memory_space<vmem>>, vector<1x8xf32>,
    } else {
    }
    return
  }
  func.func @transform_0(%arg0: i32) -> (i32, i32) {
    %c0_i32 = arith.constant 0 : i32
    %c0_i32_0 = arith.constant 0 : i32
    %c0_i32_1 = arith.constant 0 : i32
    return %c0_i32, %c0_i32_0 : i32, i32
  }
  func.func @transform_1(%arg0: i32) -> (i32, i32) {
    %c0_i32 = arith.constant 0 : i32
    %c0_i32_0 = arith.constant 0 : i32
    %c0_i32_1 = arith.constant 0 : i32
    return %c0_i32, %c0_i32_0 : i32, i32
  }
  func.func @transform_2(%arg0: i32) -> (i32, i32) {
    %c0_i32 = arith.constant 0 : i32
    %c0_i32_0 = arith.constant 0 : i32
    %c0_i32_1 = arith.constant 0 : i32
    return %c0_i32, %c0_i32_0 : i32, i32
  }
  func.func @transform_3(%arg0: i32) -> (i32, i32) {
    %c0_i32 = arith.constant 0 : i32
    %c0_i32_0 = arith.constant 0 : i32
    %c0_i32_1 = arith.constant 0 : i32
    return %c0_i32, %c0_i32_0 : i32, i32
  }
  func.func @transform_4(%arg0: i32) -> (i32, i32) {
    %c0_i32 = arith.constant 0 : i32
    %c0_i32_0 = arith.constant 0 : i32
    %c0_i32_1 = arith.constant 0 : i32
    return %c0_i32, %c0_i32_0 : i32, i32
  }
  func.func @transform_5(%arg0: i32) -> (i32, i32) {
    %c0_i32 = arith.constant 0 : i32
    %c0_i32_0 = arith.constant 0 : i32
    %c0_i32_1 = arith.constant 0 : i32
    return %c0_i32, %c0_i32_0 : i32, i32
  }
  func.func @transform_6(%arg0: i32) -> (i32, i32) {
    %c0_i32 = arith.constant 0 : i32
    %c0_i32_0 = arith.constant 0 : i32
    %c0_i32_1 = arith.constant 0 : i32
    return %c0_i32, %c0_i32_0 : i32, i32
  }
  func.func @transform_7(%arg0: i32) -> (i32, i32) {
    %c0_i32 = arith.constant 0 : i32
    %c0_i32_0 = arith.constant 0 : i32
    %c0_i32_1 = arith.constant 0 : i32
    return %c0_i32, %c0_i32_0 : i32, i32
  }
  func.func @transform_8(%arg0: i32) -> (i32, i32) {
    %c0_i32 = arith.constant 0 : i32
    %c0_i32_0 = arith.constant 0 : i32
    %c0_i32_1 = arith.constant 0 : i32
    return %c0_i32, %c0_i32_0 : i32, i32
  }
  func.func @transform_9(%arg0: i32) -> (i32, i32) {
    %c0_i32 = arith.constant 0 : i32
    %c0_i32_0 = arith.constant 0 : i32
    %c0_i32_1 = arith.constant 0 : i32
    return %c0_i32, %c0_i32_0 : i32, i32
  }
  func.func @transform_10(%arg0: i32) -> (i32, i32) {
    %c0_i32 = arith.constant 0 : i32
    %c0_i32_0 = arith.constant 0 : i32
    %c0_i32_1 = arith.constant 0 : i32
    return %c0_i32, %c0_i32_0 : i32, i32
  }
  func.func @transform_11(%arg0: i32) -> (i32, i32) {
    %c0_i32 = arith.constant 0 : i32
    %c0_i32_0 = arith.constant 0 : i32
    %c0_i32_1 = arith.constant 0 : i32
    return %c0_i32, %c0_i32_0 : i32, i32
  }
  func.func @transform_12(%arg0: i32) -> (i32, i32) {
    %c0_i32 = arith.constant 0 : i32
    %c0_i32_0 = arith.constant 0 : i32
    %c0_i32_1 = arith.constant 0 : i32
    return %c0_i32, %c0_i32_0 : i32, i32
  }
  func.func @transform_13(%arg0: i32) -> (i32, i32) {
    %c0_i32 = arith.constant 0 : i32
    %c0_i32_0 = arith.constant 0 : i32
    %c0_i32_1 = arith.constant 0 : i32
    return %c0_i32, %c0_i32_0 : i32, i32
  }
  func.func @transform_14(%arg0: i32) -> (i32, i32) {
    %c0_i32 = arith.constant 0 : i32
    %c0_i32_0 = arith.constant 0 : i32
    %c0_i32_1 = arith.constant 0 : i32
    return %c0_i32, %c0_i32_0 : i32, i32
  }
  func.func @transform_15(%arg0: i32) -> (i32, i32) {
    %c0_i32 = arith.constant 0 : i32
    %c0_i32_0 = arith.constant 0 : i32
    %c0_i32_1 = arith.constant 0 : i32
    return %c0_i32, %c0_i32_0 : i32, i32
  }
  func.func @transform_16(%arg0: i32) -> i32 {
    %c0_i32 = arith.constant 0 : i32
    %c0_i32_0 = arith.constant 0 : i32
    return %c0_i32 : i32
  }
  func.func @transform_17(%arg0: i32) -> i32 {
    %c0_i32 = arith.constant 0 : i32
    %c0_i32_0 = arith.constant 0 : i32
    return %c0_i32 : i32
  }
  func.func @transform_18(%arg0: i32) -> (i32, i32) {
    %c0_i32 = arith.constant 0 : i32
    %c0_i32_0 = arith.constant 0 : i32
    %c0_i32_1 = arith.constant 0 : i32
    return %c0_i32, %c0_i32_0 : i32, i32
  }
}

</mosaic_0001>

<sc_bundles>
// kernel: kernel.4.cloned.1.call-start
scs
__scs_entry_jumppad:
0x0: {  	(pc) =	sbr.rel $0x88, $3  }
0x1: {  	(tag) =	ssettag $0x0;
	lr =	simm.s32 $0x1  }
0x2: {  	[smem:$0x3F90] =	sst lr;
	_ =	strace $0xD0000000  }
0x3: {  	_ = 	snop  }
0x4: {  	_ = 	snop  }
0x5: {  	_ = 	snop  }
0x6: {  	_ = 	snop  }
0x7: {  	_ = 	snop  }
__scs_overlays_trampoline_lowered:
0x8: {  	[smem:$0x3F9F] =	sst s0  }
0x9: {  	[smem:$0x3FA0] =	sst s1  }
0xa: {  	[smem:$0x3FA1] =	sst s2  }
0xb: {  	[smem:$0x3FA2] =	sst s3  }
0xc: {  	[smem:$0x3FA3] =	sst s4  }
0xd: {  	[smem:$0x3FA4] =	sst s5  }
0xe: {  	[smem:$0x3FA5] =	sst s6  }
0xf: {  	[smem:$0x3FA6] =	sst s7  }
0x10: {  	[smem:$0x3FA7] =	sst s8  }
0x11: {  	[smem:$0x3FA8] =	sst s9;
	s0 =	simm.s32 @!p0 $0x0  }
0x12: {  	s1 =	sld [smem:$0x3F8E];
	s0 =	simm.s32 @p0 $0x1  }
0x13: {  	[smem:$0x3FA9] =	sst s0;
	s0 =	simm.s32 @!p1 $0x0  }
0x14: {  	s2 =	sld [smem:$0x3F8D];
	s0 =	simm.s32 @p1 $0x1  }
0x15: {  	[smem:$0x3FAA] =	sst s0;
	s0 =	simm.s32 @!p2 $0x0  }
0x16: {  	s3 =	sld [smem:$0x3FDB];
	s0 =	simm.s32 @p2 $0x1  }
0x17: {  	s4 =	simm.s32 $0x1BF5;
	[smem:$0x3FAC] =	sst s0  }
0x18: {  	s0 =	sld [smem:$0x3F8F];
	_ =	swait.ge [sflag:s4], $0x0  }
0x19: {  	s7 =	sld [smem:$0x3F90]  }
0x1a: {  	s8 =	sadd.s32 $0xFFFFE003, lr  }
0x1b: {  	s9 =	sadd.s32 $0xFFFFFEF7, lr;
	s5 =	simm.s32 $0xFFFFFFFF;
	p2 =	slt.u32 s8, $0xFFFFF086  }
0x1c: {  	p1 =	slt.u32 s9, $0xF7A;
	s5 =	simm.s32 @!p2 $0x0  }
0x1d: {  	s5 =	simm.s32 @p1 $0x1;
	p0 =	seq.s32 s7, s2  }
0x1e: {  	s7 =	smul.u32 @!p0 $0xF7A, s2;
	p2 =	seq.s32 @!p0 s5, $0x0  }
0x1f: {  	s9 =	smul.u32 $0xF7A, s1;
	s8 =	simm.s32 @!p0 $0x1BF5;
	p2 =	por !p2, p0  }
0x20: {  	[sflag:s8] =	ssyncset.s32 @!p0 $0xFFFFF086;
	s6 =	sadd.s32 @!p0 s3, s7;
	s7 =	simm.s32 @!p0 $0x108  }
0x21: {  	s3 =	sadd.s32 s3, s9;
	s6 =	sadd.s32 @!p0 $0x88, s6;
	s7 =	simm.s32 @p2 $0x1082  }
0x22: {  	[simem:s7], [sflag:s8] =	dma.local @!p0 [hbm:s6], $0xF7A  }
0x23: {  	s9 =	sor.u32 $0xD0000000, s2;
	s6 =	simm.s32 $0x108;
	_ =	swait.ge @!p0 [sflag:s8], $0x0  }
0x24: {  	s3 =	sadd.s32 $0x88, s3;
	s6 =	simm.s32 @!p1 $0x1082;
	[sflag:s4] =	ssyncset.s32 $0xFFFFF086  }
0x25: {  	[simem:s6], [sflag:s4] =	dma.local [hbm:s3], $0xF7A  }
0x26: {  	[smem:$0x3F90] =	sst s1;
	(tag) =	ssettag s2;
	_ =	strace s9  }
0x27: {  	s1 =	sld [smem:$0x3FA0]  }
0x28: {  	s2 =	sld [smem:$0x3FA1]  }
0x29: {  	s4 =	sld [smem:$0x3FA3]  }
0x2a: {  	p0 =	seq.s32 s5, $0x0;
	s5 =	sld [smem:$0x3FA4]  }
0x2b: {  	s6 =	sld [smem:$0x3FA5]  }
0x2c: {  	s7 =	sld [smem:$0x3FA6]  }
0x2d: {  	s3 =	simm.s32 $0x108;
	s8 =	sld [smem:$0x3FA7]  }
0x2e: {  	s3 =	simm.s32 @!p0 $0x1082;
	s9 =	sld [smem:$0x3FA8]  }
0x2f: {  	lr =	sadd.s32 s0, s3;
	s0 =	sld [smem:$0x3F9F]  }
0x30: {  	s3 =	sld [smem:$0x3FA2]  }
0x31: {  	[smem:$0x3FAB] =	sst s10  }
0x32: {  	s10 =	sld [smem:$0x3FA9];
	_ =	sdelay $0x3  }
0x33: {  	p0 =	seq.s32 s10, $0x1;
	s10 =	sld [smem:$0x3FAB];
	_ =	sdelay $0x3  }
0x34: {  	[smem:$0x3FAB] =	sst s10  }
0x35: {  	s10 =	sld [smem:$0x3FAA];
	_ =	sdelay $0x3  }
0x36: {  	p1 =	seq.s32 s10, $0x1;
	s10 =	sld [smem:$0x3FAB];
	_ =	sdelay $0x3  }
0x37: {  	[smem:$0x3FAB] =	sst s10  }
0x38: {  	s10 =	sld [smem:$0x3FAC]  }
0x39: {  	_ = 	snop;
	(pc) =	sbr.ind lr, $3  }
0x3a: {  	_ = 	snop  }
0x3b: {  	_ = 	snop  }
0x3c: {  	p2 =	seq.s32 s10, $0x1;
	s10 =	sld [smem:$0x3FAB]  }
0x3d: {  	_ =	shalt  }
0x3e: {  	_ =	shalt  }
0x3f: {  	_ =	shalt  }
0x40: {  	_ =	shalt  }
0x41: {  	_ =	shalt  }
0x42: {  	_ =	shalt  }
0x43: {  	_ =	shalt  }
0x44: {  	_ =	shalt  }
0x45: {  	_ =	shalt  }
0x46: {  	_ =	shalt  }
0x47: {  	_ =	shalt  }
0x48: {  	_ =	shalt  }
0x49: {  	_ =	shalt  }
0x4a: {  	_ =	shalt  }
0x4b: {  	_ =	shalt  }
0x4c: {  	_ =	shalt  }
0x4d: {  	_ =	shalt  }
0x4e: {  	_ =	shalt  }
0x4f: {  	_ =	shalt  }
0x50: {  	_ =	shalt  }
0x51: {  	_ =	shalt  }
0x52: {  	_ =	shalt  }
0x53: {  	_ =	shalt  }
0x54: {  	_ =	shalt  }
0x55: {  	_ =	shalt  }
0x56: {  	_ =	shalt  }
0x57: {  	_ =	shalt  }
0x58: {  	_ =	shalt  }
0x59: {  	_ =	shalt  }
0x5a: {  	_ =	shalt  }
0x5b: {  	_ =	shalt  }
0x5c: {  	_ =	shalt  }
0x5d: {  	_ =	shalt  }
0x5e: {  	_ =	shalt  }
0x5f: {  	_ =	shalt  }
0x60: {  	_ =	shalt  }
0x61: {  	_ =	shalt  }
0x62: {  	_ =	shalt  }
0x63: {  	_ =	shalt  }
0x64: {  	_ =	shalt  }
0x65: {  	_ =	shalt  }
0x66: {  	_ =	shalt  }
0x67: {  	_ =	shalt  }
0x68: {  	_ =	shalt  }
0x69: {  	_ =	shalt  }
0x6a: {  	_ =	shalt  }
0x6b: {  	_ =	shalt  }
0x6c: {  	_ =	shalt  }
0x6d: {  	_ =	shalt  }
0x6e: {  	_ =	shalt  }
0x6f: {  	_ =	shalt  }
0x70: {  	_ =	shalt  }
0x71: {  	_ =	shalt  }
0x72: {  	_ =	shalt  }
0x73: {  	_ =	shalt  }
0x74: {  	_ =	shalt  }
0x75: {  	_ =	shalt  }
0x76: {  	_ =	shalt  }
0x77: {  	_ =	shalt  }
0x78: {  	_ =	shalt  }
0x79: {  	_ =	shalt  }
0x7a: {  	_ =	shalt  }
0x7b: {  	_ =	shalt  }
0x7c: {  	_ =	shalt  }
0x7d: {  	_ =	shalt  }
0x7e: {  	_ =	shalt  }
0x7f: {  	_ =	shalt  }
0x80: {  	_ =	shalt  }
0x81: {  	_ =	shalt  }
0x82: {  	_ =	shalt  }
0x83: {  	_ =	shalt  }
0x84: {  	_ =	shalt  }
0x85: {  	_ =	shalt  }
0x86: {  	_ =	shalt  }
0x87: {  	_ =	shalt  }
.Lfunc_end0:
.L_simem_size_0:
called_computation_lowered:
.L_overlay_start_0:
0x88: {  	s2 =	sld [smem:$0x3FD9]  }
0x89: {  	s3 =	sld [smem:$0x3FFE];
	_ =	sdelay $0x1  }
0x8a: {  	s1 =	srdreg.scid  }
0x8b: {  	s0 =	sand.u32 $0x1, s1  }
0x8c: {  	s17 =	sshll.u32 s0, $0xA;
	s2 =	sadd.s32 s3, s2  }
0x8d: {  	s2 =	sadd.s32 s2, s17  }
0x8e: {  	[smem:$0x3FB7] =	sst s2  }
0x8f: {  	_ = 	snop  }
0x90: {  	s2 =	sld [smem:$0x3FD0];
	(tm) =	ssettm $0x1  }
0x91: {  	s18 =	sld [smem:$0x3FFB];
	_ =	sdelay $0x3  }
0x92: {  	_ =	strace s18  }
0x93: {  	s3 =	sld [smem:$0x3FFC];
	_ =	sdelay $0x3  }
0x94: {  	_ =	strace s3  }
0x95: {  	s3 =	sld [smem:$0x3FFD];
	_ =	sdelay $0x3  }
0x96: {  	_ =	strace s3  }
0x97: {  	_ =	strace $0x8FFFFFFF  }
0x98: {  	s19 =	sld [smem:$0x3FDB];
	_ =	sdelay $0x1  }
0x99: {  	s4 =	simm.s32 $_scs_section_size  }
0x9a: {  	s5 =	simm.s32 $_size__tile_overlayer_lowered;
	s6 =	simm.s32 $_tile_overlayer_lowered  }
0x9b: {  	s22 =	simm.s32 $0x1BFF;
	s21 =	sshll.u32 s6, $0x1;
	s3 =	sadd.s32 s4, s19  }
0x9c: {  	s7 =	simm.s32 $0x0;
	s20 =	sshll.u32 s5, $0x1;
	s5 =	sadd.s32 s21, s3  }
0x9d: {  	[timem:s7], [sflag:s22] =	dma.local [hbm:s5], s20  }
0x9e: {  	_ =	swait.ge [sflag:s22], s20  }
0x9f: {  	s4 =	ssub.s32 $0x0, s20;
	[sflag:s22] =	ssyncset.done $0x0  }
0xa0: {  	[sflag:s22] =	ssyncadd.s32 s4;
	_ =	sdelay $0x1  }
0xa1: {  	s23 =	simm.s32 $0x1B8B  }
0xa2: {  	_ =	swait.ge [sflag:s23], $0x1  }
0xa3: {  	[sflag:s23] =	ssyncset.done $0x0  }
0xa4: {  	s25 =	simm.s32 $0x1B8E;
	s24 =	sld [smem:$0x3FFE];
	[sflag:s23] =	ssyncadd.s32 $0xFFFFFFFF  }
0xa5: {  	s26 =	simm.s32 $execute0_lowered;
	[smem:$0x3FD2] =	sst s25  }
0xa6: {  	s5 =	sshll.u32 s26, $0x1;
	_ =	strace $0x80000046;
	[dreg:$0x1] =	wrdreg $0xFFFFFFFF  }
0xa7: {  	s28 =	simm.s32 $_size_execute0_lowered;
	s3 =	sadd.s32 s3, s5;
	[dreg:$0x0] =	wrdreg $0x0  }
0xa8: {  	s5 =	sshll.u32 s28, $0x1;
	[dreg:$0x2] =	wrdreg s3  }
0xa9: {  	[dreg:$0x3] =	wrdreg s5  }
0xaa: {  	[dreg:$0x4] =	wrdreg $0xC0  }
0xab: {  	_ =	task [dreg:s7], $0x5FFFF  }
0xac: {  	[dreg:$0x1] =	wrdreg $0xFFFFFFFF  }
0xad: {  	[dreg:$0x0] =	wrdreg $0x60  }
0xae: {  	[dreg:$0x2] =	wrdreg s24  }
0xaf: {  	[dreg:$0x3] =	wrdreg s2  }
0xb0: {  	[dreg:$0x4] =	wrdreg $0x79000  }
0xb1: {  	[dreg:$0x5] =	wrdreg $0x9  }
0xb2: {  	_ =	task.clear_ibuf [dreg:s7], $0x6FFFF;
	_ =	strace $0x90000046  }
0xb3: {  	s29 =	simm.s32 $0x9;
	_ =	strace $0x80000048  }
0xb4: {  	_ =	swait.ge [sflag:s29], $0x1  }
0xb5: {  	[sflag:s29] =	ssyncadd.s32 $0xFFFFFFFF  }
0xb6: {  	_ =	strace $0x90000048  }
0xb7: {  	_ =	sfence  }
0xb8: {  	s30 =	sld [smem:$0x0];
	_ =	sdelay $0x2  }
0xb9: {  	s31 =	sshll.u32 s1, $0xD;
	s1 =	sshrl.u32 s1, $0x2  }
0xba: {  	s3 =	sand.u32 $0x4000, s31;
	s1 =	sadd.s32 s1, s30  }
0xbb: {  	s0 =	sor.u32 s3, s0;
	s1 =	sshll.u32 s1, $0x11  }
0xbc: {  	s0 =	sor.u32 s1, s0  }
0xbd: {  	s0 =	sadd.s32 $0x8F2B, s0  }
0xbe: {  	[sflag:s0] =	ssyncadd.remote.s32 $0x1  }
0xbf: {  	_ =	sfence.sel $0xFFFF  }
0xc0: {  	[dreg:$0x0] =	wrdreg $0xFFFFFFFF;
	(pc) =	sbr.abs _section_cstart, $3  }
0xc1: {  	[dreg:$0x1] =	wrdreg $0xFFFFFFFF  }
0xc2: {  	_ =	task.clear_ibuf [dreg:s7], $0x2FFFF;
	_ =	strace $0x9FFFFFFF  }
0xc3: {  	(tm) =	ssettm $0x7FFFFFFF  }
tec
execute0_lowered:
.L_overlay_start_1:
0x0: {  	(tag) =	ssettag $0x1  }
0x1: {  	s6 =	rddreg [dreg:$0x0]  }
0x2: {  	s0 =	rddreg [dreg:$0x1];
	s1 =	srdreg.scid  }
0x3: {  	s11 =	stileid.u32;
	s2 =	rddreg [dreg:$0x2];
	s3 =	simm.s32 $0x0  }
0x4: {  	s14 =	simm.s32 $0x2800;
	s15 =	simm.s32 $0x2880;
	s16 =	simm.s32 $0x5080  }
0x5: {  	s17 =	simm.s32 $0x80;
	s18 =	simm.s32 $0x400;
	s19 =	simm.s32 $0x0  }
0x6: {  	s7 =	sand.u32 $0x1, s1;
	s4 =	sshll.u32 s11, $0x1;
	s1 =	rddreg [dreg:$0x3]  }
0x7: {  	[smem:$0x7FF] =	sst s3;
	s8 =	sshrl.u32 s11, $0x2;
	p0 =	sne.s32 s11, $0x0  }
0x8: {  	s4 =	sor.u32 s7, s4;
	_ =	strace $0x80000047;
	s8 =	smul.u32 $0x14000, s8  }
0x9: {  	s31 =	ssub.s32 $0x2, s7;
	s7 =	sshll.u32 s7, $0x4;
	s11 =	sshrl.u32 @!p0 s2, $0x3  }
0xa: {  	v0 =	vimm.s32 $0x8040201;
	v1 =	vimm.s32 $0x80402010;
	s5 =	smul.u32 $0x1388, s4;
	s9 =	sshll.u32 s4, $0x7;
	s4 =	sadd.s32 $0xB000, s6  }
0xb: {  	v0 =	vunpack.c.0.s8.s32 v0;
	v1 =	vunpack.c.0.s8.s32 v1;
	s12 =	sshrl.u32 s31, $0x1;
	s13 =	sadd.s32 s7, s6;
	s9 =	sand.u32 $0x380, s9  }
.Ltmp0:
0xc: {  	vm0 =	vcmask $0xF00;
	s12 =	ssub.s32 s31, s12;
	s5 =	sshrl.u32 s5, $0x3;
	(pc) =	sbr.rel .LBB2_1-.Ltmp0, $4  }
0xd: {  	vm13 =	vcmask $0x1F10;
	v0 =	vnsel vm0, $0x0, v0;
	v1 =	vand.u32 $0xFF, v1;
	s8 =	sor.u32 s8, s9;
	s9 =	sadd.s32 $0x18A00, s13;
	s13 =	simm.s32 $0x1400  }
0xe: {  	vm14 =	vcmask $0x2320;
	v1 =	vsel vm13, v1, v0;
	s10 =	sadd.s32 s5, s6;
	s5 =	sadd.s32 $0xE400, s6;
	s8 =	sshrl.u32 s8, $0x3  }
0xf: {  	vm15 =	vcmask $0x2724;
	v2 =	vlaneseq.u32;
	v1 =	vsel vm14, $0x100, v1;
	s8 =	sadd.s32 s8, s6;
	s6 =	sadd.s32 $0x1200, s10;
	s7 =	sadd.s32 $0x6020, s10  }
0x10: {  	v3 =	vimm.f32 $0.0e+00;
	v0 =	vimm.f32 $1.000000000e+00;
	v1 =	vsel vm15, $0x200, v1;
	s10 =	smax.u32 s12, $0x1;
	s12 =	simm.s32 $0x1;
	s8 =	sadd.s32 $0xEA00, s8  }
.LBB2_7:
0x11: {  	[hbm4b:s8+s17] =	stream.strided.scatter [tilespmem:s15], [sflag:$0x1], $0x2800, s18, s17, $0x38;
	[tilespmem:$0x9208] =	vst v63  }
0x12: {  	s20 =	simm.s32 @!p0 $0x1;
	_ =	swait.ge [sflag:s12], $0x2800  }
0x13: {  	s21 =	simm.s32 @!p0 $0x20;
	s19 =	sadd.s32 $0x1, s19;
	[sflag:s12] =	ssyncset.done $0x0  }
0x14: {  	s22 =	simm.s32 @!p0 $0x10;
	p1 =	sne.s32 s19, s10;
	[sflag:s12] =	ssyncadd.s32 $0xFFFFD800  }
.Ltmp1:
0x15: {  	s23 =	simm.s32 @!p0 $0x1C01;
	[bflag:$0x0] =	sbarrier.arrive $0xFFFF;
	(pc) =	sbr.rel @!p1 .LBB2_8-.Ltmp1, $4  }
0x16: {  	[hbm:s9@s21], [sflag:s23] =	dma.strided @!p0 [spmem:s11@s22], $0x3210, s20, $0x10   }
0x17: {  	_ =	swait.ge @!p0 [sflag:s20], $0x3210  }
0x18: {  	[sflag:s20] =	ssyncset.done @!p0 $0x0  }
0x19: {  	[sflag:s20] =	ssyncadd.s32 @!p0 $0xFFFFCDF0  }
.LBB2_1:
0x1a: {  	s20 =	simm.s32 @!p0 $0x1C01  }
0x1b: {  	[spmem:s11], [sflag:s20] =	dma.local @!p0 [hbm:s4], $0x3210  }
0x1c: {  	s20 =	simm.s32 @!p0 $0x1  }
0x1d: {  	_ =	swait.ge @!p0 [sflag:s20], $0x3210  }
0x1e: {  	[sflag:s20] =	ssyncset.done @!p0 $0x0  }
0x1f: {  	[sflag:s20] =	ssyncadd.s32 @!p0 $0xFFFFCDF0  }
0x20: {  	[tilespmem:s3], [sflag:$0x1] =	stream.linear.gather [hbm4b:s6+s3], $0x1388, $0x38;
	[tilespmem:$0x9208] =	vst v63  }
0x21: {  	_ =	swait.ge [sflag:s12], $0x1388  }
0x22: {  	[sflag:s12] =	ssyncset.done $0x0  }
0x23: {  	[sflag:s12] =	ssyncadd.s32 $0xFFFFEC78  }
0x24: {  	[tilespmem:s13], [sflag:$0x1] =	stream.linear.gather [hbm4b:s7+s3], $0x1388, $0x38;
	[tilespmem:$0x9208] =	vst v63  }
0x25: {  	_ =	swait.ge [sflag:s12], $0x1388  }
0x26: {  	[sflag:s12] =	ssyncset.done $0x0  }
0x27: {  	[sflag:s12] =	ssyncadd.s32 $0xFFFFEC78  }
0x28: {  	[tilespmem:s14], [sflag:$0x1] =	stream.linear.gather [hbm4b:s0+s3], $0x80, $0x38;
	[tilespmem:$0x9208] =	vst v63  }
0x29: {  	_ =	swait.ge [sflag:s12], $0x80  }
0x2a: {  	[sflag:s12] =	ssyncset.done $0x0  }
0x2b: {  	[sflag:s12] =	ssyncadd.s32 $0xFFFFFF80  }
0x2c: {  	[tilespmem:s15], [sflag:$0x1] =	stream.linear.gather [hbm4b:s4+s3], $0x2800, $0x38;
	[tilespmem:$0x9208] =	vst v63  }
0x2d: {  	_ =	swait.ge [sflag:s12], $0x2800  }
0x2e: {  	[sflag:s12] =	ssyncset.done $0x0  }
0x2f: {  	[sflag:s12] =	ssyncadd.s32 $0xFFFFD800  }
0x30: {  	[tilespmem:s16], [sflag:$0x1] =	stream.linear.gather [hbm4b:s5+s3], $0x2800, $0x38;
	[tilespmem:$0x9208] =	vst v63  }
0x31: {  	_ =	swait.ge [sflag:s12], $0x2800  }
0x32: {  	[sflag:s12] =	ssyncset.done $0x0  }
0x33: {  	[sflag:s12] =	ssyncadd.s32 $0xFFFFD800  }
0x34: {  	v4 =	vld [tilespmem:$0x2800];
	_ =	sdelay $0x5  }
.Ltmp2:
0x35: {  	_ = 	snop;
	(pc) =	sbr.rel .LBB2_2-.Ltmp2, $4  }
0x36: {  	[tilespmem:$0x7880] =	vst v0  }
0x37: {  	[tilespmem:v4+s16+$0x0] =	vst.idx.add.s32.msk $0xffff, v1  }
0x38: {  	[bflag:$0x0] =	sbarrier.arrive $0xFFFF  }
0x39: {  	s21 =	simm.s32 $0x10;
	s22 =	simm.s32 $0x1410;
	s20 =	simm.s32 $0x1378  }
.LBB2_6:
0x3a: {  	s20 =	sadd.s32 $0xFFFFFFE0, s20  }
0x3b: {  	p1 =	sne.s32 s20, $0xFFFFFFD8  }
.Ltmp3:
0x3c: {  	_ = 	snop;
	(pc) =	sbr.rel @!p1 .LBB2_7-.Ltmp3, $2  }
0x3d: {  	_ =	sdelay $0x2  }
0x3e: {  	s21 =	sadd.s32 $0x20, s21;
	s22 =	sadd.s32 $0x20, s22  }
.LBB2_2:
0x3f: {  	s23 =	sadd.s32 $0x10, s20;
	v4 =	vld [tilespmem:s21+$0xFFFFFFF0]  }
0x40: {  	v6 =	vld [tilespmem:s22+$0xFFFFFFF0];
	v5 =	vmov s23  }
0x41: {  	vm0 =	vgt.u32 v5, v2;
	_ =	sdelay $0x5  }
0x42: {  	[tilespmem:v4+s15+$0x0] =	vst.idx.add.f32.msk vm0, v0  }
0x43: {  	[tilespmem:v6+s15+$0x0] =	vst.idx.add.f32.msk vm0, v0  }
0x44: {  	v7 =	vld.idx.msk [tilespmem:v4+s16+$0x0], vm0  }
0x45: {  	v5 =	vld.idx.msk [tilespmem:v6+s16+$0x0], vm0;
	_ =	sdelay $0x4  }
0x46: {  	v8 =	vor.u32 v7, v5  }
0x47: {  	vm1 =	vne.s32 v8, $0x0  }
0x48: {  	vm1 =	vmand vm0, vm1  }
0x49: {  	v8 =	vsel vm1, $0x3F800000, v3  }
0x4a: {  	(xrf0) =	vmax.scan.msk.f32 $0xffff, v8;
	_ =	sdelay $0x5  }
0x4b: {  	v8, _, _ =	vpop (xrf0)  }
0x4c: {  	(v2sf) =	vpush v8, $0xF;
	_ =	sdelay $0xe  }
0x4d: {  	s31 =	spop (v2sf)  }
0x4e: {  	p1 =	sgt.f32 s31, $0.0e+00  }
.Ltmp4:
0x4f: {  	_ = 	snop;
	(pc) =	sbr.rel @!p1 .LBB2_4-.Ltmp4, $1  }
0x50: {  	_ =	sdelay $0x3  }
0x51: {  	v8 =	vand.u32 $0x1, v7  }
0x52: {  	vm1 =	veq.s32 v8, $0x1  }
0x53: {  	vm1 =	vmand vm0, vm1  }
0x54: {  	v28 =	vsel vm1, $0x3F800000, v3  }
0x55: {  	(xrf0) =	vmax.scan.msk.f32 $0xffff, v28;
	_ =	sdelay $0x5  }
0x56: {  	v8, _, _ =	vpop (xrf0)  }
0x57: {  	(v2sf) =	vpush v8, $0xF;
	_ =	sdelay $0xe  }
0x58: {  	s23 =	spop (v2sf)  }
0x59: {  	p1 =	sgt.f32 s23, $0.0e+00;
	_ =	sdelay $0x1  }
0x5a: {  	v8 =	vlaneseq.u32 @p1  }
0x5b: {  	v8 =	vor.u32 @p1 $0x19000, v8  }
0x5c: {  	v8 =	vsel @p1 vm1, v6, v8;
	_ =	sdelay $0x3  }
0x5d: {  	v9 =	vand.u32 $0x1, v5;
	s23 =	simm.s32 @p1 $0x7880;
	vm1 =	vmmov @p1 $0xffff  }
0x5e: {  	vm9 =	veq.s32 v9, $0x1;
	[spmem:s2] =	stream.indirect_vreg.scatter.add.f32 @p1 [tilespmem:s23], [sflag:$0x2], $0x1, v8, vm1, $0xb8;
	[tilespmem:$0x9208] =	vst v63  }
0x5f: {  	s23 =	simm.s32 @p1 $0x2;
	vm1 =	vmand vm0, vm9  }
0x60: {  	_ =	swait.ge @p1 [sflag:s23], $0x10;
	v29 =	vsel vm1, $0x3F800000, v3  }
0x61: {  	(xrf0) =	vmax.scan.msk.f32 $0xffff, v29;
	_ =	sdelay $0x5  }
0x62: {  	v8, _, _ =	vpop (xrf0)  }
0x63: {  	(v2sf) =	vpush v8, $0xF;
	_ =	sdelay $0xe  }
0x64: {  	s24 =	spop (v2sf)  }
0x65: {  	p2 =	sgt.f32 s24, $0.0e+00;
	_ =	sdelay $0x1  }
0x66: {  	v8 =	vlaneseq.u32 @p2  }
0x67: {  	v8 =	vor.u32 @p2 $0x19000, v8  }
0x68: {  	v8 =	vsel @p2 vm1, v4, v8;
	_ =	sdelay $0x2  }
0x69: {  	[sflag:s23] =	ssyncset.done @p1 $0x0  }
0x6a: {  	v30 =	vand.u32 $0x2, v7;
	[sflag:s23] =	ssyncadd.s32 @p1 $0xFFFFFFF0;
	s23 =	simm.s32 @p2 $0x7880;
	vm1 =	vmmov @p2 $0xffff  }
0x6b: {  	vm10 =	vne.s32 v30, $0x0;
	[spmem:s2] =	stream.indirect_vreg.scatter.add.f32 @p2 [tilespmem:s23], [sflag:$0x2], $0x1, v8, vm1, $0xb8;
	[tilespmem:$0x9208] =	vst v63  }
0x6c: {  	s23 =	simm.s32 @p2 $0x2;
	vm1 =	vmand vm0, vm10  }
0x6d: {  	_ =	swait.ge @p2 [sflag:s23], $0x10;
	v31 =	vsel vm1, $0x3F800000, v3  }
0x6e: {  	(xrf0) =	vmax.scan.msk.f32 $0xffff, v31;
	_ =	sdelay $0x5  }
0x6f: {  	v8, _, _ =	vpop (xrf0)  }
0x70: {  	(v2sf) =	vpush v8, $0xF;
	_ =	sdelay $0xe  }
0x71: {  	s25 =	spop (v2sf)  }
0x72: {  	p1 =	sgt.f32 s25, $0.0e+00;
	_ =	sdelay $0x1  }
0x73: {  	v8 =	vlaneseq.u32 @p1  }
0x74: {  	v9 =	vadd.s32 @p1 $0x2800, v6;
	v8 =	vor.u32 @p1 $0x19000, v8  }
0x75: {  	v8 =	vsel @p1 vm1, v9, v8;
	_ =	sdelay $0x2  }
0x76: {  	[sflag:s23] =	ssyncset.done @p2 $0x0  }
0x77: {  	v32 =	vand.u32 $0x2, v5;
	[sflag:s23] =	ssyncadd.s32 @p2 $0xFFFFFFF0;
	s23 =	simm.s32 @p1 $0x7880;
	vm1 =	vmmov @p1 $0xffff  }
0x78: {  	vm11 =	vne.s32 v32, $0x0;
	[spmem:s2] =	stream.indirect_vreg.scatter.add.f32 @p1 [tilespmem:s23], [sflag:$0x2], $0x1, v8, vm1, $0xb8;
	[tilespmem:$0x9208] =	vst v63  }
0x79: {  	s23 =	simm.s32 @p1 $0x2;
	vm1 =	vmand vm0, vm11  }
0x7a: {  	_ =	swait.ge @p1 [sflag:s23], $0x10;
	v33 =	vsel vm1, $0x3F800000, v3  }
0x7b: {  	(xrf0) =	vmax.scan.msk.f32 $0xffff, v33;
	_ =	sdelay $0x5  }
0x7c: {  	v8, _, _ =	vpop (xrf0)  }
0x7d: {  	(v2sf) =	vpush v8, $0xF;
	_ =	sdelay $0xe  }
0x7e: {  	s26 =	spop (v2sf)  }
0x7f: {  	p2 =	sgt.f32 s26, $0.0e+00;
	_ =	sdelay $0x1  }
0x80: {  	v8 =	vlaneseq.u32 @p2  }
0x81: {  	v9 =	vadd.s32 @p2 $0x2800, v4;
	v8 =	vor.u32 @p2 $0x19000, v8  }
0x82: {  	v8 =	vsel @p2 vm1, v9, v8;
	_ =	sdelay $0x2  }
0x83: {  	[sflag:s23] =	ssyncset.done @p1 $0x0  }
0x84: {  	v34 =	vand.u32 $0x4, v7;
	[sflag:s23] =	ssyncadd.s32 @p1 $0xFFFFFFF0;
	s23 =	simm.s32 @p2 $0x7880;
	vm1 =	vmmov @p2 $0xffff  }
0x85: {  	vm12 =	vne.s32 v34, $0x0;
	[spmem:s2] =	stream.indirect_vreg.scatter.add.f32 @p2 [tilespmem:s23], [sflag:$0x2], $0x1, v8, vm1, $0xb8;
	[tilespmem:$0x9208] =	vst v63  }
0x86: {  	s23 =	simm.s32 @p2 $0x2;
	vm1 =	vmand vm0, vm12  }
0x87: {  	_ =	swait.ge @p2 [sflag:s23], $0x10;
	v35 =	vsel vm1, $0x3F800000, v3  }
0x88: {  	(xrf0) =	vmax.scan.msk.f32 $0xffff, v35;
	_ =	sdelay $0x5  }
0x89: {  	v8, _, _ =	vpop (xrf0)  }
0x8a: {  	(v2sf) =	vpush v8, $0xF;
	_ =	sdelay $0xe  }
0x8b: {  	s28 =	spop (v2sf)  }
0x8c: {  	p1 =	sgt.f32 s28, $0.0e+00;
	_ =	sdelay $0x1  }
0x8d: {  	v8 =	vlaneseq.u32 @p1  }
0x8e: {  	v9 =	vadd.s32 @p1 $0x5000, v6;
	v8 =	vor.u32 @p1 $0x19000, v8  }
0x8f: {  	v8 =	vsel @p1 vm1, v9, v8;
	_ =	sdelay $0x2  }
0x90: {  	[sflag:s23] =	ssyncset.done @p2 $0x0  }
0x91: {  	v36 =	vand.u32 $0x4, v5;
	[sflag:s23] =	ssyncadd.s32 @p2 $0xFFFFFFF0;
	s23 =	simm.s32 @p1 $0x7880;
	vm1 =	vmmov @p1 $0xffff  }
0x92: {  	vm13 =	vne.s32 v36, $0x0;
	[spmem:s2] =	stream.indirect_vreg.scatter.add.f32 @p1 [tilespmem:s23], [sflag:$0x2], $0x1, v8, vm1, $0xb8;
	[tilespmem:$0x9208] =	vst v63  }
0x93: {  	s23 =	simm.s32 @p1 $0x2;
	vm1 =	vmand vm0, vm13  }
0x94: {  	_ =	swait.ge @p1 [sflag:s23], $0x10;
	v37 =	vsel vm1, $0x3F800000, v3  }
0x95: {  	(xrf0) =	vmax.scan.msk.f32 $0xffff, v37;
	_ =	sdelay $0x5  }
0x96: {  	v8, _, _ =	vpop (xrf0)  }
0x97: {  	(v2sf) =	vpush v8, $0xF;
	_ =	sdelay $0xe  }
0x98: {  	s29 =	spop (v2sf)  }
0x99: {  	p2 =	sgt.f32 s29, $0.0e+00;
	_ =	sdelay $0x1  }
0x9a: {  	v8 =	vlaneseq.u32 @p2  }
0x9b: {  	v9 =	vadd.s32 @p2 $0x5000, v4;
	v8 =	vor.u32 @p2 $0x19000, v8  }
0x9c: {  	v8 =	vsel @p2 vm1, v9, v8;
	_ =	sdelay $0x2  }
0x9d: {  	[sflag:s23] =	ssyncset.done @p1 $0x0  }
0x9e: {  	v38 =	vand.u32 $0x8, v7;
	[sflag:s23] =	ssyncadd.s32 @p1 $0xFFFFFFF0;
	s23 =	simm.s32 @p2 $0x7880;
	vm1 =	vmmov @p2 $0xffff  }
0x9f: {  	vm14 =	vne.s32 v38, $0x0;
	[spmem:s2] =	stream.indirect_vreg.scatter.add.f32 @p2 [tilespmem:s23], [sflag:$0x2], $0x1, v8, vm1, $0xb8;
	[tilespmem:$0x9208] =	vst v63  }
0xa0: {  	s23 =	simm.s32 @p2 $0x2;
	vm1 =	vmand vm0, vm14  }
0xa1: {  	_ =	swait.ge @p2 [sflag:s23], $0x10;
	v39 =	vsel vm1, $0x3F800000, v3  }
0xa2: {  	(xrf0) =	vmax.scan.msk.f32 $0xffff, v39;
	_ =	sdelay $0x5  }
0xa3: {  	v8, _, _ =	vpop (xrf0)  }
0xa4: {  	(v2sf) =	vpush v8, $0xF;
	_ =	sdelay $0xe  }
0xa5: {  	s30 =	spop (v2sf)  }
0xa6: {  	p1 =	sgt.f32 s30, $0.0e+00;
	_ =	sdelay $0x1  }
0xa7: {  	v8 =	vlaneseq.u32 @p1  }
0xa8: {  	v9 =	vadd.s32 @p1 $0x7800, v6;
	v8 =	vor.u32 @p1 $0x19000, v8  }
0xa9: {  	v8 =	vsel @p1 vm1, v9, v8;
	_ =	sdelay $0x2  }
0xaa: {  	[sflag:s23] =	ssyncset.done @p2 $0x0  }
0xab: {  	v40 =	vand.u32 $0x8, v5;
	[sflag:s23] =	ssyncadd.s32 @p2 $0xFFFFFFF0;
	s23 =	simm.s32 @p1 $0x7880;
	vm1 =	vmmov @p1 $0xffff  }
0xac: {  	vm15 =	vne.s32 v40, $0x0;
	[spmem:s2] =	stream.indirect_vreg.scatter.add.f32 @p1 [tilespmem:s23], [sflag:$0x2], $0x1, v8, vm1, $0xb8;
	[tilespmem:$0x9208] =	vst v63  }
0xad: {  	s23 =	simm.s32 @p1 $0x2;
	vm1 =	vmand vm0, vm15  }
0xae: {  	_ =	swait.ge @p1 [sflag:s23], $0x10;
	v41 =	vsel vm1, $0x3F800000, v3  }
0xaf: {  	(xrf0) =	vmax.scan.msk.f32 $0xffff, v41;
	_ =	sdelay $0x5  }
0xb0: {  	v8, _, _ =	vpop (xrf0)  }
0xb1: {  	(v2sf) =	vpush v8, $0xF;
	_ =	sdelay $0xe  }
0xb2: {  	s31 =	spop (v2sf)  }
0xb3: {  	p2 =	sgt.f32 s31, $0.0e+00;
	_ =	sdelay $0x1  }
0xb4: {  	v8 =	vlaneseq.u32 @p2  }
0xb5: {  	v9 =	vadd.s32 @p2 $0x7800, v4;
	v8 =	vor.u32 @p2 $0x19000, v8  }
0xb6: {  	v8 =	vsel @p2 vm1, v9, v8;
	_ =	sdelay $0x2  }
0xb7: {  	[sflag:s23] =	ssyncset.done @p1 $0x0  }
0xb8: {  	v42 =	vand.u32 $0x10, v7;
	[sflag:s23] =	ssyncadd.s32 @p1 $0xFFFFFFF0;
	s23 =	simm.s32 @p2 $0x7880;
	vm1 =	vmmov @p2 $0xffff  }
0xb9: {  	vm4 =	vne.s32 v42, $0x0;
	[spmem:s2] =	stream.indirect_vreg.scatter.add.f32 @p2 [tilespmem:s23], [sflag:$0x2], $0x1, v8, vm1, $0xb8;
	[tilespmem:$0x9208] =	vst v63  }
0xba: {  	s23 =	simm.s32 @p2 $0x2;
	vm1 =	vmand vm0, vm4  }
0xbb: {  	_ =	swait.ge @p2 [sflag:s23], $0x10;
	v43 =	vsel vm1, $0x3F800000, v3  }
0xbc: {  	(xrf0) =	vmax.scan.msk.f32 $0xffff, v43;
	_ =	sdelay $0x5  }
0xbd: {  	v8, _, _ =	vpop (xrf0)  }
0xbe: {  	(v2sf) =	vpush v8, $0xF;
	_ =	sdelay $0xe  }
0xbf: {  	s25 =	spop (v2sf)  }
0xc0: {  	p1 =	sgt.f32 s25, $0.0e+00;
	_ =	sdelay $0x1  }
0xc1: {  	v8 =	vlaneseq.u32 @p1  }
0xc2: {  	v9 =	vadd.s32 @p1 $0xA000, v6;
	v8 =	vor.u32 @p1 $0x19000, v8  }
0xc3: {  	v8 =	vsel @p1 vm1, v9, v8;
	_ =	sdelay $0x2  }
0xc4: {  	[sflag:s23] =	ssyncset.done @p2 $0x0  }
0xc5: {  	v44 =	vand.u32 $0x10, v5;
	[sflag:s23] =	ssyncadd.s32 @p2 $0xFFFFFFF0;
	s23 =	simm.s32 @p1 $0x7880;
	vm1 =	vmmov @p1 $0xffff  }
0xc6: {  	vm5 =	vne.s32 v44, $0x0;
	[spmem:s2] =	stream.indirect_vreg.scatter.add.f32 @p1 [tilespmem:s23], [sflag:$0x2], $0x1, v8, vm1, $0xb8;
	[tilespmem:$0x9208] =	vst v63  }
0xc7: {  	s23 =	simm.s32 @p1 $0x2;
	vm1 =	vmand vm0, vm5  }
0xc8: {  	_ =	swait.ge @p1 [sflag:s23], $0x10;
	v45 =	vsel vm1, $0x3F800000, v3  }
0xc9: {  	(xrf0) =	vmax.scan.msk.f32 $0xffff, v45;
	_ =	sdelay $0x5  }
0xca: {  	v8, _, _ =	vpop (xrf0)  }
0xcb: {  	(v2sf) =	vpush v8, $0xF;
	_ =	sdelay $0xe  }
0xcc: {  	s26 =	spop (v2sf)  }
0xcd: {  	p2 =	sgt.f32 s26, $0.0e+00;
	_ =	sdelay $0x1  }
0xce: {  	v8 =	vlaneseq.u32 @p2  }
0xcf: {  	v9 =	vadd.s32 @p2 $0xA000, v4;
	v8 =	vor.u32 @p2 $0x19000, v8  }
0xd0: {  	v8 =	vsel @p2 vm1, v9, v8;
	_ =	sdelay $0x2  }
0xd1: {  	[sflag:s23] =	ssyncset.done @p1 $0x0  }
0xd2: {  	v46 =	vand.u32 $0x20, v7;
	[sflag:s23] =	ssyncadd.s32 @p1 $0xFFFFFFF0;
	s23 =	simm.s32 @p2 $0x7880;
	vm1 =	vmmov @p2 $0xffff  }
0xd3: {  	vm6 =	vne.s32 v46, $0x0;
	[spmem:s2] =	stream.indirect_vreg.scatter.add.f32 @p2 [tilespmem:s23], [sflag:$0x2], $0x1, v8, vm1, $0xb8;
	[tilespmem:$0x9208] =	vst v63  }
0xd4: {  	s23 =	simm.s32 @p2 $0x2;
	vm1 =	vmand vm0, vm6  }
0xd5: {  	_ =	swait.ge @p2 [sflag:s23], $0x10;
	v47 =	vsel vm1, $0x3F800000, v3  }
0xd6: {  	(xrf0) =	vmax.scan.msk.f32 $0xffff, v47;
	_ =	sdelay $0x5  }
0xd7: {  	v8, _, _ =	vpop (xrf0)  }
0xd8: {  	(v2sf) =	vpush v8, $0xF;
	_ =	sdelay $0xe  }
0xd9: {  	s28 =	spop (v2sf)  }
0xda: {  	p1 =	sgt.f32 s28, $0.0e+00;
	_ =	sdelay $0x1  }
0xdb: {  	v8 =	vlaneseq.u32 @p1  }
0xdc: {  	v9 =	vadd.s32 @p1 $0xC800, v6;
	v8 =	vor.u32 @p1 $0x19000, v8  }
0xdd: {  	v8 =	vsel @p1 vm1, v9, v8;
	_ =	sdelay $0x2  }
0xde: {  	[sflag:s23] =	ssyncset.done @p2 $0x0  }
0xdf: {  	v48 =	vand.u32 $0x20, v5;
	[sflag:s23] =	ssyncadd.s32 @p2 $0xFFFFFFF0;
	s23 =	simm.s32 @p1 $0x7880;
	vm1 =	vmmov @p1 $0xffff  }
0xe0: {  	vm7 =	vne.s32 v48, $0x0;
	[spmem:s2] =	stream.indirect_vreg.scatter.add.f32 @p1 [tilespmem:s23], [sflag:$0x2], $0x1, v8, vm1, $0xb8;
	[tilespmem:$0x9208] =	vst v63  }
0xe1: {  	s23 =	simm.s32 @p1 $0x2;
	vm1 =	vmand vm0, vm7  }
0xe2: {  	_ =	swait.ge @p1 [sflag:s23], $0x10;
	v49 =	vsel vm1, $0x3F800000, v3  }
0xe3: {  	(xrf0) =	vmax.scan.msk.f32 $0xffff, v49;
	_ =	sdelay $0x5  }
0xe4: {  	v8, _, _ =	vpop (xrf0)  }
0xe5: {  	(v2sf) =	vpush v8, $0xF;
	_ =	sdelay $0xe  }
0xe6: {  	s29 =	spop (v2sf)  }
0xe7: {  	p2 =	sgt.f32 s29, $0.0e+00;
	_ =	sdelay $0x1  }
0xe8: {  	v8 =	vlaneseq.u32 @p2  }
0xe9: {  	v9 =	vadd.s32 @p2 $0xC800, v4;
	v8 =	vor.u32 @p2 $0x19000, v8  }
0xea: {  	v8 =	vsel @p2 vm1, v9, v8;
	_ =	sdelay $0x2  }
0xeb: {  	[sflag:s23] =	ssyncset.done @p1 $0x0  }
0xec: {  	v50 =	vand.u32 $0x40, v7;
	[sflag:s23] =	ssyncadd.s32 @p1 $0xFFFFFFF0;
	s23 =	simm.s32 @p2 $0x7880;
	vm1 =	vmmov @p2 $0xffff  }
0xed: {  	vm8 =	vne.s32 v50, $0x0;
	[spmem:s2] =	stream.indirect_vreg.scatter.add.f32 @p2 [tilespmem:s23], [sflag:$0x2], $0x1, v8, vm1, $0xb8;
	[tilespmem:$0x9208] =	vst v63  }
0xee: {  	s23 =	simm.s32 @p2 $0x2;
	vm1 =	vmand vm0, vm8  }
0xef: {  	_ =	swait.ge @p2 [sflag:s23], $0x10;
	v51 =	vsel vm1, $0x3F800000, v3  }
0xf0: {  	(xrf0) =	vmax.scan.msk.f32 $0xffff, v51;
	_ =	sdelay $0x5  }
0xf1: {  	v8, _, _ =	vpop (xrf0)  }
0xf2: {  	(v2sf) =	vpush v8, $0xF;
	_ =	sdelay $0xe  }
0xf3: {  	s30 =	spop (v2sf)  }
0xf4: {  	p1 =	sgt.f32 s30, $0.0e+00;
	_ =	sdelay $0x1  }
0xf5: {  	v8 =	vlaneseq.u32 @p1  }
0xf6: {  	v9 =	vadd.s32 @p1 $0xF000, v6;
	v8 =	vor.u32 @p1 $0x19000, v8  }
0xf7: {  	v8 =	vsel @p1 vm1, v9, v8;
	_ =	sdelay $0x2  }
0xf8: {  	[sflag:s23] =	ssyncset.done @p2 $0x0  }
0xf9: {  	v52 =	vand.u32 $0x40, v5;
	[sflag:s23] =	ssyncadd.s32 @p2 $0xFFFFFFF0;
	s23 =	simm.s32 @p1 $0x7880;
	vm1 =	vmmov @p1 $0xffff  }
0xfa: {  	vm9 =	vne.s32 v52, $0x0;
	[spmem:s2] =	stream.indirect_vreg.scatter.add.f32 @p1 [tilespmem:s23], [sflag:$0x2], $0x1, v8, vm1, $0xb8;
	[tilespmem:$0x9208] =	vst v63  }
0xfb: {  	s23 =	simm.s32 @p1 $0x2;
	vm1 =	vmand vm0, vm9  }
0xfc: {  	_ =	swait.ge @p1 [sflag:s23], $0x10;
	v53 =	vsel vm1, $0x3F800000, v3  }
0xfd: {  	(xrf0) =	vmax.scan.msk.f32 $0xffff, v53;
	_ =	sdelay $0x5  }
0xfe: {  	v8, _, _ =	vpop (xrf0)  }
0xff: {  	(v2sf) =	vpush v8, $0xF;
	_ =	sdelay $0xe  }
0x100: {  	s31 =	spop (v2sf)  }
0x101: {  	p2 =	sgt.f32 s31, $0.0e+00;
	_ =	sdelay $0x1  }
0x102: {  	v8 =	vlaneseq.u32 @p2  }
0x103: {  	v9 =	vadd.s32 @p2 $0xF000, v4;
	v8 =	vor.u32 @p2 $0x19000, v8  }
0x104: {  	v8 =	vsel @p2 vm1, v9, v8;
	_ =	sdelay $0x2  }
0x105: {  	[sflag:s23] =	ssyncset.done @p1 $0x0  }
0x106: {  	v54 =	vand.u32 $0x80, v7;
	[sflag:s23] =	ssyncadd.s32 @p1 $0xFFFFFFF0;
	s23 =	simm.s32 @p2 $0x7880;
	vm1 =	vmmov @p2 $0xffff  }
0x107: {  	vm10 =	vne.s32 v54, $0x0;
	[spmem:s2] =	stream.indirect_vreg.scatter.add.f32 @p2 [tilespmem:s23], [sflag:$0x2], $0x1, v8, vm1, $0xb8;
	[tilespmem:$0x9208] =	vst v63  }
0x108: {  	s23 =	simm.s32 @p2 $0x2;
	vm1 =	vmand vm0, vm10  }
0x109: {  	_ =	swait.ge @p2 [sflag:s23], $0x10;
	v55 =	vsel vm1, $0x3F800000, v3  }
0x10a: {  	(xrf0) =	vmax.scan.msk.f32 $0xffff, v55;
	_ =	sdelay $0x5  }
0x10b: {  	v8, _, _ =	vpop (xrf0)  }
0x10c: {  	(v2sf) =	vpush v8, $0xF;
	_ =	sdelay $0xe  }
0x10d: {  	s25 =	spop (v2sf)  }
0x10e: {  	p1 =	sgt.f32 s25, $0.0e+00;
	_ =	sdelay $0x1  }
0x10f: {  	v8 =	vlaneseq.u32 @p1  }
0x110: {  	v9 =	vadd.s32 @p1 $0x11800, v6;
	v8 =	vor.u32 @p1 $0x19000, v8  }
0x111: {  	v8 =	vsel @p1 vm1, v9, v8;
	_ =	sdelay $0x2  }
0x112: {  	[sflag:s23] =	ssyncset.done @p2 $0x0  }
0x113: {  	v56 =	vand.u32 $0x80, v5;
	[sflag:s23] =	ssyncadd.s32 @p2 $0xFFFFFFF0;
	s23 =	simm.s32 @p1 $0x7880;
	vm1 =	vmmov @p1 $0xffff  }
0x114: {  	vm11 =	vne.s32 v56, $0x0;
	[spmem:s2] =	stream.indirect_vreg.scatter.add.f32 @p1 [tilespmem:s23], [sflag:$0x2], $0x1, v8, vm1, $0xb8;
	[tilespmem:$0x9208] =	vst v63  }
0x115: {  	s23 =	simm.s32 @p1 $0x2;
	vm1 =	vmand vm0, vm11  }
0x116: {  	_ =	swait.ge @p1 [sflag:s23], $0x10;
	v57 =	vsel vm1, $0x3F800000, v3  }
0x117: {  	(xrf0) =	vmax.scan.msk.f32 $0xffff, v57;
	_ =	sdelay $0x5  }
0x118: {  	v8, _, _ =	vpop (xrf0)  }
0x119: {  	(v2sf) =	vpush v8, $0xF;
	_ =	sdelay $0xe  }
0x11a: {  	s26 =	spop (v2sf)  }
0x11b: {  	p2 =	sgt.f32 s26, $0.0e+00;
	_ =	sdelay $0x1  }
0x11c: {  	v8 =	vlaneseq.u32 @p2  }
0x11d: {  	v9 =	vadd.s32 @p2 $0x11800, v4;
	v8 =	vor.u32 @p2 $0x19000, v8  }
0x11e: {  	v8 =	vsel @p2 vm1, v9, v8;
	_ =	sdelay $0x2  }
0x11f: {  	[sflag:s23] =	ssyncset.done @p1 $0x0  }
0x120: {  	v58 =	vand.u32 $0x100, v7;
	[sflag:s23] =	ssyncadd.s32 @p1 $0xFFFFFFF0;
	s23 =	simm.s32 @p2 $0x7880;
	vm1 =	vmmov @p2 $0xffff  }
0x121: {  	vm12 =	vne.s32 v58, $0x0;
	[spmem:s2] =	stream.indirect_vreg.scatter.add.f32 @p2 [tilespmem:s23], [sflag:$0x2], $0x1, v8, vm1, $0xb8;
	[tilespmem:$0x9208] =	vst v63  }
0x122: {  	s23 =	simm.s32 @p2 $0x2;
	vm1 =	vmand vm0, vm12  }
0x123: {  	_ =	swait.ge @p2 [sflag:s23], $0x10;
	v59 =	vsel vm1, $0x3F800000, v3  }
0x124: {  	(xrf0) =	vmax.scan.msk.f32 $0xffff, v59;
	_ =	sdelay $0x5  }
0x125: {  	v8, _, _ =	vpop (xrf0)  }
0x126: {  	(v2sf) =	vpush v8, $0xF;
	_ =	sdelay $0xe  }
0x127: {  	s28 =	spop (v2sf)  }
0x128: {  	p1 =	sgt.f32 s28, $0.0e+00;
	_ =	sdelay $0x1  }
0x129: {  	v8 =	vlaneseq.u32 @p1  }
0x12a: {  	v9 =	vadd.s32 @p1 $0x14000, v6;
	v8 =	vor.u32 @p1 $0x19000, v8  }
0x12b: {  	v8 =	vsel @p1 vm1, v9, v8;
	_ =	sdelay $0x2  }
0x12c: {  	[sflag:s23] =	ssyncset.done @p2 $0x0  }
0x12d: {  	v60 =	vand.u32 $0x100, v5;
	[sflag:s23] =	ssyncadd.s32 @p2 $0xFFFFFFF0;
	s23 =	simm.s32 @p1 $0x7880;
	vm1 =	vmmov @p1 $0xffff  }
0x12e: {  	vm13 =	vne.s32 v60, $0x0;
	[spmem:s2] =	stream.indirect_vreg.scatter.add.f32 @p1 [tilespmem:s23], [sflag:$0x2], $0x1, v8, vm1, $0xb8;
	[tilespmem:$0x9208] =	vst v63  }
0x12f: {  	s23 =	simm.s32 @p1 $0x2;
	vm1 =	vmand vm0, vm13  }
0x130: {  	_ =	swait.ge @p1 [sflag:s23], $0x10;
	v61 =	vsel vm1, $0x3F800000, v3  }
0x131: {  	(xrf0) =	vmax.scan.msk.f32 $0xffff, v61;
	_ =	sdelay $0x5  }
0x132: {  	v8, _, _ =	vpop (xrf0)  }
0x133: {  	(v2sf) =	vpush v8, $0xF;
	_ =	sdelay $0xe  }
0x134: {  	s29 =	spop (v2sf)  }
0x135: {  	p2 =	sgt.f32 s29, $0.0e+00;
	_ =	sdelay $0x1  }
0x136: {  	v8 =	vlaneseq.u32 @p2  }
0x137: {  	v9 =	vadd.s32 @p2 $0x14000, v4;
	v8 =	vor.u32 @p2 $0x19000, v8  }
0x138: {  	v8 =	vsel @p2 vm1, v9, v8;
	_ =	sdelay $0x2  }
0x139: {  	[sflag:s23] =	ssyncset.done @p1 $0x0  }
0x13a: {  	v62 =	vand.u32 $0x200, v7;
	[sflag:s23] =	ssyncadd.s32 @p1 $0xFFFFFFF0;
	s23 =	simm.s32 @p2 $0x7880;
	vm1 =	vmmov @p2 $0xffff  }
0x13b: {  	vm14 =	vne.s32 v62, $0x0;
	[spmem:s2] =	stream.indirect_vreg.scatter.add.f32 @p2 [tilespmem:s23], [sflag:$0x2], $0x1, v8, vm1, $0xb8;
	[tilespmem:$0x9208] =	vst v63  }
0x13c: {  	s23 =	simm.s32 @p2 $0x2;
	vm1 =	vmand vm0, vm14  }
0x13d: {  	_ =	swait.ge @p2 [sflag:s23], $0x10;
	v63 =	vsel vm1, $0x3F800000, v3  }
0x13e: {  	(xrf0) =	vmax.scan.msk.f32 $0xffff, v63;
	_ =	sdelay $0x5  }
0x13f: {  	v7, _, _ =	vpop (xrf0)  }
0x140: {  	(v2sf) =	vpush v7, $0xF;
	_ =	sdelay $0xe  }
0x141: {  	s30 =	spop (v2sf)  }
0x142: {  	p1 =	sgt.f32 s30, $0.0e+00;
	_ =	sdelay $0x1  }
0x143: {  	v7 =	vlaneseq.u32 @p1  }
0x144: {  	v6 =	vadd.s32 @p1 $0x16800, v6;
	v7 =	vor.u32 @p1 $0x19000, v7  }
0x145: {  	v6 =	vsel @p1 vm1, v6, v7;
	_ =	sdelay $0x2  }
0x146: {  	[sflag:s23] =	ssyncset.done @p2 $0x0  }
0x147: {  	v5 =	vand.u32 $0x200, v5;
	[sflag:s23] =	ssyncadd.s32 @p2 $0xFFFFFFF0;
	s23 =	simm.s32 @p1 $0x7880;
	vm1 =	vmmov @p1 $0xffff  }
0x148: {  	vm15 =	vne.s32 v5, $0x0;
	[spmem:s2] =	stream.indirect_vreg.scatter.add.f32 @p1 [tilespmem:s23], [sflag:$0x2], $0x1, v6, vm1, $0xb8;
	[tilespmem:$0x9208] =	vst v63  }
0x149: {  	vm0 =	vmand vm0, vm15;
	s23 =	simm.s32 @p1 $0x2  }
0x14a: {  	v5 =	vsel vm0, $0x3F800000, v3;
	_ =	swait.ge @p1 [sflag:s23], $0x10  }
0x14b: {  	(xrf0) =	vmax.scan.msk.f32 $0xffff, v5;
	_ =	sdelay $0x5  }
0x14c: {  	v5, _, _ =	vpop (xrf0)  }
0x14d: {  	(v2sf) =	vpush v5, $0xF;
	_ =	sdelay $0xe  }
0x14e: {  	s31 =	spop (v2sf)  }
0x14f: {  	p2 =	sgt.f32 s31, $0.0e+00;
	_ =	sdelay $0x1  }
0x150: {  	v5 =	vlaneseq.u32 @p2  }
0x151: {  	v4 =	vadd.s32 @p2 $0x16800, v4;
	v5 =	vor.u32 @p2 $0x19000, v5  }
0x152: {  	v4 =	vsel @p2 vm0, v4, v5;
	_ =	sdelay $0x2  }
0x153: {  	[sflag:s23] =	ssyncset.done @p1 $0x0  }
0x154: {  	[sflag:s23] =	ssyncadd.s32 @p1 $0xFFFFFFF0;
	s23 =	simm.s32 @p2 $0x7880;
	vm0 =	vmmov @p2 $0xffff  }
0x155: {  	[spmem:s2] =	stream.indirect_vreg.scatter.add.f32 @p2 [tilespmem:s23], [sflag:$0x2], $0x1, v4, vm0, $0xb8;
	[tilespmem:$0x9208] =	vst v63  }
0x156: {  	s23 =	simm.s32 @p2 $0x2  }
0x157: {  	_ =	swait.ge @p2 [sflag:s23], $0x10  }
0x158: {  	[sflag:s23] =	ssyncset.done @p2 $0x0  }
0x159: {  	[sflag:s23] =	ssyncadd.s32 @p2 $0xFFFFFFF0  }
.LBB2_4:
0x15a: {  	v4 =	vld [tilespmem:s21+$0x0]  }
0x15b: {  	v5 =	vmov s20;
	v6 =	vld [tilespmem:s22+$0x0]  }
0x15c: {  	vm0 =	vgt.s32 v5, v2;
	_ =	sdelay $0x5  }
0x15d: {  	[tilespmem:v4+s15+$0x0] =	vst.idx.add.f32.msk vm0, v0  }
0x15e: {  	[tilespmem:v6+s15+$0x0] =	vst.idx.add.f32.msk vm0, v0  }
0x15f: {  	v7 =	vld.idx.msk [tilespmem:v4+s16+$0x0], vm0  }
0x160: {  	v5 =	vld.idx.msk [tilespmem:v6+s16+$0x0], vm0;
	_ =	sdelay $0x4  }
0x161: {  	v8 =	vor.u32 v7, v5  }
0x162: {  	vm1 =	vne.s32 v8, $0x0  }
0x163: {  	vm1 =	vmand vm0, vm1  }
0x164: {  	v8 =	vsel vm1, $0x3F800000, v3  }
0x165: {  	(xrf0) =	vmax.scan.msk.f32 $0xffff, v8;
	_ =	sdelay $0x5  }
0x166: {  	v8, _, _ =	vpop (xrf0)  }
0x167: {  	(v2sf) =	vpush v8, $0xF;
	_ =	sdelay $0xe  }
0x168: {  	s23 =	spop (v2sf)  }
0x169: {  	p1 =	sgt.f32 s23, $0.0e+00  }
.Ltmp5:
0x16a: {  	_ = 	snop;
	(pc) =	sbr.rel @!p1 .LBB2_6-.Ltmp5, $1  }
0x16b: {  	_ =	sdelay $0x3  }
0x16c: {  	v8 =	vand.u32 $0x1, v7  }
0x16d: {  	vm1 =	veq.s32 v8, $0x1  }
0x16e: {  	vm1 =	vmand vm0, vm1  }
0x16f: {  	v28 =	vsel vm1, $0x3F800000, v3  }
0x170: {  	(xrf0) =	vmax.scan.msk.f32 $0xffff, v28;
	_ =	sdelay $0x5  }
0x171: {  	v8, _, _ =	vpop (xrf0)  }
0x172: {  	(v2sf) =	vpush v8, $0xF;
	_ =	sdelay $0xe  }
0x173: {  	s23 =	spop (v2sf)  }
0x174: {  	p1 =	sgt.f32 s23, $0.0e+00;
	_ =	sdelay $0x1  }
0x175: {  	v8 =	vlaneseq.u32 @p1  }
0x176: {  	v8 =	vor.u32 @p1 $0x19000, v8  }
0x177: {  	v8 =	vsel @p1 vm1, v6, v8;
	_ =	sdelay $0x3  }
0x178: {  	v9 =	vand.u32 $0x1, v5;
	s23 =	simm.s32 @p1 $0x7880;
	vm1 =	vmmov @p1 $0xffff  }
0x179: {  	vm9 =	veq.s32 v9, $0x1;
	[spmem:s2] =	stream.indirect_vreg.scatter.add.f32 @p1 [tilespmem:s23], [sflag:$0x2], $0x1, v8, vm1, $0xb8;
	[tilespmem:$0x9208] =	vst v63  }
0x17a: {  	s23 =	simm.s32 @p1 $0x2;
	vm1 =	vmand vm0, vm9  }
0x17b: {  	_ =	swait.ge @p1 [sflag:s23], $0x10;
	v29 =	vsel vm1, $0x3F800000, v3  }
0x17c: {  	(xrf0) =	vmax.scan.msk.f32 $0xffff, v29;
	_ =	sdelay $0x5  }
0x17d: {  	v8, _, _ =	vpop (xrf0)  }
0x17e: {  	(v2sf) =	vpush v8, $0xF;
	_ =	sdelay $0xe  }
0x17f: {  	s24 =	spop (v2sf)  }
0x180: {  	p2 =	sgt.f32 s24, $0.0e+00;
	_ =	sdelay $0x1  }
0x181: {  	v8 =	vlaneseq.u32 @p2  }
0x182: {  	v8 =	vor.u32 @p2 $0x19000, v8  }
0x183: {  	v8 =	vsel @p2 vm1, v4, v8;
	_ =	sdelay $0x2  }
0x184: {  	[sflag:s23] =	ssyncset.done @p1 $0x0  }
0x185: {  	v30 =	vand.u32 $0x2, v7;
	[sflag:s23] =	ssyncadd.s32 @p1 $0xFFFFFFF0;
	s23 =	simm.s32 @p2 $0x7880;
	vm1 =	vmmov @p2 $0xffff  }
0x186: {  	vm10 =	vne.s32 v30, $0x0;
	[spmem:s2] =	stream.indirect_vreg.scatter.add.f32 @p2 [tilespmem:s23], [sflag:$0x2], $0x1, v8, vm1, $0xb8;
	[tilespmem:$0x9208] =	vst v63  }
0x187: {  	s23 =	simm.s32 @p2 $0x2;
	vm1 =	vmand vm0, vm10  }
0x188: {  	_ =	swait.ge @p2 [sflag:s23], $0x10;
	v31 =	vsel vm1, $0x3F800000, v3  }
0x189: {  	(xrf0) =	vmax.scan.msk.f32 $0xffff, v31;
	_ =	sdelay $0x5  }
0x18a: {  	v8, _, _ =	vpop (xrf0)  }
0x18b: {  	(v2sf) =	vpush v8, $0xF;
	_ =	sdelay $0xe  }
0x18c: {  	s25 =	spop (v2sf)  }
0x18d: {  	p1 =	sgt.f32 s25, $0.0e+00;
	_ =	sdelay $0x1  }
0x18e: {  	v8 =	vlaneseq.u32 @p1  }
0x18f: {  	v9 =	vadd.s32 @p1 $0x2800, v6;
	v8 =	vor.u32 @p1 $0x19000, v8  }
0x190: {  	v8 =	vsel @p1 vm1, v9, v8;
	_ =	sdelay $0x2  }
0x191: {  	[sflag:s23] =	ssyncset.done @p2 $0x0  }
0x192: {  	v32 =	vand.u32 $0x2, v5;
	[sflag:s23] =	ssyncadd.s32 @p2 $0xFFFFFFF0;
	s23 =	simm.s32 @p1 $0x7880;
	vm1 =	vmmov @p1 $0xffff  }
0x193: {  	vm11 =	vne.s32 v32, $0x0;
	[spmem:s2] =	stream.indirect_vreg.scatter.add.f32 @p1 [tilespmem:s23], [sflag:$0x2], $0x1, v8, vm1, $0xb8;
	[tilespmem:$0x9208] =	vst v63  }
0x194: {  	s23 =	simm.s32 @p1 $0x2;
	vm1 =	vmand vm0, vm11  }
0x195: {  	_ =	swait.ge @p1 [sflag:s23], $0x10;
	v33 =	vsel vm1, $0x3F800000, v3  }
0x196: {  	(xrf0) =	vmax.scan.msk.f32 $0xffff, v33;
	_ =	sdelay $0x5  }
0x197: {  	v8, _, _ =	vpop (xrf0)  }
0x198: {  	(v2sf) =	vpush v8, $0xF;
	_ =	sdelay $0xe  }
0x199: {  	s26 =	spop (v2sf)  }
0x19a: {  	p2 =	sgt.f32 s26, $0.0e+00;
	_ =	sdelay $0x1  }
0x19b: {  	v8 =	vlaneseq.u32 @p2  }
0x19c: {  	v9 =	vadd.s32 @p2 $0x2800, v4;
	v8 =	vor.u32 @p2 $0x19000, v8  }
0x19d: {  	v8 =	vsel @p2 vm1, v9, v8;
	_ =	sdelay $0x2  }
0x19e: {  	[sflag:s23] =	ssyncset.done @p1 $0x0  }
0x19f: {  	v34 =	vand.u32 $0x4, v7;
	[sflag:s23] =	ssyncadd.s32 @p1 $0xFFFFFFF0;
	s23 =	simm.s32 @p2 $0x7880;
	vm1 =	vmmov @p2 $0xffff  }
0x1a0: {  	vm12 =	vne.s32 v34, $0x0;
	[spmem:s2] =	stream.indirect_vreg.scatter.add.f32 @p2 [tilespmem:s23], [sflag:$0x2], $0x1, v8, vm1, $0xb8;
	[tilespmem:$0x9208] =	vst v63  }
0x1a1: {  	s23 =	simm.s32 @p2 $0x2;
	vm1 =	vmand vm0, vm12  }
0x1a2: {  	_ =	swait.ge @p2 [sflag:s23], $0x10;
	v35 =	vsel vm1, $0x3F800000, v3  }
0x1a3: {  	(xrf0) =	vmax.scan.msk.f32 $0xffff, v35;
	_ =	sdelay $0x5  }
0x1a4: {  	v8, _, _ =	vpop (xrf0)  }
0x1a5: {  	(v2sf) =	vpush v8, $0xF;
	_ =	sdelay $0xe  }
0x1a6: {  	s28 =	spop (v2sf)  }
0x1a7: {  	p1 =	sgt.f32 s28, $0.0e+00;
	_ =	sdelay $0x1  }
0x1a8: {  	v8 =	vlaneseq.u32 @p1  }
0x1a9: {  	v9 =	vadd.s32 @p1 $0x5000, v6;
	v8 =	vor.u32 @p1 $0x19000, v8  }
0x1aa: {  	v8 =	vsel @p1 vm1, v9, v8;
	_ =	sdelay $0x2  }
0x1ab: {  	[sflag:s23] =	ssyncset.done @p2 $0x0  }
0x1ac: {  	v36 =	vand.u32 $0x4, v5;
	[sflag:s23] =	ssyncadd.s32 @p2 $0xFFFFFFF0;
	s23 =	simm.s32 @p1 $0x7880;
	vm1 =	vmmov @p1 $0xffff  }
0x1ad: {  	vm13 =	vne.s32 v36, $0x0;
	[spmem:s2] =	stream.indirect_vreg.scatter.add.f32 @p1 [tilespmem:s23], [sflag:$0x2], $0x1, v8, vm1, $0xb8;
	[tilespmem:$0x9208] =	vst v63  }
0x1ae: {  	s23 =	simm.s32 @p1 $0x2;
	vm1 =	vmand vm0, vm13  }
0x1af: {  	_ =	swait.ge @p1 [sflag:s23], $0x10;
	v37 =	vsel vm1, $0x3F800000, v3  }
0x1b0: {  	(xrf0) =	vmax.scan.msk.f32 $0xffff, v37;
	_ =	sdelay $0x5  }
0x1b1: {  	v8, _, _ =	vpop (xrf0)  }
0x1b2: {  	(v2sf) =	vpush v8, $0xF;
	_ =	sdelay $0xe  }
0x1b3: {  	s29 =	spop (v2sf)  }
0x1b4: {  	p2 =	sgt.f32 s29, $0.0e+00;
	_ =	sdelay $0x1  }
0x1b5: {  	v8 =	vlaneseq.u32 @p2  }
0x1b6: {  	v9 =	vadd.s32 @p2 $0x5000, v4;
	v8 =	vor.u32 @p2 $0x19000, v8  }
0x1b7: {  	v8 =	vsel @p2 vm1, v9, v8;
	_ =	sdelay $0x2  }
0x1b8: {  	[sflag:s23] =	ssyncset.done @p1 $0x0  }
0x1b9: {  	v38 =	vand.u32 $0x8, v7;
	[sflag:s23] =	ssyncadd.s32 @p1 $0xFFFFFFF0;
	s23 =	simm.s32 @p2 $0x7880;
	vm1 =	vmmov @p2 $0xffff  }
0x1ba: {  	vm14 =	vne.s32 v38, $0x0;
	[spmem:s2] =	stream.indirect_vreg.scatter.add.f32 @p2 [tilespmem:s23], [sflag:$0x2], $0x1, v8, vm1, $0xb8;
	[tilespmem:$0x9208] =	vst v63  }
0x1bb: {  	s23 =	simm.s32 @p2 $0x2;
	vm1 =	vmand vm0, vm14  }
0x1bc: {  	_ =	swait.ge @p2 [sflag:s23], $0x10;
	v39 =	vsel vm1, $0x3F800000, v3  }
0x1bd: {  	(xrf0) =	vmax.scan.msk.f32 $0xffff, v39;
	_ =	sdelay $0x5  }
0x1be: {  	v8, _, _ =	vpop (xrf0)  }
0x1bf: {  	(v2sf) =	vpush v8, $0xF;
	_ =	sdelay $0xe  }
0x1c0: {  	s30 =	spop (v2sf)  }
0x1c1: {  	p1 =	sgt.f32 s30, $0.0e+00;
	_ =	sdelay $0x1  }
0x1c2: {  	v8 =	vlaneseq.u32 @p1  }
0x1c3: {  	v9 =	vadd.s32 @p1 $0x7800, v6;
	v8 =	vor.u32 @p1 $0x19000, v8  }
0x1c4: {  	v8 =	vsel @p1 vm1, v9, v8;
	_ =	sdelay $0x2  }
0x1c5: {  	[sflag:s23] =	ssyncset.done @p2 $0x0  }
0x1c6: {  	v40 =	vand.u32 $0x8, v5;
	[sflag:s23] =	ssyncadd.s32 @p2 $0xFFFFFFF0;
	s23 =	simm.s32 @p1 $0x7880;
	vm1 =	vmmov @p1 $0xffff  }
0x1c7: {  	vm15 =	vne.s32 v40, $0x0;
	[spmem:s2] =	stream.indirect_vreg.scatter.add.f32 @p1 [tilespmem:s23], [sflag:$0x2], $0x1, v8, vm1, $0xb8;
	[tilespmem:$0x9208] =	vst v63  }
0x1c8: {  	s23 =	simm.s32 @p1 $0x2;
	vm1 =	vmand vm0, vm15  }
0x1c9: {  	_ =	swait.ge @p1 [sflag:s23], $0x10;
	v41 =	vsel vm1, $0x3F800000, v3  }
0x1ca: {  	(xrf0) =	vmax.scan.msk.f32 $0xffff, v41;
	_ =	sdelay $0x5  }
0x1cb: {  	v8, _, _ =	vpop (xrf0)  }
0x1cc: {  	(v2sf) =	vpush v8, $0xF;
	_ =	sdelay $0xe  }
0x1cd: {  	s31 =	spop (v2sf)  }
0x1ce: {  	p2 =	sgt.f32 s31, $0.0e+00;
	_ =	sdelay $0x1  }
0x1cf: {  	v8 =	vlaneseq.u32 @p2  }
0x1d0: {  	v9 =	vadd.s32 @p2 $0x7800, v4;
	v8 =	vor.u32 @p2 $0x19000, v8  }
0x1d1: {  	v8 =	vsel @p2 vm1, v9, v8;
	_ =	sdelay $0x2  }
0x1d2: {  	[sflag:s23] =	ssyncset.done @p1 $0x0  }
0x1d3: {  	v42 =	vand.u32 $0x10, v7;
	[sflag:s23] =	ssyncadd.s32 @p1 $0xFFFFFFF0;
	s23 =	simm.s32 @p2 $0x7880;
	vm1 =	vmmov @p2 $0xffff  }
0x1d4: {  	vm4 =	vne.s32 v42, $0x0;
	[spmem:s2] =	stream.indirect_vreg.scatter.add.f32 @p2 [tilespmem:s23], [sflag:$0x2], $0x1, v8, vm1, $0xb8;
	[tilespmem:$0x9208] =	vst v63  }
0x1d5: {  	s23 =	simm.s32 @p2 $0x2;
	vm1 =	vmand vm0, vm4  }
0x1d6: {  	_ =	swait.ge @p2 [sflag:s23], $0x10;
	v43 =	vsel vm1, $0x3F800000, v3  }
0x1d7: {  	(xrf0) =	vmax.scan.msk.f32 $0xffff, v43;
	_ =	sdelay $0x5  }
0x1d8: {  	v8, _, _ =	vpop (xrf0)  }
0x1d9: {  	(v2sf) =	vpush v8, $0xF;
	_ =	sdelay $0xe  }
0x1da: {  	s25 =	spop (v2sf)  }
0x1db: {  	p1 =	sgt.f32 s25, $0.0e+00;
	_ =	sdelay $0x1  }
0x1dc: {  	v8 =	vlaneseq.u32 @p1  }
0x1dd: {  	v9 =	vadd.s32 @p1 $0xA000, v6;
	v8 =	vor.u32 @p1 $0x19000, v8  }
0x1de: {  	v8 =	vsel @p1 vm1, v9, v8;
	_ =	sdelay $0x2  }
0x1df: {  	[sflag:s23] =	ssyncset.done @p2 $0x0  }
0x1e0: {  	v44 =	vand.u32 $0x10, v5;
	[sflag:s23] =	ssyncadd.s32 @p2 $0xFFFFFFF0;
	s23 =	simm.s32 @p1 $0x7880;
	vm1 =	vmmov @p1 $0xffff  }
0x1e1: {  	vm5 =	vne.s32 v44, $0x0;
	[spmem:s2] =	stream.indirect_vreg.scatter.add.f32 @p1 [tilespmem:s23], [sflag:$0x2], $0x1, v8, vm1, $0xb8;
	[tilespmem:$0x9208] =	vst v63  }
0x1e2: {  	s23 =	simm.s32 @p1 $0x2;
	vm1 =	vmand vm0, vm5  }
0x1e3: {  	_ =	swait.ge @p1 [sflag:s23], $0x10;
	v45 =	vsel vm1, $0x3F800000, v3  }
0x1e4: {  	(xrf0) =	vmax.scan.msk.f32 $0xffff, v45;
	_ =	sdelay $0x5  }
0x1e5: {  	v8, _, _ =	vpop (xrf0)  }
0x1e6: {  	(v2sf) =	vpush v8, $0xF;
	_ =	sdelay $0xe  }
0x1e7: {  	s26 =	spop (v2sf)  }
0x1e8: {  	p2 =	sgt.f32 s26, $0.0e+00;
	_ =	sdelay $0x1  }
0x1e9: {  	v8 =	vlaneseq.u32 @p2  }
0x1ea: {  	v9 =	vadd.s32 @p2 $0xA000, v4;
	v8 =	vor.u32 @p2 $0x19000, v8  }
0x1eb: {  	v8 =	vsel @p2 vm1, v9, v8;
	_ =	sdelay $0x2  }
0x1ec: {  	[sflag:s23] =	ssyncset.done @p1 $0x0  }
0x1ed: {  	v46 =	vand.u32 $0x20, v7;
	[sflag:s23] =	ssyncadd.s32 @p1 $0xFFFFFFF0;
	s23 =	simm.s32 @p2 $0x7880;
	vm1 =	vmmov @p2 $0xffff  }
0x1ee: {  	vm6 =	vne.s32 v46, $0x0;
	[spmem:s2] =	stream.indirect_vreg.scatter.add.f32 @p2 [tilespmem:s23], [sflag:$0x2], $0x1, v8, vm1, $0xb8;
	[tilespmem:$0x9208] =	vst v63  }
0x1ef: {  	s23 =	simm.s32 @p2 $0x2;
	vm1 =	vmand vm0, vm6  }
0x1f0: {  	_ =	swait.ge @p2 [sflag:s23], $0x10;
	v47 =	vsel vm1, $0x3F800000, v3  }
0x1f1: {  	(xrf0) =	vmax.scan.msk.f32 $0xffff, v47;
	_ =	sdelay $0x5  }
0x1f2: {  	v8, _, _ =	vpop (xrf0)  }
0x1f3: {  	(v2sf) =	vpush v8, $0xF;
	_ =	sdelay $0xe  }
0x1f4: {  	s28 =	spop (v2sf)  }
0x1f5: {  	p1 =	sgt.f32 s28, $0.0e+00;
	_ =	sdelay $0x1  }
0x1f6: {  	v8 =	vlaneseq.u32 @p1  }
0x1f7: {  	v9 =	vadd.s32 @p1 $0xC800, v6;
	v8 =	vor.u32 @p1 $0x19000, v8  }
0x1f8: {  	v8 =	vsel @p1 vm1, v9, v8;
	_ =	sdelay $0x2  }
0x1f9: {  	[sflag:s23] =	ssyncset.done @p2 $0x0  }
0x1fa: {  	v48 =	vand.u32 $0x20, v5;
	[sflag:s23] =	ssyncadd.s32 @p2 $0xFFFFFFF0;
	s23 =	simm.s32 @p1 $0x7880;
	vm1 =	vmmov @p1 $0xffff  }
0x1fb: {  	vm7 =	vne.s32 v48, $0x0;
	[spmem:s2] =	stream.indirect_vreg.scatter.add.f32 @p1 [tilespmem:s23], [sflag:$0x2], $0x1, v8, vm1, $0xb8;
	[tilespmem:$0x9208] =	vst v63  }
0x1fc: {  	s23 =	simm.s32 @p1 $0x2;
	vm1 =	vmand vm0, vm7  }
0x1fd: {  	_ =	swait.ge @p1 [sflag:s23], $0x10;
	v49 =	vsel vm1, $0x3F800000, v3  }
0x1fe: {  	(xrf0) =	vmax.scan.msk.f32 $0xffff, v49;
	_ =	sdelay $0x5  }
0x1ff: {  	v8, _, _ =	vpop (xrf0)  }
0x200: {  	(v2sf) =	vpush v8, $0xF;
	_ =	sdelay $0xe  }
0x201: {  	s29 =	spop (v2sf)  }
0x202: {  	p2 =	sgt.f32 s29, $0.0e+00;
	_ =	sdelay $0x1  }
0x203: {  	v8 =	vlaneseq.u32 @p2  }
0x204: {  	v9 =	vadd.s32 @p2 $0xC800, v4;
	v8 =	vor.u32 @p2 $0x19000, v8  }
0x205: {  	v8 =	vsel @p2 vm1, v9, v8;
	_ =	sdelay $0x2  }
0x206: {  	[sflag:s23] =	ssyncset.done @p1 $0x0  }
0x207: {  	v50 =	vand.u32 $0x40, v7;
	[sflag:s23] =	ssyncadd.s32 @p1 $0xFFFFFFF0;
	s23 =	simm.s32 @p2 $0x7880;
	vm1 =	vmmov @p2 $0xffff  }
0x208: {  	vm8 =	vne.s32 v50, $0x0;
	[spmem:s2] =	stream.indirect_vreg.scatter.add.f32 @p2 [tilespmem:s23], [sflag:$0x2], $0x1, v8, vm1, $0xb8;
	[tilespmem:$0x9208] =	vst v63  }
0x209: {  	s23 =	simm.s32 @p2 $0x2;
	vm1 =	vmand vm0, vm8  }
0x20a: {  	_ =	swait.ge @p2 [sflag:s23], $0x10;
	v51 =	vsel vm1, $0x3F800000, v3  }
0x20b: {  	(xrf0) =	vmax.scan.msk.f32 $0xffff, v51;
	_ =	sdelay $0x5  }
0x20c: {  	v8, _, _ =	vpop (xrf0)  }
0x20d: {  	(v2sf) =	vpush v8, $0xF;
	_ =	sdelay $0xe  }
0x20e: {  	s30 =	spop (v2sf)  }
0x20f: {  	p1 =	sgt.f32 s30, $0.0e+00;
	_ =	sdelay $0x1  }
0x210: {  	v8 =	vlaneseq.u32 @p1  }
0x211: {  	v9 =	vadd.s32 @p1 $0xF000, v6;
	v8 =	vor.u32 @p1 $0x19000, v8  }
0x212: {  	v8 =	vsel @p1 vm1, v9, v8;
	_ =	sdelay $0x2  }
0x213: {  	[sflag:s23] =	ssyncset.done @p2 $0x0  }
0x214: {  	v52 =	vand.u32 $0x40, v5;
	[sflag:s23] =	ssyncadd.s32 @p2 $0xFFFFFFF0;
	s23 =	simm.s32 @p1 $0x7880;
	vm1 =	vmmov @p1 $0xffff  }
0x215: {  	vm9 =	vne.s32 v52, $0x0;
	[spmem:s2] =	stream.indirect_vreg.scatter.add.f32 @p1 [tilespmem:s23], [sflag:$0x2], $0x1, v8, vm1, $0xb8;
	[tilespmem:$0x9208] =	vst v63  }
0x216: {  	s23 =	simm.s32 @p1 $0x2;
	vm1 =	vmand vm0, vm9  }
0x217: {  	_ =	swait.ge @p1 [sflag:s23], $0x10;
	v53 =	vsel vm1, $0x3F800000, v3  }
0x218: {  	(xrf0) =	vmax.scan.msk.f32 $0xffff, v53;
	_ =	sdelay $0x5  }
0x219: {  	v8, _, _ =	vpop (xrf0)  }
0x21a: {  	(v2sf) =	vpush v8, $0xF;
	_ =	sdelay $0xe  }
0x21b: {  	s31 =	spop (v2sf)  }
0x21c: {  	p2 =	sgt.f32 s31, $0.0e+00;
	_ =	sdelay $0x1  }
0x21d: {  	v8 =	vlaneseq.u32 @p2  }
0x21e: {  	v9 =	vadd.s32 @p2 $0xF000, v4;
	v8 =	vor.u32 @p2 $0x19000, v8  }
0x21f: {  	v8 =	vsel @p2 vm1, v9, v8;
	_ =	sdelay $0x2  }
0x220: {  	[sflag:s23] =	ssyncset.done @p1 $0x0  }
0x221: {  	v54 =	vand.u32 $0x80, v7;
	[sflag:s23] =	ssyncadd.s32 @p1 $0xFFFFFFF0;
	s23 =	simm.s32 @p2 $0x7880;
	vm1 =	vmmov @p2 $0xffff  }
0x222: {  	vm10 =	vne.s32 v54, $0x0;
	[spmem:s2] =	stream.indirect_vreg.scatter.add.f32 @p2 [tilespmem:s23], [sflag:$0x2], $0x1, v8, vm1, $0xb8;
	[tilespmem:$0x9208] =	vst v63  }
0x223: {  	s23 =	simm.s32 @p2 $0x2;
	vm1 =	vmand vm0, vm10  }
0x224: {  	_ =	swait.ge @p2 [sflag:s23], $0x10;
	v55 =	vsel vm1, $0x3F800000, v3  }
0x225: {  	(xrf0) =	vmax.scan.msk.f32 $0xffff, v55;
	_ =	sdelay $0x5  }
0x226: {  	v8, _, _ =	vpop (xrf0)  }
0x227: {  	(v2sf) =	vpush v8, $0xF;
	_ =	sdelay $0xe  }
0x228: {  	s25 =	spop (v2sf)  }
0x229: {  	p1 =	sgt.f32 s25, $0.0e+00;
	_ =	sdelay $0x1  }
0x22a: {  	v8 =	vlaneseq.u32 @p1  }
0x22b: {  	v9 =	vadd.s32 @p1 $0x11800, v6;
	v8 =	vor.u32 @p1 $0x19000, v8  }
0x22c: {  	v8 =	vsel @p1 vm1, v9, v8;
	_ =	sdelay $0x2  }
0x22d: {  	[sflag:s23] =	ssyncset.done @p2 $0x0  }
0x22e: {  	v56 =	vand.u32 $0x80, v5;
	[sflag:s23] =	ssyncadd.s32 @p2 $0xFFFFFFF0;
	s23 =	simm.s32 @p1 $0x7880;
	vm1 =	vmmov @p1 $0xffff  }
0x22f: {  	vm11 =	vne.s32 v56, $0x0;
	[spmem:s2] =	stream.indirect_vreg.scatter.add.f32 @p1 [tilespmem:s23], [sflag:$0x2], $0x1, v8, vm1, $0xb8;
	[tilespmem:$0x9208] =	vst v63  }
0x230: {  	s23 =	simm.s32 @p1 $0x2;
	vm1 =	vmand vm0, vm11  }
0x231: {  	_ =	swait.ge @p1 [sflag:s23], $0x10;
	v57 =	vsel vm1, $0x3F800000, v3  }
0x232: {  	(xrf0) =	vmax.scan.msk.f32 $0xffff, v57;
	_ =	sdelay $0x5  }
0x233: {  	v8, _, _ =	vpop (xrf0)  }
0x234: {  	(v2sf) =	vpush v8, $0xF;
	_ =	sdelay $0xe  }
0x235: {  	s26 =	spop (v2sf)  }
0x236: {  	p2 =	sgt.f32 s26, $0.0e+00;
	_ =	sdelay $0x1  }
0x237: {  	v8 =	vlaneseq.u32 @p2  }
0x238: {  	v9 =	vadd.s32 @p2 $0x11800, v4;
	v8 =	vor.u32 @p2 $0x19000, v8  }
0x239: {  	v8 =	vsel @p2 vm1, v9, v8;
	_ =	sdelay $0x2  }
0x23a: {  	[sflag:s23] =	ssyncset.done @p1 $0x0  }
0x23b: {  	v58 =	vand.u32 $0x100, v7;
	[sflag:s23] =	ssyncadd.s32 @p1 $0xFFFFFFF0;
	s23 =	simm.s32 @p2 $0x7880;
	vm1 =	vmmov @p2 $0xffff  }
0x23c: {  	vm12 =	vne.s32 v58, $0x0;
	[spmem:s2] =	stream.indirect_vreg.scatter.add.f32 @p2 [tilespmem:s23], [sflag:$0x2], $0x1, v8, vm1, $0xb8;
	[tilespmem:$0x9208] =	vst v63  }
0x23d: {  	s23 =	simm.s32 @p2 $0x2;
	vm1 =	vmand vm0, vm12  }
0x23e: {  	_ =	swait.ge @p2 [sflag:s23], $0x10;
	v59 =	vsel vm1, $0x3F800000, v3  }
0x23f: {  	(xrf0) =	vmax.scan.msk.f32 $0xffff, v59;
	_ =	sdelay $0x5  }
0x240: {  	v8, _, _ =	vpop (xrf0)  }
0x241: {  	(v2sf) =	vpush v8, $0xF;
	_ =	sdelay $0xe  }
0x242: {  	s28 =	spop (v2sf)  }
0x243: {  	p1 =	sgt.f32 s28, $0.0e+00;
	_ =	sdelay $0x1  }
0x244: {  	v8 =	vlaneseq.u32 @p1  }
0x245: {  	v9 =	vadd.s32 @p1 $0x14000, v6;
	v8 =	vor.u32 @p1 $0x19000, v8  }
0x246: {  	v8 =	vsel @p1 vm1, v9, v8;
	_ =	sdelay $0x2  }
0x247: {  	[sflag:s23] =	ssyncset.done @p2 $0x0  }
0x248: {  	v60 =	vand.u32 $0x100, v5;
	[sflag:s23] =	ssyncadd.s32 @p2 $0xFFFFFFF0;
	s23 =	simm.s32 @p1 $0x7880;
	vm1 =	vmmov @p1 $0xffff  }
0x249: {  	vm13 =	vne.s32 v60, $0x0;
	[spmem:s2] =	stream.indirect_vreg.scatter.add.f32 @p1 [tilespmem:s23], [sflag:$0x2], $0x1, v8, vm1, $0xb8;
	[tilespmem:$0x9208] =	vst v63  }
0x24a: {  	s23 =	simm.s32 @p1 $0x2;
	vm1 =	vmand vm0, vm13  }
0x24b: {  	_ =	swait.ge @p1 [sflag:s23], $0x10;
	v61 =	vsel vm1, $0x3F800000, v3  }
0x24c: {  	(xrf0) =	vmax.scan.msk.f32 $0xffff, v61;
	_ =	sdelay $0x5  }
0x24d: {  	v8, _, _ =	vpop (xrf0)  }
0x24e: {  	(v2sf) =	vpush v8, $0xF;
	_ =	sdelay $0xe  }
0x24f: {  	s29 =	spop (v2sf)  }
0x250: {  	p2 =	sgt.f32 s29, $0.0e+00;
	_ =	sdelay $0x1  }
0x251: {  	v8 =	vlaneseq.u32 @p2  }
0x252: {  	v9 =	vadd.s32 @p2 $0x14000, v4;
	v8 =	vor.u32 @p2 $0x19000, v8  }
0x253: {  	v8 =	vsel @p2 vm1, v9, v8;
	_ =	sdelay $0x2  }
0x254: {  	[sflag:s23] =	ssyncset.done @p1 $0x0  }
0x255: {  	v62 =	vand.u32 $0x200, v7;
	[sflag:s23] =	ssyncadd.s32 @p1 $0xFFFFFFF0;
	s23 =	simm.s32 @p2 $0x7880;
	vm1 =	vmmov @p2 $0xffff  }
0x256: {  	vm14 =	vne.s32 v62, $0x0;
	[spmem:s2] =	stream.indirect_vreg.scatter.add.f32 @p2 [tilespmem:s23], [sflag:$0x2], $0x1, v8, vm1, $0xb8;
	[tilespmem:$0x9208] =	vst v63  }
0x257: {  	s23 =	simm.s32 @p2 $0x2;
	vm1 =	vmand vm0, vm14  }
0x258: {  	_ =	swait.ge @p2 [sflag:s23], $0x10;
	v63 =	vsel vm1, $0x3F800000, v3  }
0x259: {  	(xrf0) =	vmax.scan.msk.f32 $0xffff, v63;
	_ =	sdelay $0x5  }
0x25a: {  	v7, _, _ =	vpop (xrf0)  }
0x25b: {  	(v2sf) =	vpush v7, $0xF;
	_ =	sdelay $0xe  }
0x25c: {  	s30 =	spop (v2sf)  }
0x25d: {  	p1 =	sgt.f32 s30, $0.0e+00;
	_ =	sdelay $0x1  }
0x25e: {  	v7 =	vlaneseq.u32 @p1  }
0x25f: {  	v6 =	vadd.s32 @p1 $0x16800, v6;
	v7 =	vor.u32 @p1 $0x19000, v7  }
0x260: {  	v6 =	vsel @p1 vm1, v6, v7;
	_ =	sdelay $0x2  }
0x261: {  	[sflag:s23] =	ssyncset.done @p2 $0x0  }
0x262: {  	v5 =	vand.u32 $0x200, v5;
	[sflag:s23] =	ssyncadd.s32 @p2 $0xFFFFFFF0;
	s23 =	simm.s32 @p1 $0x7880;
	vm1 =	vmmov @p1 $0xffff  }
0x263: {  	vm15 =	vne.s32 v5, $0x0;
	[spmem:s2] =	stream.indirect_vreg.scatter.add.f32 @p1 [tilespmem:s23], [sflag:$0x2], $0x1, v6, vm1, $0xb8;
	[tilespmem:$0x9208] =	vst v63  }
0x264: {  	vm0 =	vmand vm0, vm15;
	s23 =	simm.s32 @p1 $0x2  }
0x265: {  	v5 =	vsel vm0, $0x3F800000, v3;
	_ =	swait.ge @p1 [sflag:s23], $0x10  }
0x266: {  	(xrf0) =	vmax.scan.msk.f32 $0xffff, v5;
	_ =	sdelay $0x5  }
0x267: {  	v5, _, _ =	vpop (xrf0)  }
0x268: {  	(v2sf) =	vpush v5, $0xF;
	_ =	sdelay $0xe  }
0x269: {  	s31 =	spop (v2sf)  }
0x26a: {  	p2 =	sgt.f32 s31, $0.0e+00;
	_ =	sdelay $0x1  }
0x26b: {  	v5 =	vlaneseq.u32 @p2  }
0x26c: {  	v4 =	vadd.s32 @p2 $0x16800, v4;
	v5 =	vor.u32 @p2 $0x19000, v5  }
0x26d: {  	v4 =	vsel @p2 vm0, v4, v5;
	_ =	sdelay $0x2  }
0x26e: {  	[sflag:s23] =	ssyncset.done @p1 $0x0  }
0x26f: {  	[sflag:s23] =	ssyncadd.s32 @p1 $0xFFFFFFF0;
	s23 =	simm.s32 @p2 $0x7880;
	vm0 =	vmmov @p2 $0xffff  }
0x270: {  	[spmem:s2] =	stream.indirect_vreg.scatter.add.f32 @p2 [tilespmem:s23], [sflag:$0x1], $0x1, v4, vm0, $0xb8;
	[tilespmem:$0x9208] =	vst v63  }
.Ltmp6:
0x271: {  	_ = 	snop;
	(pc) =	sbr.rel .LBB2_6-.Ltmp6, $4  }
0x272: {  	s23 =	simm.s32 @p2 $0x1  }
0x273: {  	_ =	swait.ge @p2 [sflag:s23], $0x10  }
0x274: {  	[sflag:s23] =	ssyncset.done @p2 $0x0  }
0x275: {  	[sflag:s23] =	ssyncadd.s32 @p2 $0xFFFFFFF0  }
.LBB2_8:
0x276: {  	_ =	sfence.sel $0x180000  }
0x277: {  	[bflag:$0x0] =	sbarrier.arrive $0xFFFF  }
0x278: {  	_ =	strace $0x90000047  }
0x279: {  	s0 =	sadd.s32 @!p0 $0x100000, s1;
	[bflag:$0x2] =	sbarrier.arrive $0xFFFF  }
0x27a: {  	[sflag:s0] =	ssyncadd.tile.s32 @!p0 $0x1;
	_ =	shalt  }
.Lfunc_end2:
_tile_overlayer_lowered:
.L_overlay_start_2:
0x27b: {  	(tag) =	ssettag $0x2  }
0x27c: {  	s0 =	rddreg [dreg:$0x0];
	s2 =	stileid.u32  }
0x27d: {  	s1 =	rddreg [dreg:$0x1];
	p0 =	sne.s32 s2, $0x0  }
0x27e: {  	s3 =	rddreg [dreg:$0x2];
	[bflag:$0x3] =	sbarrier.arrive $0xFFFF;
	s2 =	simm.s32 @!p0 $0x1C01  }
0x27f: {  	[timem:s3], [sflag:s2] =	dma.local @!p0 [hbm:s0], s1  }
0x280: {  	s0 =	simm.s32 @!p0 $0x1  }
0x281: {  	_ =	swait.ge @!p0 [sflag:s0], s1  }
0x282: {  	s1 =	ssub.s32 @!p0 $0x0, s1;
	[sflag:s0] =	ssyncset.done @!p0 $0x0  }
0x283: {  	[sflag:s0] =	ssyncadd.s32 @!p0 s1  }
0x284: {  	[bflag:$0x3] =	sbarrier.arrive $0xFFFF  }
0x285: {  	_ =	shalt  }

</sc_bundles>
